<compile_context>
chip_gen: v7x
topology: tpu7x:2x2x1
jax: 0.10.2.dev20260603
libtpu: 0.0.44.dev20260713+nightly
codegen_flags: <defaults>
</compile_context>

<pallas_src>
import functools

import jax
import jax.numpy as jnp
from jax import lax
from jax.experimental import pallas as pl
from jax.experimental.pallas import tpu as pltpu
from jax.experimental.pallas import tpu_sc as plsc

N_NODES = 10000
N_EDGES = 160000
C = 16
KER = 128
EDGE_F = 16

NW = 32
CHUNK = 128
E_PAD = 163840
EPW = E_PAD // NW
KCH = EPW // CHUNK
W_MSG = 48
N_ROWS = 10240
RPT = N_ROWS // 16
B_EDGE = 4096
B_NODE = 1000

@functools.cache
def _make_sc_gather(n_edges):
    epw = n_edges // NW
    kch = epw // CHUNK
    mesh = plsc.VectorSubcoreMesh(
        core_axis_name="c", subcore_axis_name="s",
        num_cores=2, num_subcores=16)

    def body(xcat_hbm, src_hbm, out_hbm, idx_v, rows0, gs0):
        wid = lax.axis_index("s") * 2 + lax.axis_index("c")
        base = wid * epw
        pltpu.sync_copy(src_hbm.at[pl.ds(base, epw)], idx_v)

        def step(j, carry):
            pltpu.async_copy(
                xcat_hbm.at[idx_v.at[pl.ds(j * CHUNK, CHUNK)]], rows0, gs0
            ).wait()
            pltpu.sync_copy(rows0, out_hbm.at[pl.ds(base + j * CHUNK, CHUNK)])
            return carry

        lax.fori_loop(0, kch, step, 0)

    return pl.kernel(
        body,
        out_type=jax.ShapeDtypeStruct((n_edges, 32), jnp.float32),
        mesh=mesh,
        scratch_types=[
            pltpu.VMEM((epw,), jnp.int32),
            pltpu.VMEM((CHUNK, 32), jnp.float32),
            pltpu.SemaphoreType.DMA,
        ],
        compiler_params=pltpu.CompilerParams(use_tc_tiling_on_sc=False),
    )


@functools.cache
def _make_sc_scatter(n_edges):
    epw = n_edges // NW
    kch = epw // CHUNK
    mesh = plsc.VectorSubcoreMesh(
        core_axis_name="c", subcore_axis_name="s",
        num_cores=2, num_subcores=16)

    def body(msg_hbm, dst2_hbm, part_hbm, idx_v, m0, acc_sh):
        cid = lax.axis_index("c")
        sid = lax.axis_index("s")
        wid = sid * 2 + cid

        def zrow(r, carry):
            m0[r, pl.ds(0, 16)] = jnp.zeros((16,), jnp.float32)
            m0[r, pl.ds(16, 16)] = jnp.zeros((16,), jnp.float32)
            m0[r, pl.ds(32, 16)] = jnp.zeros((16,), jnp.float32)
            return carry

        lax.fori_loop(0, CHUNK, zrow, 0)
        for k in range(RPT // CHUNK):
            pltpu.sync_copy(
                m0, acc_sh.at[pl.ds(sid * RPT + k * CHUNK, CHUNK)])
        plsc.subcore_barrier()

        pltpu.sync_copy(dst2_hbm.at[pl.ds(wid * kch, kch)], idx_v)

        def step(j, carry):
            pltpu.sync_copy(
                msg_hbm.at[pl.ds(wid * epw + j * CHUNK, CHUNK)], m0)
            pltpu.sync_copy(m0, acc_sh.at[idx_v.at[j]], add=True)
            return carry

        lax.fori_loop(0, kch, step, 0)
        plsc.subcore_barrier()

        for k in range(RPT // CHUNK):
            row0 = sid * RPT + k * CHUNK
            pltpu.sync_copy(acc_sh.at[pl.ds(row0, CHUNK)], m0)
            pltpu.sync_copy(m0, part_hbm.at[cid, pl.ds(row0, CHUNK)])

    return pl.kernel(
        body,
        out_type=jax.ShapeDtypeStruct((2, N_ROWS, W_MSG), jnp.float32),
        mesh=mesh,
        scratch_types=[
            pltpu.VMEM((kch, CHUNK), jnp.int32),
            pltpu.VMEM((CHUNK, W_MSG), jnp.float32),
            pltpu.VMEM_SHARED((N_ROWS, W_MSG), jnp.float32),
        ],
        compiler_params=pltpu.CompilerParams(use_tc_tiling_on_sc=False),
    )


def _prelu_s(x, a):
    return jnp.where(x >= 0, x, a * x)


def _mlp_body(av1, av2, av3, ea_ref, xs_ref, w1c, w2c, w3c, w4c, r2, sm,
              out_ref):
    ea = ea_ref[...].astype(jnp.bfloat16)
    h = jnp.dot(ea, w1c[...], preferred_element_type=jnp.float32)
    h = jnp.maximum(h, av1[...] * h).astype(jnp.bfloat16)
    h = jnp.dot(h, w2c[...], preferred_element_type=jnp.float32)
    h = jnp.maximum(h, av2[...] * h).astype(jnp.bfloat16)
    h = jnp.dot(h, w3c[...], preferred_element_type=jnp.float32)
    h = jnp.maximum(h, av3[...] * h).astype(jnp.bfloat16)
    h4 = jnp.dot(h, w4c[...], preferred_element_type=jnp.float32)

    xs = xs_ref[...].astype(jnp.bfloat16)
    ab = jnp.dot(xs, r2[...], preferred_element_type=jnp.float32)
    K = C * C
    aa, bb = ab[:, :K], ab[:, K:]
    hr, hi = h4[:, :K], h4[:, K:]
    d = (aa * hr - bb * hi).astype(jnp.bfloat16)
    e = (bb * hr + aa * hi).astype(jnp.bfloat16)
    m_r = jnp.dot(d, sm[...], preferred_element_type=jnp.float32)
    m_i = jnp.dot(e, sm[...], preferred_element_type=jnp.float32)
    ones = jnp.ones((B_EDGE, C), jnp.float32)
    out_ref[...] = jnp.concatenate([m_r, m_i, ones], axis=1)


def _blockdiag(a, b):
    z = jnp.zeros(a.shape, a.dtype)
    return jnp.concatenate(
        [jnp.concatenate([a, z], axis=1), jnp.concatenate([z, b], axis=1)],
        axis=0)


def _run_mlp(edge_attr, xsrc, p, blk_off):
    n_edges = xsrc.shape[0]
    grid = n_edges // B_EDGE
    bf = jnp.bfloat16
    w1c = jnp.concatenate(
        [p["r_W1"], p["i_W1"]], axis=1).astype(bf)
    w2c = _blockdiag(p["r_W2"], p["i_W2"]).astype(bf)
    w3c = _blockdiag(p["r_W3"], p["i_W3"]).astype(bf)
    w4c = _blockdiag(p["r_W4"], p["i_W4"]).astype(bf)
    eye = jnp.eye(C, dtype=jnp.float32)
    R = jnp.repeat(eye, C, axis=1)
    S = jnp.tile(eye, (C, 1))
    r2 = _blockdiag(R, R).astype(bf)
    sm = S.astype(bf)

    def av(l1, l2):
        return jnp.concatenate([jnp.broadcast_to(p[l1], (KER,)),
                                jnp.broadcast_to(p[l2], (KER,))]).reshape(1, 2 * KER)

    full = lambda shape: pl.BlockSpec(shape, lambda i: (0, 0))
    in_specs = [
        full((1, 2 * KER)), full((1, 2 * KER)), full((1, 2 * KER)),
        pl.BlockSpec((B_EDGE, EDGE_F), lambda i: (i + blk_off, 0)),
        pl.BlockSpec((B_EDGE, 32), lambda i: (i, 0)),
        full((EDGE_F, 2 * KER)), full((2 * KER, 2 * KER)),
        full((2 * KER, 2 * KER)), full((2 * KER, 4 * KER)),
        full((32, 4 * KER)), full((2 * KER, C)),
    ]
    return pl.pallas_call(
        _mlp_body,
        grid=(grid,),
        in_specs=in_specs,
        out_specs=pl.BlockSpec((B_EDGE, W_MSG), lambda i: (i, 0)),
        out_shape=jax.ShapeDtypeStruct((n_edges, W_MSG), jnp.float32),
        compiler_params=pltpu.CompilerParams(
            dimension_semantics=("arbitrary",)),
    )(av("r_a1", "i_a1"), av("r_a2", "i_a2"), av("r_a3", "i_a3"),
      edge_attr, xsrc, w1c, w2c, w3c, w4c, r2, sm)


def _fin_body(al_ref, *refs):
    n_part = len(refs) - 8
    parts = refs[:n_part]
    (xr_ref, xi_ref, rroot, iroot, rb, ib, outr_ref, outi_ref) = refs[n_part:]
    s = sum(pr[0] + pr[1] for pr in parts)
    cnt = jnp.maximum(s[:, 32:48], 1.0)
    m_r = s[:, 0:16] / cnt
    m_i = s[:, 16:32] / cnt
    xr = xr_ref[...]
    xi = xi_ref[...]
    rr = jnp.dot(xr, rroot[...], preferred_element_type=jnp.float32)
    ri = jnp.dot(xi, rroot[...], preferred_element_type=jnp.float32)
    ir = jnp.dot(xr, iroot[...], preferred_element_type=jnp.float32)
    ii = jnp.dot(xi, iroot[...], preferred_element_type=jnp.float32)
    o_r = m_r + rr - ii + (rb[...] - ib[...])
    o_i = m_i + ri + ir + (rb[...] + ib[...])
    outr_ref[...] = _prelu_s(o_r, al_ref[0, 0])
    outi_ref[...] = _prelu_s(o_i, al_ref[0, 1])


def _run_fin(alphas, parts, xr, xi, p):
    grid = N_NODES // B_NODE
    full = lambda shape: pl.BlockSpec(shape, lambda i: (0, 0))
    part_spec = pl.BlockSpec((2, B_NODE, W_MSG), lambda i: (0, i, 0))
    return pl.pallas_call(
        _fin_body,
        grid=(grid,),
        in_specs=[pl.BlockSpec(memory_space=pltpu.SMEM)]
        + [part_spec] * len(parts)
        + [
            pl.BlockSpec((B_NODE, C), lambda i: (i, 0)),
            pl.BlockSpec((B_NODE, C), lambda i: (i, 0)),
            full((C, C)),
            full((C, C)),
            full((1, C)),
            full((1, C)),
        ],
        out_specs=[
            pl.BlockSpec((B_NODE, C), lambda i: (i, 0)),
            pl.BlockSpec((B_NODE, C), lambda i: (i, 0)),
        ],
        out_shape=[
            jax.ShapeDtypeStruct((N_NODES, C), jnp.float32),
            jax.ShapeDtypeStruct((N_NODES, C), jnp.float32),
        ],
        compiler_params=pltpu.CompilerParams(
            dimension_semantics=("arbitrary",)),
    )(alphas, *parts, xr, xi, p["r_root"], p["i_root"],
      p["r_bias"].reshape(1, C), p["i_bias"].reshape(1, C))


@jax.jit
def kernel(xr, xi, edge_index, edge_attr, params):
    p = params
    src = edge_index[0]
    dst = edge_index[1]
    pad = E_PAD - N_EDGES
    src_p = jnp.pad(src, (0, pad))
    dst_p = jnp.pad(dst, (0, pad), constant_values=N_NODES)
    ea_p = jnp.pad(edge_attr, ((0, pad), (0, 0)))
    x_cat = jnp.concatenate([xr, xi], axis=1)

    NS = 2
    H = E_PAD // NS
    gather = _make_sc_gather(H)
    scatter = _make_sc_scatter(H)
    dst2 = dst_p.reshape(E_PAD // CHUNK, CHUNK)
    hc = H // CHUNK
    bps = H // B_EDGE

    xsrcs = [gather(x_cat, src_p[k * H:(k + 1) * H]) for k in range(NS)]
    msgs = [_run_mlp(ea_p, xsrcs[k], p, k * bps) for k in range(NS)]
    parts = [scatter(msgs[k], dst2[k * hc:(k + 1) * hc]) for k in range(NS)]

    fin_alphas = jnp.concatenate(
        [p["alpha_r"], p["alpha_i"]]).reshape(1, 2)
    return _run_fin(fin_alphas, parts, xr, xi, p)

# --- scband reference (transcript-rebuilt; emitter-appended) ---
"""Pipeline reference for scband-cvneural-op-kernel-57037165691283 (READ-ONLY COPY).

The authoritative reference and input builder live on the scoring server;
editing this copy changes nothing except your own understanding.
"""

import jax, jax.numpy as jnp
import numpy as np

N_NODES = 10000
N_EDGES = 160000
C = 16
KER = 128
EDGE_F = 16


def _prelu(x, a):
    return jnp.where(x >= 0, x, a * x)


def _edge_mlp(e, p, pre):
    h = e @ p[pre + 'W1'] + p[pre + 'b1']
    h = _prelu(h, p[pre + 'a1'])
    h = h @ p[pre + 'W2'] + p[pre + 'b2']
    h = _prelu(h, p[pre + 'a2'])
    h = h @ p[pre + 'W3'] + p[pre + 'b3']
    h = _prelu(h, p[pre + 'a3'])
    h = h @ p[pre + 'W4'] + p[pre + 'b4']
    return h.reshape(-1, C, C)


def _nnconv(x, src, dst, edge_w, root, bias):
    # message: x_j (src) transformed by per-edge kernel, mean-aggregated at dst
    msg = jnp.einsum('ei,eio->eo', x[src], edge_w)
    agg = jax.ops.segment_sum(msg, dst, num_segments=N_NODES)
    cnt = jax.ops.segment_sum(jnp.ones((msg.shape[0],), x.dtype), dst, num_segments=N_NODES)
    agg = agg / jnp.clip(cnt, 1.0, None)[:, None]
    return agg + x @ root + bias


def _forward(xr, xi, edge_index, edge_attr, params):
    src = edge_index[0]
    dst = edge_index[1]
    w_r = _edge_mlp(edge_attr, params, 'r_')
    w_i = _edge_mlp(edge_attr, params, 'i_')
    rr = _nnconv(xr, src, dst, w_r, params['r_root'], params['r_bias'])
    ri = _nnconv(xi, src, dst, w_r, params['r_root'], params['r_bias'])
    ir = _nnconv(xr, src, dst, w_i, params['i_root'], params['i_bias'])
    ii = _nnconv(xi, src, dst, w_i, params['i_root'], params['i_bias'])
    out_r = _prelu(rr - ii, params['alpha_r'])
    out_i = _prelu(ri + ir, params['alpha_i'])
    return (out_r, out_i)


def setup_inputs(seed: int = 0) -> dict:
    key = jax.random.key(seed)
    ks = jax.random.split(key, 40)
    xr = jax.random.normal(ks[0], (N_NODES, C), jnp.float32)
    xi = jax.random.normal(ks[1], (N_NODES, C), jnp.float32)
    edge_index = jax.random.randint(ks[2], (2, N_EDGES), 0, N_NODES, dtype=jnp.int32)
    edge_attr = jax.random.normal(ks[3], (N_EDGES, EDGE_F), jnp.float32)
    params = {}
    i = 4
    for pre in ('r_', 'i_'):
        dims = [(EDGE_F, KER), (KER, KER), (KER, KER), (KER, C * C)]
        for li, (din, dout) in enumerate(dims, 1):
            params[pre + 'W%d' % li] = jax.random.normal(ks[i], (din, dout), jnp.float32) * (1.0 / np.sqrt(din))
            i += 1
            params[pre + 'b%d' % li] = jnp.zeros((dout,), jnp.float32)
        for li in range(1, 4):
            params[pre + 'a%d' % li] = jnp.full((1,), 0.25, jnp.float32)
        params[pre + 'root'] = jax.random.normal(ks[i], (C, C), jnp.float32) * (1.0 / np.sqrt(C))
        i += 1
        params[pre + 'bias'] = jnp.zeros((C,), jnp.float32)
    params['alpha_r'] = jnp.full((1,), 0.25, jnp.float32)
    params['alpha_i'] = jnp.full((1,), 0.25, jnp.float32)
    return {'xr': xr, 'xi': xi, 'edge_index': edge_index, 'edge_attr': edge_attr, 'params': params}


def reference(xr, xi, edge_index, edge_attr, params):
    return _forward(xr, xi, edge_index, edge_attr, params)

if __name__ == "__main__":
    import jax
    _d = setup_inputs()
    print(jax.jit(kernel)(*tuple(_d.values())))

</pallas_src>

<mosaic_0001>
#map = affine_map<(d0, d1) -> (0, 0)>
#map1 = affine_map<(d0, d1) -> (0)>
module attributes {stable_mosaic.version = 14 : i64} {
  func.func @body(%arg0: i32, %arg1: i32, %arg2: memref<10000x32xf32, #tpu.memory_space<hbm>>, %arg3: memref<81920xi32, #tpu.memory_space<hbm>>, %arg4: memref<81920x32xf32, #tpu.memory_space<hbm>>, %arg5: memref<2560xi32, #tpu.memory_space<vmem>>, %arg6: memref<128x32xf32, #tpu.memory_space<vmem>>, %arg7: memref<!tpu.dma_semaphore, #tpu.memory_space<semaphore_mem>>) attributes {dimension_semantics = [#tpu.dimension_semantics<core_parallel>, #tpu.dimension_semantics<subcore_parallel>], iteration_bounds = array<i64: 2, 16>, scalar_prefetch = 0 : i64, scratch_operands = 3 : i64, tpu.core_type = #tpu.core_type<sc_vector_subcore>, window_params = [{transform_indices = #map}, {transform_indices = #map1}, {transform_indices = #map}]} {
    %mul3A = arith.constant 2 : i32
    %mul3A_0 = arith.muli %arg1, %mul3A : i32
    %add3A = arith.addi %mul3A_0, %arg0 : i32
    %mul3A_1 = arith.constant 2560 : i32
    %mul3A_2 = arith.muli %add3A, %mul3A_1 : i32
    "tpu.region"() ({
      %run_scoped3A = tpu.sem_alloc : memref<!tpu.dma_semaphore, #tpu.memory_space<semaphore_mem>>
      %dma_start3A = tpu.memref_slice %arg3[%mul3A_2] : memref<81920xi32, #tpu.memory_space<hbm>> -> memref<2560xi32, #tpu.memory_space<hbm>>
      %dma_start3A_8 = tpu.memref_slice %arg3[%mul3A_2] : memref<81920xi32, #tpu.memory_space<hbm>> -> memref<2560xi32, #tpu.memory_space<hbm>>
      tpu.enqueue_dma source(%dma_start3A_8 : memref<2560xi32, #tpu.memory_space<hbm>>) target(%arg5 : memref<2560xi32, #tpu.memory_space<vmem>>) target_semaphore(%run_scoped3A : memref<!tpu.dma_semaphore, #tpu.memory_space<semaphore_mem>>)
      %dma_wait3A = tpu.memref_slice %arg3[%mul3A_2] : memref<81920xi32, #tpu.memory_space<hbm>> -> memref<2560xi32, #tpu.memory_space<hbm>>
      %dma_wait3A_9 = tpu.memref_slice %arg3[%mul3A_2] : memref<81920xi32, #tpu.memory_space<hbm>> -> memref<2560xi32, #tpu.memory_space<hbm>>
      tpu.wait_dma2 semaphore(%run_scoped3A : memref<!tpu.dma_semaphore, #tpu.memory_space<semaphore_mem>>) src(%dma_wait3A_9 : memref<2560xi32, #tpu.memory_space<hbm>>) dst(%arg5 : memref<2560xi32, #tpu.memory_space<vmem>>)
      tpu.yield
    }) : () -> ()
    %scan3A = arith.constant 0 : i32
    %scan3A_3 = arith.constant 0 : i32
    %scan3A_4 = arith.constant 20 : i32
    %scan3A_5 = arith.addi %scan3A_3, %scan3A_4 : i32
    %scan3A_6 = arith.constant 1 : i32
    scf.for %scan3A_8 = %scan3A_3 to %scan3A_5 step %scan3A_6  : i32 {
      %mul3A_9 = arith.constant 128 : i32
      %mul3A_10 = arith.muli %scan3A_8, %mul3A_9 : i32
      %dma_start3A = tpu.memref_slice %arg5[%mul3A_10] : memref<2560xi32, #tpu.memory_space<vmem>> -> memref<128xi32, #tpu.memory_space<vmem>>
      %dma_start3A_11 = arith.constant 0 : i32
      %dma_start3A_12 = arith.constant 0 : i32
      %dma_start3A_13 = tpu.memref_slice %arg2[%dma_start3A_11, %dma_start3A_12] : memref<10000x32xf32, #tpu.memory_space<hbm>> -> memref<10000x32xf32, #tpu.memory_space<hbm>>
      tpu.enqueue_indirect_dma source(%dma_start3A_13 : memref<10000x32xf32, #tpu.memory_space<hbm>>) target(%arg6 : memref<128x32xf32, #tpu.memory_space<vmem>>) offsets(%dma_start3A : memref<128xi32, #tpu.memory_space<vmem>>) semaphore(%arg7 : memref<!tpu.dma_semaphore, #tpu.memory_space<semaphore_mem>>)
      %dma_wait3A = tpu.memref_slice %arg5[%mul3A_10] : memref<2560xi32, #tpu.memory_space<vmem>> -> memref<128xi32, #tpu.memory_space<vmem>>
      %dma_wait3A_14 = arith.constant 0 : i32
      %dma_wait3A_15 = arith.constant 0 : i32
      %dma_wait3A_16 = tpu.memref_slice %arg2[%dma_wait3A_14, %dma_wait3A_15] : memref<10000x32xf32, #tpu.memory_space<hbm>> -> memref<10000x32xf32, #tpu.memory_space<hbm>>
      tpu.wait_indirect_dma semaphore(%arg7 : memref<!tpu.dma_semaphore, #tpu.memory_space<semaphore_mem>>) src(%dma_wait3A_16 : memref<10000x32xf32, #tpu.memory_space<hbm>>) dst(%arg6 : memref<128x32xf32, #tpu.memory_space<vmem>>)
      %mul3A_17 = arith.constant 128 : i32
      %mul3A_18 = arith.muli %scan3A_8, %mul3A_17 : i32
      %add3A_19 = arith.addi %mul3A_2, %mul3A_18 : i32
      "tpu.region"() ({
        %run_scoped3A = tpu.sem_alloc : memref<!tpu.dma_semaphore, #tpu.memory_space<semaphore_mem>>
        %dma_start3A_20 = arith.constant 0 : i32
        %dma_start3A_21 = tpu.memref_slice %arg4[%add3A_19, %dma_start3A_20] : memref<81920x32xf32, #tpu.memory_space<hbm>> -> memref<128x32xf32, #tpu.memory_space<hbm>>
        %dma_start3A_22 = arith.constant 0 : i32
        %dma_start3A_23 = tpu.memref_slice %arg4[%add3A_19, %dma_start3A_22] : memref<81920x32xf32, #tpu.memory_space<hbm>> -> memref<128x32xf32, #tpu.memory_space<hbm>>
        tpu.enqueue_dma source(%arg6 : memref<128x32xf32, #tpu.memory_space<vmem>>) target(%dma_start3A_23 : memref<128x32xf32, #tpu.memory_space<hbm>>) target_semaphore(%run_scoped3A : memref<!tpu.dma_semaphore, #tpu.memory_space<semaphore_mem>>)
        %dma_wait3A_24 = arith.constant 0 : i32
        %dma_wait3A_25 = tpu.memref_slice %arg4[%add3A_19, %dma_wait3A_24] : memref<81920x32xf32, #tpu.memory_space<hbm>> -> memref<128x32xf32, #tpu.memory_space<hbm>>
        %dma_wait3A_26 = arith.constant 0 : i32
        %dma_wait3A_27 = tpu.memref_slice %arg4[%add3A_19, %dma_wait3A_26] : memref<81920x32xf32, #tpu.memory_space<hbm>> -> memref<128x32xf32, #tpu.memory_space<hbm>>
        tpu.wait_dma2 semaphore(%run_scoped3A : memref<!tpu.dma_semaphore, #tpu.memory_space<semaphore_mem>>) src(%arg6 : memref<128x32xf32, #tpu.memory_space<vmem>>) dst(%dma_wait3A_27 : memref<128x32xf32, #tpu.memory_space<hbm>>)
        tpu.yield
      }) : () -> ()
    }
    %scan3A_7 = arith.constant 20 : i32
    return
  }
}

#map = affine_map<(d0, d1) -> (0, 0)>
#map1 = affine_map<(d0, d1) -> (0)>
module attributes {stable_mosaic.version = 14 : i64} {
  func.func @body(%arg0: i32, %arg1: i32, %arg2: memref<10000x32xf32, #tpu.memory_space<hbm>>, %arg3: memref<81920xi32, #tpu.memory_space<hbm>>, %arg4: memref<81920x32xf32, #tpu.memory_space<hbm>>, %arg5: memref<2560xi32, #tpu.memory_space<vmem>>, %arg6: memref<128x32xf32, #tpu.memory_space<vmem>>, %arg7: memref<!tpu.dma_semaphore, #tpu.memory_space<semaphore_mem>>) attributes {dimension_semantics = [#tpu.dimension_semantics<core_parallel>, #tpu.dimension_semantics<subcore_parallel>], iteration_bounds = array<i64: 2, 16>, scalar_prefetch = 0 : i64, scratch_operands = 3 : i64, tpu.core_type = #tpu.core_type<sc_vector_subcore>, window_params = [{transform_indices = #map}, {transform_indices = #map1}, {transform_indices = #map}]} {
    %mul3A = arith.constant 2 : i32
    %mul3A_0 = arith.muli %arg1, %mul3A : i32
    %add3A = arith.addi %mul3A_0, %arg0 : i32
    %mul3A_1 = arith.constant 2560 : i32
    %mul3A_2 = arith.muli %add3A, %mul3A_1 : i32
    "tpu.region"() ({
      %run_scoped3A = tpu.sem_alloc : memref<!tpu.dma_semaphore, #tpu.memory_space<semaphore_mem>>
      %dma_start3A = tpu.memref_slice %arg3[%mul3A_2] : memref<81920xi32, #tpu.memory_space<hbm>> -> memref<2560xi32, #tpu.memory_space<hbm>>
      %dma_start3A_8 = tpu.memref_slice %arg3[%mul3A_2] : memref<81920xi32, #tpu.memory_space<hbm>> -> memref<2560xi32, #tpu.memory_space<hbm>>
      tpu.enqueue_dma source(%dma_start3A_8 : memref<2560xi32, #tpu.memory_space<hbm>>) target(%arg5 : memref<2560xi32, #tpu.memory_space<vmem>>) target_semaphore(%run_scoped3A : memref<!tpu.dma_semaphore, #tpu.memory_space<semaphore_mem>>)
      %dma_wait3A = tpu.memref_slice %arg3[%mul3A_2] : memref<81920xi32, #tpu.memory_space<hbm>> -> memref<2560xi32, #tpu.memory_space<hbm>>
      %dma_wait3A_9 = tpu.memref_slice %arg3[%mul3A_2] : memref<81920xi32, #tpu.memory_space<hbm>> -> memref<2560xi32, #tpu.memory_space<hbm>>
      tpu.wait_dma2 semaphore(%run_scoped3A : memref<!tpu.dma_semaphore, #tpu.memory_space<semaphore_mem>>) src(%dma_wait3A_9 : memref<2560xi32, #tpu.memory_space<hbm>>) dst(%arg5 : memref<2560xi32, #tpu.memory_space<vmem>>)
      tpu.yield
    }) : () -> ()
    %scan3A = arith.constant 0 : i32
    %scan3A_3 = arith.constant 0 : i32
    %scan3A_4 = arith.constant 20 : i32
    %scan3A_5 = arith.addi %scan3A_3, %scan3A_4 : i32
    %scan3A_6 = arith.constant 1 : i32
    scf.for %scan3A_8 = %scan3A_3 to %scan3A_5 step %scan3A_6  : i32 {
      %mul3A_9 = arith.constant 128 : i32
      %mul3A_10 = arith.muli %scan3A_8, %mul3A_9 : i32
      %dma_start3A = tpu.memref_slice %arg5[%mul3A_10] : memref<2560xi32, #tpu.memory_space<vmem>> -> memref<128xi32, #tpu.memory_space<vmem>>
      %dma_start3A_11 = arith.constant 0 : i32
      %dma_start3A_12 = arith.constant 0 : i32
      %dma_start3A_13 = tpu.memref_slice %arg2[%dma_start3A_11, %dma_start3A_12] : memref<10000x32xf32, #tpu.memory_space<hbm>> -> memref<10000x32xf32, #tpu.memory_space<hbm>>
      tpu.enqueue_indirect_dma source(%dma_start3A_13 : memref<10000x32xf32, #tpu.memory_space<hbm>>) target(%arg6 : memref<128x32xf32, #tpu.memory_space<vmem>>) offsets(%dma_start3A : memref<128xi32, #tpu.memory_space<vmem>>) semaphore(%arg7 : memref<!tpu.dma_semaphore, #tpu.memory_space<semaphore_mem>>)
      %dma_wait3A = tpu.memref_slice %arg5[%mul3A_10] : memref<2560xi32, #tpu.memory_space<vmem>> -> memref<128xi32, #tpu.memory_space<vmem>>
      %dma_wait3A_14 = arith.constant 0 : i32
      %dma_wait3A_15 = arith.constant 0 : i32
      %dma_wait3A_16 = tpu.memref_slice %arg2[%dma_wait3A_14, %dma_wait3A_15] : memref<10000x32xf32, #tpu.memory_space<hbm>> -> memref<10000x32xf32, #tpu.memory_space<hbm>>
      tpu.wait_indirect_dma semaphore(%arg7 : memref<!tpu.dma_semaphore, #tpu.memory_space<semaphore_mem>>) src(%dma_wait3A_16 : memref<10000x32xf32, #tpu.memory_space<hbm>>) dst(%arg6 : memref<128x32xf32, #tpu.memory_space<vmem>>)
      %mul3A_17 = arith.constant 128 : i32
      %mul3A_18 = arith.muli %scan3A_8, %mul3A_17 : i32
      %add3A_19 = arith.addi %mul3A_2, %mul3A_18 : i32
      "tpu.region"() ({
        %run_scoped3A = tpu.sem_alloc : memref<!tpu.dma_semaphore, #tpu.memory_space<semaphore_mem>>
        %dma_start3A_20 = arith.constant 0 : i32
        %dma_start3A_21 = tpu.memref_slice %arg4[%add3A_19, %dma_start3A_20] : memref<81920x32xf32, #tpu.memory_space<hbm>> -> memref<128x32xf32, #tpu.memory_space<hbm>>
        %dma_start3A_22 = arith.constant 0 : i32
        %dma_start3A_23 = tpu.memref_slice %arg4[%add3A_19, %dma_start3A_22] : memref<81920x32xf32, #tpu.memory_space<hbm>> -> memref<128x32xf32, #tpu.memory_space<hbm>>
        tpu.enqueue_dma source(%arg6 : memref<128x32xf32, #tpu.memory_space<vmem>>) target(%dma_start3A_23 : memref<128x32xf32, #tpu.memory_space<hbm>>) target_semaphore(%run_scoped3A : memref<!tpu.dma_semaphore, #tpu.memory_space<semaphore_mem>>)
        %dma_wait3A_24 = arith.constant 0 : i32
        %dma_wait3A_25 = tpu.memref_slice %arg4[%add3A_19, %dma_wait3A_24] : memref<81920x32xf32, #tpu.memory_space<hbm>> -> memref<128x32xf32, #tpu.memory_space<hbm>>
        %dma_wait3A_26 = arith.constant 0 : i32
        %dma_wait3A_27 = tpu.memref_slice %arg4[%add3A_19, %dma_wait3A_26] : memref<81920x32xf32, #tpu.memory_space<hbm>> -> memref<128x32xf32, #tpu.memory_space<hbm>>
        tpu.wait_dma2 semaphore(%run_scoped3A : memref<!tpu.dma_semaphore, #tpu.memory_space<semaphore_mem>>) src(%arg6 : memref<128x32xf32, #tpu.memory_space<vmem>>) dst(%dma_wait3A_27 : memref<128x32xf32, #tpu.memory_space<hbm>>)
        tpu.yield
      }) : () -> ()
    }
    %scan3A_7 = arith.constant 20 : i32
    return
  }
}

#map = affine_map<(d0, d1) -> (0, 0)>
#map1 = affine_map<(d0, d1) -> (0, 0, 0)>
module attributes {stable_mosaic.version = 14 : i64} {
  func.func @body(%arg0: i32, %arg1: i32, %arg2: memref<81920x48xf32, #tpu.memory_space<hbm>>, %arg3: memref<640x128xi32, #tpu.memory_space<hbm>>, %arg4: memref<2x10240x48xf32, #tpu.memory_space<hbm>>, %arg5: memref<20x128xi32, #tpu.memory_space<vmem>>, %arg6: memref<128x48xf32, #tpu.memory_space<vmem>>, %arg7: memref<10240x48xf32, #tpu.memory_space<vmem_shared>>) attributes {dimension_semantics = [#tpu.dimension_semantics<core_parallel>, #tpu.dimension_semantics<subcore_parallel>], iteration_bounds = array<i64: 2, 16>, scalar_prefetch = 0 : i64, scratch_operands = 3 : i64, tpu.core_type = #tpu.core_type<sc_vector_subcore>, window_params = [{transform_indices = #map}, {transform_indices = #map}, {transform_indices = #map1}]} {
    %mul3A = arith.constant 2 : i32
    %mul3A_0 = arith.muli %arg1, %mul3A : i32
    %add3A = arith.addi %mul3A_0, %arg0 : i32
    %scan3A = arith.constant 0 : i32
    %scan3A_1 = arith.constant 0 : i32
    %scan3A_2 = arith.constant 128 : i32
    %scan3A_3 = arith.addi %scan3A_1, %scan3A_2 : i32
    %scan3A_4 = arith.constant 1 : i32
    scf.for %scan3A_55 = %scan3A_1 to %scan3A_3 step %scan3A_4  : i32 {
      %broadcast_in_dim3A = arith.constant 0.000000e+00 : f32
      %broadcast_in_dim3A_56 = vector.broadcast %broadcast_in_dim3A : f32 to vector<16xf32>
      %swap3A = arith.index_cast %scan3A_55 : i32 to index
      %swap3A_57 = arith.constant 0 : index
      %swap3A_58 = tpu.vector_load %arg6[%swap3A, %swap3A_57] {strides = array<i32>} : memref<128x48xf32, #tpu.memory_space<vmem>>, vector<1x16xf32>,
      %swap3A_59 = vector.shape_cast %swap3A_58 : vector<1x16xf32> to vector<16xf32>
      %swap3A_60 = vector.shape_cast %broadcast_in_dim3A_56 : vector<16xf32> to vector<1x16xf32>
      tpu.vector_store %arg6[%swap3A, %swap3A_57], %swap3A_60 {strides = array<i32>} : memref<128x48xf32, #tpu.memory_space<vmem>>, vector<1x16xf32>,
      %broadcast_in_dim3A_61 = arith.constant 0.000000e+00 : f32
      %broadcast_in_dim3A_62 = vector.broadcast %broadcast_in_dim3A_61 : f32 to vector<16xf32>
      %swap3A_63 = arith.index_cast %scan3A_55 : i32 to index
      %swap3A_64 = arith.constant 16 : index
      %swap3A_65 = tpu.vector_load %arg6[%swap3A_63, %swap3A_64] {strides = array<i32>} : memref<128x48xf32, #tpu.memory_space<vmem>>, vector<1x16xf32>,
      %swap3A_66 = vector.shape_cast %swap3A_65 : vector<1x16xf32> to vector<16xf32>
      %swap3A_67 = vector.shape_cast %broadcast_in_dim3A_62 : vector<16xf32> to vector<1x16xf32>
      tpu.vector_store %arg6[%swap3A_63, %swap3A_64], %swap3A_67 {strides = array<i32>} : memref<128x48xf32, #tpu.memory_space<vmem>>, vector<1x16xf32>,
      %broadcast_in_dim3A_68 = arith.constant 0.000000e+00 : f32
      %broadcast_in_dim3A_69 = vector.broadcast %broadcast_in_dim3A_68 : f32 to vector<16xf32>
      %swap3A_70 = arith.index_cast %scan3A_55 : i32 to index
      %swap3A_71 = arith.constant 32 : index
      %swap3A_72 = tpu.vector_load %arg6[%swap3A_70, %swap3A_71] {strides = array<i32>} : memref<128x48xf32, #tpu.memory_space<vmem>>, vector<1x16xf32>,
      %swap3A_73 = vector.shape_cast %swap3A_72 : vector<1x16xf32> to vector<16xf32>
      %swap3A_74 = vector.shape_cast %broadcast_in_dim3A_69 : vector<16xf32> to vector<1x16xf32>
      tpu.vector_store %arg6[%swap3A_70, %swap3A_71], %swap3A_74 {strides = array<i32>} : memref<128x48xf32, #tpu.memory_space<vmem>>, vector<1x16xf32>,
    }
    %scan3A_5 = arith.constant 128 : i32
    %mul3A_6 = arith.constant 640 : i32
    %mul3A_7 = arith.muli %arg1, %mul3A_6 : i32
    %add3A_8 = arith.constant 0 : i32
    %add3A_9 = arith.addi %mul3A_7, %add3A_8 : i32
    "tpu.region"() ({
      %run_scoped3A = tpu.sem_alloc : memref<!tpu.dma_semaphore, #tpu.memory_space<semaphore_mem>>
      %dma_start3A = arith.constant 0 : i32
      %dma_start3A_55 = tpu.memref_slice %arg7[%add3A_9, %dma_start3A] : memref<10240x48xf32, #tpu.memory_space<vmem_shared>> -> memref<128x48xf32, #tpu.memory_space<vmem_shared>>
      %dma_start3A_56 = arith.constant 0 : i32
      %dma_start3A_57 = tpu.memref_slice %arg7[%add3A_9, %dma_start3A_56] : memref<10240x48xf32, #tpu.memory_space<vmem_shared>> -> memref<128x48xf32, #tpu.memory_space<vmem_shared>>
      tpu.enqueue_dma source(%arg6 : memref<128x48xf32, #tpu.memory_space<vmem>>) target(%dma_start3A_57 : memref<128x48xf32, #tpu.memory_space<vmem_shared>>) target_semaphore(%run_scoped3A : memref<!tpu.dma_semaphore, #tpu.memory_space<semaphore_mem>>)
      %dma_wait3A = arith.constant 0 : i32
      %dma_wait3A_58 = tpu.memref_slice %arg7[%add3A_9, %dma_wait3A] : memref<10240x48xf32, #tpu.memory_space<vmem_shared>> -> memref<128x48xf32, #tpu.memory_space<vmem_shared>>
      %dma_wait3A_59 = arith.constant 0 : i32
      %dma_wait3A_60 = tpu.memref_slice %arg7[%add3A_9, %dma_wait3A_59] : memref<10240x48xf32, #tpu.memory_space<vmem_shared>> -> memref<128x48xf32, #tpu.memory_space<vmem_shared>>
      tpu.wait_dma2 semaphore(%run_scoped3A : memref<!tpu.dma_semaphore, #tpu.memory_space<semaphore_mem>>) src(%arg6 : memref<128x48xf32, #tpu.memory_space<vmem>>) dst(%dma_wait3A_60 : memref<128x48xf32, #tpu.memory_space<vmem_shared>>)
      tpu.yield
    }) : () -> ()
    %mul3A_10 = arith.constant 640 : i32
    %mul3A_11 = arith.muli %arg1, %mul3A_10 : i32
    %add3A_12 = arith.constant 128 : i32
    %add3A_13 = arith.addi %mul3A_11, %add3A_12 : i32
    "tpu.region"() ({
      %run_scoped3A = tpu.sem_alloc : memref<!tpu.dma_semaphore, #tpu.memory_space<semaphore_mem>>
      %dma_start3A = arith.constant 0 : i32
      %dma_start3A_55 = tpu.memref_slice %arg7[%add3A_13, %dma_start3A] : memref<10240x48xf32, #tpu.memory_space<vmem_shared>> -> memref<128x48xf32, #tpu.memory_space<vmem_shared>>
      %dma_start3A_56 = arith.constant 0 : i32
      %dma_start3A_57 = tpu.memref_slice %arg7[%add3A_13, %dma_start3A_56] : memref<10240x48xf32, #tpu.memory_space<vmem_shared>> -> memref<128x48xf32, #tpu.memory_space<vmem_shared>>
      tpu.enqueue_dma source(%arg6 : memref<128x48xf32, #tpu.memory_space<vmem>>) target(%dma_start3A_57 : memref<128x48xf32, #tpu.memory_space<vmem_shared>>) target_semaphore(%run_scoped3A : memref<!tpu.dma_semaphore, #tpu.memory_space<semaphore_mem>>)
      %dma_wait3A = arith.constant 0 : i32
      %dma_wait3A_58 = tpu.memref_slice %arg7[%add3A_13, %dma_wait3A] : memref<10240x48xf32, #tpu.memory_space<vmem_shared>> -> memref<128x48xf32, #tpu.memory_space<vmem_shared>>
      %dma_wait3A_59 = arith.constant 0 : i32
      %dma_wait3A_60 = tpu.memref_slice %arg7[%add3A_13, %dma_wait3A_59] : memref<10240x48xf32, #tpu.memory_space<vmem_shared>> -> memref<128x48xf32, #tpu.memory_space<vmem_shared>>
      tpu.wait_dma2 semaphore(%run_scoped3A : memref<!tpu.dma_semaphore, #tpu.memory_space<semaphore_mem>>) src(%arg6 : memref<128x48xf32, #tpu.memory_space<vmem>>) dst(%dma_wait3A_60 : memref<128x48xf32, #tpu.memory_space<vmem_shared>>)
      tpu.yield
    }) : () -> ()
    %mul3A_14 = arith.constant 640 : i32
    %mul3A_15 = arith.muli %arg1, %mul3A_14 : i32
    %add3A_16 = arith.constant 256 : i32
    %add3A_17 = arith.addi %mul3A_15, %add3A_16 : i32
    "tpu.region"() ({
      %run_scoped3A = tpu.sem_alloc : memref<!tpu.dma_semaphore, #tpu.memory_space<semaphore_mem>>
      %dma_start3A = arith.constant 0 : i32
      %dma_start3A_55 = tpu.memref_slice %arg7[%add3A_17, %dma_start3A] : memref<10240x48xf32, #tpu.memory_space<vmem_shared>> -> memref<128x48xf32, #tpu.memory_space<vmem_shared>>
      %dma_start3A_56 = arith.constant 0 : i32
      %dma_start3A_57 = tpu.memref_slice %arg7[%add3A_17, %dma_start3A_56] : memref<10240x48xf32, #tpu.memory_space<vmem_shared>> -> memref<128x48xf32, #tpu.memory_space<vmem_shared>>
      tpu.enqueue_dma source(%arg6 : memref<128x48xf32, #tpu.memory_space<vmem>>) target(%dma_start3A_57 : memref<128x48xf32, #tpu.memory_space<vmem_shared>>) target_semaphore(%run_scoped3A : memref<!tpu.dma_semaphore, #tpu.memory_space<semaphore_mem>>)
      %dma_wait3A = arith.constant 0 : i32
      %dma_wait3A_58 = tpu.memref_slice %arg7[%add3A_17, %dma_wait3A] : memref<10240x48xf32, #tpu.memory_space<vmem_shared>> -> memref<128x48xf32, #tpu.memory_space<vmem_shared>>
      %dma_wait3A_59 = arith.constant 0 : i32
      %dma_wait3A_60 = tpu.memref_slice %arg7[%add3A_17, %dma_wait3A_59] : memref<10240x48xf32, #tpu.memory_space<vmem_shared>> -> memref<128x48xf32, #tpu.memory_space<vmem_shared>>
      tpu.wait_dma2 semaphore(%run_scoped3A : memref<!tpu.dma_semaphore, #tpu.memory_space<semaphore_mem>>) src(%arg6 : memref<128x48xf32, #tpu.memory_space<vmem>>) dst(%dma_wait3A_60 : memref<128x48xf32, #tpu.memory_space<vmem_shared>>)
      tpu.yield
    }) : () -> ()
    %mul3A_18 = arith.constant 640 : i32
    %mul3A_19 = arith.muli %arg1, %mul3A_18 : i32
    %add3A_20 = arith.constant 384 : i32
    %add3A_21 = arith.addi %mul3A_19, %add3A_20 : i32
    "tpu.region"() ({
      %run_scoped3A = tpu.sem_alloc : memref<!tpu.dma_semaphore, #tpu.memory_space<semaphore_mem>>
      %dma_start3A = arith.constant 0 : i32
      %dma_start3A_55 = tpu.memref_slice %arg7[%add3A_21, %dma_start3A] : memref<10240x48xf32, #tpu.memory_space<vmem_shared>> -> memref<128x48xf32, #tpu.memory_space<vmem_shared>>
      %dma_start3A_56 = arith.constant 0 : i32
      %dma_start3A_57 = tpu.memref_slice %arg7[%add3A_21, %dma_start3A_56] : memref<10240x48xf32, #tpu.memory_space<vmem_shared>> -> memref<128x48xf32, #tpu.memory_space<vmem_shared>>
      tpu.enqueue_dma source(%arg6 : memref<128x48xf32, #tpu.memory_space<vmem>>) target(%dma_start3A_57 : memref<128x48xf32, #tpu.memory_space<vmem_shared>>) target_semaphore(%run_scoped3A : memref<!tpu.dma_semaphore, #tpu.memory_space<semaphore_mem>>)
      %dma_wait3A = arith.constant 0 : i32
      %dma_wait3A_58 = tpu.memref_slice %arg7[%add3A_21, %dma_wait3A] : memref<10240x48xf32, #tpu.memory_space<vmem_shared>> -> memref<128x48xf32, #tpu.memory_space<vmem_shared>>
      %dma_wait3A_59 = arith.constant 0 : i32
      %dma_wait3A_60 = tpu.memref_slice %arg7[%add3A_21, %dma_wait3A_59] : memref<10240x48xf32, #tpu.memory_space<vmem_shared>> -> memref<128x48xf32, #tpu.memory_space<vmem_shared>>
      tpu.wait_dma2 semaphore(%run_scoped3A : memref<!tpu.dma_semaphore, #tpu.memory_space<semaphore_mem>>) src(%arg6 : memref<128x48xf32, #tpu.memory_space<vmem>>) dst(%dma_wait3A_60 : memref<128x48xf32, #tpu.memory_space<vmem_shared>>)
      tpu.yield
    }) : () -> ()
    %mul3A_22 = arith.constant 640 : i32
    %mul3A_23 = arith.muli %arg1, %mul3A_22 : i32
    %add3A_24 = arith.constant 512 : i32
    %add3A_25 = arith.addi %mul3A_23, %add3A_24 : i32
    "tpu.region"() ({
      %run_scoped3A = tpu.sem_alloc : memref<!tpu.dma_semaphore, #tpu.memory_space<semaphore_mem>>
      %dma_start3A = arith.constant 0 : i32
      %dma_start3A_55 = tpu.memref_slice %arg7[%add3A_25, %dma_start3A] : memref<10240x48xf32, #tpu.memory_space<vmem_shared>> -> memref<128x48xf32, #tpu.memory_space<vmem_shared>>
      %dma_start3A_56 = arith.constant 0 : i32
      %dma_start3A_57 = tpu.memref_slice %arg7[%add3A_25, %dma_start3A_56] : memref<10240x48xf32, #tpu.memory_space<vmem_shared>> -> memref<128x48xf32, #tpu.memory_space<vmem_shared>>
      tpu.enqueue_dma source(%arg6 : memref<128x48xf32, #tpu.memory_space<vmem>>) target(%dma_start3A_57 : memref<128x48xf32, #tpu.memory_space<vmem_shared>>) target_semaphore(%run_scoped3A : memref<!tpu.dma_semaphore, #tpu.memory_space<semaphore_mem>>)
      %dma_wait3A = arith.constant 0 : i32
      %dma_wait3A_58 = tpu.memref_slice %arg7[%add3A_25, %dma_wait3A] : memref<10240x48xf32, #tpu.memory_space<vmem_shared>> -> memref<128x48xf32, #tpu.memory_space<vmem_shared>>
      %dma_wait3A_59 = arith.constant 0 : i32
      %dma_wait3A_60 = tpu.memref_slice %arg7[%add3A_25, %dma_wait3A_59] : memref<10240x48xf32, #tpu.memory_space<vmem_shared>> -> memref<128x48xf32, #tpu.memory_space<vmem_shared>>
      tpu.wait_dma2 semaphore(%run_scoped3A : memref<!tpu.dma_semaphore, #tpu.memory_space<semaphore_mem>>) src(%arg6 : memref<128x48xf32, #tpu.memory_space<vmem>>) dst(%dma_wait3A_60 : memref<128x48xf32, #tpu.memory_space<vmem_shared>>)
      tpu.yield
    }) : () -> ()
    %barrier3A = arith.constant 0 : index
    tpu.barrier barrier_id(%barrier3A)
    %mul3A_26 = arith.constant 20 : i32
    %mul3A_27 = arith.muli %add3A, %mul3A_26 : i32
    "tpu.region"() ({
      %run_scoped3A = tpu.sem_alloc : memref<!tpu.dma_semaphore, #tpu.memory_space<semaphore_mem>>
      %dma_start3A = arith.constant 0 : i32
      %dma_start3A_55 = tpu.memref_slice %arg3[%mul3A_27, %dma_start3A] : memref<640x128xi32, #tpu.memory_space<hbm>> -> memref<20x128xi32, #tpu.memory_space<hbm>>
      %dma_start3A_56 = arith.constant 0 : i32
      %dma_start3A_57 = tpu.memref_slice %arg3[%mul3A_27, %dma_start3A_56] : memref<640x128xi32, #tpu.memory_space<hbm>> -> memref<20x128xi32, #tpu.memory_space<hbm>>
      tpu.enqueue_dma source(%dma_start3A_57 : memref<20x128xi32, #tpu.memory_space<hbm>>) target(%arg5 : memref<20x128xi32, #tpu.memory_space<vmem>>) target_semaphore(%run_scoped3A : memref<!tpu.dma_semaphore, #tpu.memory_space<semaphore_mem>>)
      %dma_wait3A = arith.constant 0 : i32
      %dma_wait3A_58 = tpu.memref_slice %arg3[%mul3A_27, %dma_wait3A] : memref<640x128xi32, #tpu.memory_space<hbm>> -> memref<20x128xi32, #tpu.memory_space<hbm>>
      %dma_wait3A_59 = arith.constant 0 : i32
      %dma_wait3A_60 = tpu.memref_slice %arg3[%mul3A_27, %dma_wait3A_59] : memref<640x128xi32, #tpu.memory_space<hbm>> -> memref<20x128xi32, #tpu.memory_space<hbm>>
      tpu.wait_dma2 semaphore(%run_scoped3A : memref<!tpu.dma_semaphore, #tpu.memory_space<semaphore_mem>>) src(%dma_wait3A_60 : memref<20x128xi32, #tpu.memory_space<hbm>>) dst(%arg5 : memref<20x128xi32, #tpu.memory_space<vmem>>)
      tpu.yield
    }) : () -> ()
    %scan3A_28 = arith.constant 0 : i32
    %scan3A_29 = arith.constant 0 : i32
    %scan3A_30 = arith.constant 20 : i32
    %scan3A_31 = arith.addi %scan3A_29, %scan3A_30 : i32
    %scan3A_32 = arith.constant 1 : i32
    scf.for %scan3A_55 = %scan3A_29 to %scan3A_31 step %scan3A_32  : i32 {
      %mul3A_56 = arith.constant 2560 : i32
      %mul3A_57 = arith.muli %add3A, %mul3A_56 : i32
      %mul3A_58 = arith.constant 128 : i32
      %mul3A_59 = arith.muli %scan3A_55, %mul3A_58 : i32
      %add3A_60 = arith.addi %mul3A_57, %mul3A_59 : i32
      "tpu.region"() ({
        %run_scoped3A = tpu.sem_alloc : memref<!tpu.dma_semaphore, #tpu.memory_space<semaphore_mem>>
        %dma_start3A = arith.constant 0 : i32
        %dma_start3A_61 = tpu.memref_slice %arg2[%add3A_60, %dma_start3A] : memref<81920x48xf32, #tpu.memory_space<hbm>> -> memref<128x48xf32, #tpu.memory_space<hbm>>
        %dma_start3A_62 = arith.constant 0 : i32
        %dma_start3A_63 = tpu.memref_slice %arg2[%add3A_60, %dma_start3A_62] : memref<81920x48xf32, #tpu.memory_space<hbm>> -> memref<128x48xf32, #tpu.memory_space<hbm>>
        tpu.enqueue_dma source(%dma_start3A_63 : memref<128x48xf32, #tpu.memory_space<hbm>>) target(%arg6 : memref<128x48xf32, #tpu.memory_space<vmem>>) target_semaphore(%run_scoped3A : memref<!tpu.dma_semaphore, #tpu.memory_space<semaphore_mem>>)
        %dma_wait3A = arith.constant 0 : i32
        %dma_wait3A_64 = tpu.memref_slice %arg2[%add3A_60, %dma_wait3A] : memref<81920x48xf32, #tpu.memory_space<hbm>> -> memref<128x48xf32, #tpu.memory_space<hbm>>
        %dma_wait3A_65 = arith.constant 0 : i32
        %dma_wait3A_66 = tpu.memref_slice %arg2[%add3A_60, %dma_wait3A_65] : memref<81920x48xf32, #tpu.memory_space<hbm>> -> memref<128x48xf32, #tpu.memory_space<hbm>>
        tpu.wait_dma2 semaphore(%run_scoped3A : memref<!tpu.dma_semaphore, #tpu.memory_space<semaphore_mem>>) src(%dma_wait3A_66 : memref<128x48xf32, #tpu.memory_space<hbm>>) dst(%arg6 : memref<128x48xf32, #tpu.memory_space<vmem>>)
        tpu.yield
      }) : () -> ()
      "tpu.region"() ({
        %run_scoped3A = tpu.sem_alloc : memref<!tpu.dma_semaphore, #tpu.memory_space<semaphore_mem>>
        %dma_start3A = arith.constant 0 : i32
        %dma_start3A_61 = tpu.memref_slice %arg5[%scan3A_55, %dma_start3A] : memref<20x128xi32, #tpu.memory_space<vmem>> -> memref<1x128xi32, #tpu.memory_space<vmem>>
        %dma_start3A_62 = tpu.memref_squeeze %dma_start3A_61 : memref<1x128xi32, #tpu.memory_space<vmem>> -> memref<128xi32, #tpu.memory_space<vmem>>
        %dma_start3A_63 = arith.constant 0 : i32
        %dma_start3A_64 = arith.constant 0 : i32
        %dma_start3A_65 = tpu.memref_slice %arg7[%dma_start3A_63, %dma_start3A_64] : memref<10240x48xf32, #tpu.memory_space<vmem_shared>> -> memref<10240x48xf32, #tpu.memory_space<vmem_shared>>
        tpu.enqueue_indirect_dma source(%arg6 : memref<128x48xf32, #tpu.memory_space<vmem>>) target(%dma_start3A_65 : memref<10240x48xf32, #tpu.memory_space<vmem_shared>>) offsets(%dma_start3A_62 : memref<128xi32, #tpu.memory_space<vmem>>) semaphore(%run_scoped3A : memref<!tpu.dma_semaphore, #tpu.memory_space<semaphore_mem>>) {add = true}
        %dma_wait3A = arith.constant 0 : i32
        %dma_wait3A_66 = tpu.memref_slice %arg5[%scan3A_55, %dma_wait3A] : memref<20x128xi32, #tpu.memory_space<vmem>> -> memref<1x128xi32, #tpu.memory_space<vmem>>
        %dma_wait3A_67 = tpu.memref_squeeze %dma_wait3A_66 : memref<1x128xi32, #tpu.memory_space<vmem>> -> memref<128xi32, #tpu.memory_space<vmem>>
        %dma_wait3A_68 = arith.constant 0 : i32
        %dma_wait3A_69 = arith.constant 0 : i32
        %dma_wait3A_70 = tpu.memref_slice %arg7[%dma_wait3A_68, %dma_wait3A_69] : memref<10240x48xf32, #tpu.memory_space<vmem_shared>> -> memref<10240x48xf32, #tpu.memory_space<vmem_shared>>
        tpu.wait_indirect_dma semaphore(%run_scoped3A : memref<!tpu.dma_semaphore, #tpu.memory_space<semaphore_mem>>) src(%arg6 : memref<128x48xf32, #tpu.memory_space<vmem>>) dst(%dma_wait3A_70 : memref<10240x48xf32, #tpu.memory_space<vmem_shared>>)
        tpu.yield
      }) : () -> ()
    }
    %scan3A_33 = arith.constant 20 : i32
    %barrier3A_34 = arith.constant 0 : index
    tpu.barrier barrier_id(%barrier3A_34)
    %mul3A_35 = arith.constant 640 : i32
    %mul3A_36 = arith.muli %arg1, %mul3A_35 : i32
    %add3A_37 = arith.constant 0 : i32
    %add3A_38 = arith.addi %mul3A_36, %add3A_37 : i32
    "tpu.region"() ({
      %run_scoped3A = tpu.sem_alloc : memref<!tpu.dma_semaphore, #tpu.memory_space<semaphore_mem>>
      %dma_start3A = arith.constant 0 : i32
      %dma_start3A_55 = tpu.memref_slice %arg7[%add3A_38, %dma_start3A] : memref<10240x48xf32, #tpu.memory_space<vmem_shared>> -> memref<128x48xf32, #tpu.memory_space<vmem_shared>>
      %dma_start3A_56 = arith.constant 0 : i32
      %dma_start3A_57 = tpu.memref_slice %arg7[%add3A_38, %dma_start3A_56] : memref<10240x48xf32, #tpu.memory_space<vmem_shared>> -> memref<128x48xf32, #tpu.memory_space<vmem_shared>>
      tpu.enqueue_dma source(%dma_start3A_57 : memref<128x48xf32, #tpu.memory_space<vmem_shared>>) target(%arg6 : memref<128x48xf32, #tpu.memory_space<vmem>>) target_semaphore(%run_scoped3A : memref<!tpu.dma_semaphore, #tpu.memory_space<semaphore_mem>>)
      %dma_wait3A = arith.constant 0 : i32
      %dma_wait3A_58 = tpu.memref_slice %arg7[%add3A_38, %dma_wait3A] : memref<10240x48xf32, #tpu.memory_space<vmem_shared>> -> memref<128x48xf32, #tpu.memory_space<vmem_shared>>
      %dma_wait3A_59 = arith.constant 0 : i32
      %dma_wait3A_60 = tpu.memref_slice %arg7[%add3A_38, %dma_wait3A_59] : memref<10240x48xf32, #tpu.memory_space<vmem_shared>> -> memref<128x48xf32, #tpu.memory_space<vmem_shared>>
      tpu.wait_dma2 semaphore(%run_scoped3A : memref<!tpu.dma_semaphore, #tpu.memory_space<semaphore_mem>>) src(%dma_wait3A_60 : memref<128x48xf32, #tpu.memory_space<vmem_shared>>) dst(%arg6 : memref<128x48xf32, #tpu.memory_space<vmem>>)
      tpu.yield
    }) : () -> ()
    "tpu.region"() ({
      %run_scoped3A = tpu.sem_alloc : memref<!tpu.dma_semaphore, #tpu.memory_space<semaphore_mem>>
      %dma_start3A = arith.constant 0 : i32
      %dma_start3A_55 = tpu.memref_slice %arg4[%arg0, %add3A_38, %dma_start3A] : memref<2x10240x48xf32, #tpu.memory_space<hbm>> -> memref<1x128x48xf32, #tpu.memory_space<hbm>>
      %dma_start3A_56 = tpu.memref_squeeze %dma_start3A_55 : memref<1x128x48xf32, #tpu.memory_space<hbm>> -> memref<128x48xf32, #tpu.memory_space<hbm>>
      %dma_start3A_57 = arith.constant 0 : i32
      %dma_start3A_58 = tpu.memref_slice %arg4[%arg0, %add3A_38, %dma_start3A_57] : memref<2x10240x48xf32, #tpu.memory_space<hbm>> -> memref<1x128x48xf32, #tpu.memory_space<hbm>>
      %dma_start3A_59 = tpu.memref_squeeze %dma_start3A_58 : memref<1x128x48xf32, #tpu.memory_space<hbm>> -> memref<128x48xf32, #tpu.memory_space<hbm>>
      tpu.enqueue_dma source(%arg6 : memref<128x48xf32, #tpu.memory_space<vmem>>) target(%dma_start3A_59 : memref<128x48xf32, #tpu.memory_space<hbm>>) target_semaphore(%run_scoped3A : memref<!tpu.dma_semaphore, #tpu.memory_space<semaphore_mem>>)
      %dma_wait3A = arith.constant 0 : i32
      %dma_wait3A_60 = tpu.memref_slice %arg4[%arg0, %add3A_38, %dma_wait3A] : memref<2x10240x48xf32, #tpu.memory_space<hbm>> -> memref<1x128x48xf32, #tpu.memory_space<hbm>>
      %dma_wait3A_61 = tpu.memref_squeeze %dma_wait3A_60 : memref<1x128x48xf32, #tpu.memory_space<hbm>> -> memref<128x48xf32, #tpu.memory_space<hbm>>
      %dma_wait3A_62 = arith.constant 0 : i32
      %dma_wait3A_63 = tpu.memref_slice %arg4[%arg0, %add3A_38, %dma_wait3A_62] : memref<2x10240x48xf32, #tpu.memory_space<hbm>> -> memref<1x128x48xf32, #tpu.memory_space<hbm>>
      %dma_wait3A_64 = tpu.memref_squeeze %dma_wait3A_63 : memref<1x128x48xf32, #tpu.memory_space<hbm>> -> memref<128x48xf32, #tpu.memory_space<hbm>>
      tpu.wait_dma2 semaphore(%run_scoped3A : memref<!tpu.dma_semaphore, #tpu.memory_space<semaphore_mem>>) src(%arg6 : memref<128x48xf32, #tpu.memory_space<vmem>>) dst(%dma_wait3A_64 : memref<128x48xf32, #tpu.memory_space<hbm>>)
      tpu.yield
    }) : () -> ()
    %mul3A_39 = arith.constant 640 : i32
    %mul3A_40 = arith.muli %arg1, %mul3A_39 : i32
    %add3A_41 = arith.constant 128 : i32
    %add3A_42 = arith.addi %mul3A_40, %add3A_41 : i32
    "tpu.region"() ({
      %run_scoped3A = tpu.sem_alloc : memref<!tpu.dma_semaphore, #tpu.memory_space<semaphore_mem>>
      %dma_start3A = arith.constant 0 : i32
      %dma_start3A_55 = tpu.memref_slice %arg7[%add3A_42, %dma_start3A] : memref<10240x48xf32, #tpu.memory_space<vmem_shared>> -> memref<128x48xf32, #tpu.memory_space<vmem_shared>>
      %dma_start3A_56 = arith.constant 0 : i32
      %dma_start3A_57 = tpu.memref_slice %arg7[%add3A_42, %dma_start3A_56] : memref<10240x48xf32, #tpu.memory_space<vmem_shared>> -> memref<128x48xf32, #tpu.memory_space<vmem_shared>>
      tpu.enqueue_dma source(%dma_start3A_57 : memref<128x48xf32, #tpu.memory_space<vmem_shared>>) target(%arg6 : memref<128x48xf32, #tpu.memory_space<vmem>>) target_semaphore(%run_scoped3A : memref<!tpu.dma_semaphore, #tpu.memory_space<semaphore_mem>>)
      %dma_wait3A = arith.constant 0 : i32
      %dma_wait3A_58 = tpu.memref_slice %arg7[%add3A_42, %dma_wait3A] : memref<10240x48xf32, #tpu.memory_space<vmem_shared>> -> memref<128x48xf32, #tpu.memory_space<vmem_shared>>
      %dma_wait3A_59 = arith.constant 0 : i32
      %dma_wait3A_60 = tpu.memref_slice %arg7[%add3A_42, %dma_wait3A_59] : memref<10240x48xf32, #tpu.memory_space<vmem_shared>> -> memref<128x48xf32, #tpu.memory_space<vmem_shared>>
      tpu.wait_dma2 semaphore(%run_scoped3A : memref<!tpu.dma_semaphore, #tpu.memory_space<semaphore_mem>>) src(%dma_wait3A_60 : memref<128x48xf32, #tpu.memory_space<vmem_shared>>) dst(%arg6 : memref<128x48xf32, #tpu.memory_space<vmem>>)
      tpu.yield
    }) : () -> ()
    "tpu.region"() ({
      %run_scoped3A = tpu.sem_alloc : memref<!tpu.dma_semaphore, #tpu.memory_space<semaphore_mem>>
      %dma_start3A = arith.constant 0 : i32
      %dma_start3A_55 = tpu.memref_slice %arg4[%arg0, %add3A_42, %dma_start3A] : memref<2x10240x48xf32, #tpu.memory_space<hbm>> -> memref<1x128x48xf32, #tpu.memory_space<hbm>>
      %dma_start3A_56 = tpu.memref_squeeze %dma_start3A_55 : memref<1x128x48xf32, #tpu.memory_space<hbm>> -> memref<128x48xf32, #tpu.memory_space<hbm>>
      %dma_start3A_57 = arith.constant 0 : i32
      %dma_start3A_58 = tpu.memref_slice %arg4[%arg0, %add3A_42, %dma_start3A_57] : memref<2x10240x48xf32, #tpu.memory_space<hbm>> -> memref<1x128x48xf32, #tpu.memory_space<hbm>>
      %dma_start3A_59 = tpu.memref_squeeze %dma_start3A_58 : memref<1x128x48xf32, #tpu.memory_space<hbm>> -> memref<128x48xf32, #tpu.memory_space<hbm>>
      tpu.enqueue_dma source(%arg6 : memref<128x48xf32, #tpu.memory_space<vmem>>) target(%dma_start3A_59 : memref<128x48xf32, #tpu.memory_space<hbm>>) target_semaphore(%run_scoped3A : memref<!tpu.dma_semaphore, #tpu.memory_space<semaphore_mem>>)
      %dma_wait3A = arith.constant 0 : i32
      %dma_wait3A_60 = tpu.memref_slice %arg4[%arg0, %add3A_42, %dma_wait3A] : memref<2x10240x48xf32, #tpu.memory_space<hbm>> -> memref<1x128x48xf32, #tpu.memory_space<hbm>>
      %dma_wait3A_61 = tpu.memref_squeeze %dma_wait3A_60 : memref<1x128x48xf32, #tpu.memory_space<hbm>> -> memref<128x48xf32, #tpu.memory_space<hbm>>
      %dma_wait3A_62 = arith.constant 0 : i32
      %dma_wait3A_63 = tpu.memref_slice %arg4[%arg0, %add3A_42, %dma_wait3A_62] : memref<2x10240x48xf32, #tpu.memory_space<hbm>> -> memref<1x128x48xf32, #tpu.memory_space<hbm>>
      %dma_wait3A_64 = tpu.memref_squeeze %dma_wait3A_63 : memref<1x128x48xf32, #tpu.memory_space<hbm>> -> memref<128x48xf32, #tpu.memory_space<hbm>>
      tpu.wait_dma2 semaphore(%run_scoped3A : memref<!tpu.dma_semaphore, #tpu.memory_space<semaphore_mem>>) src(%arg6 : memref<128x48xf32, #tpu.memory_space<vmem>>) dst(%dma_wait3A_64 : memref<128x48xf32, #tpu.memory_space<hbm>>)
      tpu.yield
    }) : () -> ()
    %mul3A_43 = arith.constant 640 : i32
    %mul3A_44 = arith.muli %arg1, %mul3A_43 : i32
    %add3A_45 = arith.constant 256 : i32
    %add3A_46 = arith.addi %mul3A_44, %add3A_45 : i32
    "tpu.region"() ({
      %run_scoped3A = tpu.sem_alloc : memref<!tpu.dma_semaphore, #tpu.memory_space<semaphore_mem>>
      %dma_start3A = arith.constant 0 : i32
      %dma_start3A_55 = tpu.memref_slice %arg7[%add3A_46, %dma_start3A] : memref<10240x48xf32, #tpu.memory_space<vmem_shared>> -> memref<128x48xf32, #tpu.memory_space<vmem_shared>>
      %dma_start3A_56 = arith.constant 0 : i32
      %dma_start3A_57 = tpu.memref_slice %arg7[%add3A_46, %dma_start3A_56] : memref<10240x48xf32, #tpu.memory_space<vmem_shared>> -> memref<128x48xf32, #tpu.memory_space<vmem_shared>>
      tpu.enqueue_dma source(%dma_start3A_57 : memref<128x48xf32, #tpu.memory_space<vmem_shared>>) target(%arg6 : memref<128x48xf32, #tpu.memory_space<vmem>>) target_semaphore(%run_scoped3A : memref<!tpu.dma_semaphore, #tpu.memory_space<semaphore_mem>>)
      %dma_wait3A = arith.constant 0 : i32
      %dma_wait3A_58 = tpu.memref_slice %arg7[%add3A_46, %dma_wait3A] : memref<10240x48xf32, #tpu.memory_space<vmem_shared>> -> memref<128x48xf32, #tpu.memory_space<vmem_shared>>
      %dma_wait3A_59 = arith.constant 0 : i32
      %dma_wait3A_60 = tpu.memref_slice %arg7[%add3A_46, %dma_wait3A_59] : memref<10240x48xf32, #tpu.memory_space<vmem_shared>> -> memref<128x48xf32, #tpu.memory_space<vmem_shared>>
      tpu.wait_dma2 semaphore(%run_scoped3A : memref<!tpu.dma_semaphore, #tpu.memory_space<semaphore_mem>>) src(%dma_wait3A_60 : memref<128x48xf32, #tpu.memory_space<vmem_shared>>) dst(%arg6 : memref<128x48xf32, #tpu.memory_space<vmem>>)
      tpu.yield
    }) : () -> ()
    "tpu.region"() ({
      %run_scoped3A = tpu.sem_alloc : memref<!tpu.dma_semaphore, #tpu.memory_space<semaphore_mem>>
      %dma_start3A = arith.constant 0 : i32
      %dma_start3A_55 = tpu.memref_slice %arg4[%arg0, %add3A_46, %dma_start3A] : memref<2x10240x48xf32, #tpu.memory_space<hbm>> -> memref<1x128x48xf32, #tpu.memory_space<hbm>>
      %dma_start3A_56 = tpu.memref_squeeze %dma_start3A_55 : memref<1x128x48xf32, #tpu.memory_space<hbm>> -> memref<128x48xf32, #tpu.memory_space<hbm>>
      %dma_start3A_57 = arith.constant 0 : i32
      %dma_start3A_58 = tpu.memref_slice %arg4[%arg0, %add3A_46, %dma_start3A_57] : memref<2x10240x48xf32, #tpu.memory_space<hbm>> -> memref<1x128x48xf32, #tpu.memory_space<hbm>>
      %dma_start3A_59 = tpu.memref_squeeze %dma_start3A_58 : memref<1x128x48xf32, #tpu.memory_space<hbm>> -> memref<128x48xf32, #tpu.memory_space<hbm>>
      tpu.enqueue_dma source(%arg6 : memref<128x48xf32, #tpu.memory_space<vmem>>) target(%dma_start3A_59 : memref<128x48xf32, #tpu.memory_space<hbm>>) target_semaphore(%run_scoped3A : memref<!tpu.dma_semaphore, #tpu.memory_space<semaphore_mem>>)
      %dma_wait3A = arith.constant 0 : i32
      %dma_wait3A_60 = tpu.memref_slice %arg4[%arg0, %add3A_46, %dma_wait3A] : memref<2x10240x48xf32, #tpu.memory_space<hbm>> -> memref<1x128x48xf32, #tpu.memory_space<hbm>>
      %dma_wait3A_61 = tpu.memref_squeeze %dma_wait3A_60 : memref<1x128x48xf32, #tpu.memory_space<hbm>> -> memref<128x48xf32, #tpu.memory_space<hbm>>
      %dma_wait3A_62 = arith.constant 0 : i32
      %dma_wait3A_63 = tpu.memref_slice %arg4[%arg0, %add3A_46, %dma_wait3A_62] : memref<2x10240x48xf32, #tpu.memory_space<hbm>> -> memref<1x128x48xf32, #tpu.memory_space<hbm>>
      %dma_wait3A_64 = tpu.memref_squeeze %dma_wait3A_63 : memref<1x128x48xf32, #tpu.memory_space<hbm>> -> memref<128x48xf32, #tpu.memory_space<hbm>>
      tpu.wait_dma2 semaphore(%run_scoped3A : memref<!tpu.dma_semaphore, #tpu.memory_space<semaphore_mem>>) src(%arg6 : memref<128x48xf32, #tpu.memory_space<vmem>>) dst(%dma_wait3A_64 : memref<128x48xf32, #tpu.memory_space<hbm>>)
      tpu.yield
    }) : () -> ()
    %mul3A_47 = arith.constant 640 : i32
    %mul3A_48 = arith.muli %arg1, %mul3A_47 : i32
    %add3A_49 = arith.constant 384 : i32
    %add3A_50 = arith.addi %mul3A_48, %add3A_49 : i32
    "tpu.region"() ({
      %run_scoped3A = tpu.sem_alloc : memref<!tpu.dma_semaphore, #tpu.memory_space<semaphore_mem>>
      %dma_start3A = arith.constant 0 : i32
      %dma_start3A_55 = tpu.memref_slice %arg7[%add3A_50, %dma_start3A] : memref<10240x48xf32, #tpu.memory_space<vmem_shared>> -> memref<128x48xf32, #tpu.memory_space<vmem_shared>>
      %dma_start3A_56 = arith.constant 0 : i32
      %dma_start3A_57 = tpu.memref_slice %arg7[%add3A_50, %dma_start3A_56] : memref<10240x48xf32, #tpu.memory_space<vmem_shared>> -> memref<128x48xf32, #tpu.memory_space<vmem_shared>>
      tpu.enqueue_dma source(%dma_start3A_57 : memref<128x48xf32, #tpu.memory_space<vmem_shared>>) target(%arg6 : memref<128x48xf32, #tpu.memory_space<vmem>>) target_semaphore(%run_scoped3A : memref<!tpu.dma_semaphore, #tpu.memory_space<semaphore_mem>>)
      %dma_wait3A = arith.constant 0 : i32
      %dma_wait3A_58 = tpu.memref_slice %arg7[%add3A_50, %dma_wait3A] : memref<10240x48xf32, #tpu.memory_space<vmem_shared>> -> memref<128x48xf32, #tpu.memory_space<vmem_shared>>
      %dma_wait3A_59 = arith.constant 0 : i32
      %dma_wait3A_60 = tpu.memref_slice %arg7[%add3A_50, %dma_wait3A_59] : memref<10240x48xf32, #tpu.memory_space<vmem_shared>> -> memref<128x48xf32, #tpu.memory_space<vmem_shared>>
      tpu.wait_dma2 semaphore(%run_scoped3A : memref<!tpu.dma_semaphore, #tpu.memory_space<semaphore_mem>>) src(%dma_wait3A_60 : memref<128x48xf32, #tpu.memory_space<vmem_shared>>) dst(%arg6 : memref<128x48xf32, #tpu.memory_space<vmem>>)
      tpu.yield
    }) : () -> ()
    "tpu.region"() ({
      %run_scoped3A = tpu.sem_alloc : memref<!tpu.dma_semaphore, #tpu.memory_space<semaphore_mem>>
      %dma_start3A = arith.constant 0 : i32
      %dma_start3A_55 = tpu.memref_slice %arg4[%arg0, %add3A_50, %dma_start3A] : memref<2x10240x48xf32, #tpu.memory_space<hbm>> -> memref<1x128x48xf32, #tpu.memory_space<hbm>>
      %dma_start3A_56 = tpu.memref_squeeze %dma_start3A_55 : memref<1x128x48xf32, #tpu.memory_space<hbm>> -> memref<128x48xf32, #tpu.memory_space<hbm>>
      %dma_start3A_57 = arith.constant 0 : i32
      %dma_start3A_58 = tpu.memref_slice %arg4[%arg0, %add3A_50, %dma_start3A_57] : memref<2x10240x48xf32, #tpu.memory_space<hbm>> -> memref<1x128x48xf32, #tpu.memory_space<hbm>>
      %dma_start3A_59 = tpu.memref_squeeze %dma_start3A_58 : memref<1x128x48xf32, #tpu.memory_space<hbm>> -> memref<128x48xf32, #tpu.memory_space<hbm>>
      tpu.enqueue_dma source(%arg6 : memref<128x48xf32, #tpu.memory_space<vmem>>) target(%dma_start3A_59 : memref<128x48xf32, #tpu.memory_space<hbm>>) target_semaphore(%run_scoped3A : memref<!tpu.dma_semaphore, #tpu.memory_space<semaphore_mem>>)
      %dma_wait3A = arith.constant 0 : i32
      %dma_wait3A_60 = tpu.memref_slice %arg4[%arg0, %add3A_50, %dma_wait3A] : memref<2x10240x48xf32, #tpu.memory_space<hbm>> -> memref<1x128x48xf32, #tpu.memory_space<hbm>>
      %dma_wait3A_61 = tpu.memref_squeeze %dma_wait3A_60 : memref<1x128x48xf32, #tpu.memory_space<hbm>> -> memref<128x48xf32, #tpu.memory_space<hbm>>
      %dma_wait3A_62 = arith.constant 0 : i32
      %dma_wait3A_63 = tpu.memref_slice %arg4[%arg0, %add3A_50, %dma_wait3A_62] : memref<2x10240x48xf32, #tpu.memory_space<hbm>> -> memref<1x128x48xf32, #tpu.memory_space<hbm>>
      %dma_wait3A_64 = tpu.memref_squeeze %dma_wait3A_63 : memref<1x128x48xf32, #tpu.memory_space<hbm>> -> memref<128x48xf32, #tpu.memory_space<hbm>>
      tpu.wait_dma2 semaphore(%run_scoped3A : memref<!tpu.dma_semaphore, #tpu.memory_space<semaphore_mem>>) src(%arg6 : memref<128x48xf32, #tpu.memory_space<vmem>>) dst(%dma_wait3A_64 : memref<128x48xf32, #tpu.memory_space<hbm>>)
      tpu.yield
    }) : () -> ()
    %mul3A_51 = arith.constant 640 : i32
    %mul3A_52 = arith.muli %arg1, %mul3A_51 : i32
    %add3A_53 = arith.constant 512 : i32
    %add3A_54 = arith.addi %mul3A_52, %add3A_53 : i32
    "tpu.region"() ({
      %run_scoped3A = tpu.sem_alloc : memref<!tpu.dma_semaphore, #tpu.memory_space<semaphore_mem>>
      %dma_start3A = arith.constant 0 : i32
      %dma_start3A_55 = tpu.memref_slice %arg7[%add3A_54, %dma_start3A] : memref<10240x48xf32, #tpu.memory_space<vmem_shared>> -> memref<128x48xf32, #tpu.memory_space<vmem_shared>>
      %dma_start3A_56 = arith.constant 0 : i32
      %dma_start3A_57 = tpu.memref_slice %arg7[%add3A_54, %dma_start3A_56] : memref<10240x48xf32, #tpu.memory_space<vmem_shared>> -> memref<128x48xf32, #tpu.memory_space<vmem_shared>>
      tpu.enqueue_dma source(%dma_start3A_57 : memref<128x48xf32, #tpu.memory_space<vmem_shared>>) target(%arg6 : memref<128x48xf32, #tpu.memory_space<vmem>>) target_semaphore(%run_scoped3A : memref<!tpu.dma_semaphore, #tpu.memory_space<semaphore_mem>>)
      %dma_wait3A = arith.constant 0 : i32
      %dma_wait3A_58 = tpu.memref_slice %arg7[%add3A_54, %dma_wait3A] : memref<10240x48xf32, #tpu.memory_space<vmem_shared>> -> memref<128x48xf32, #tpu.memory_space<vmem_shared>>
      %dma_wait3A_59 = arith.constant 0 : i32
      %dma_wait3A_60 = tpu.memref_slice %arg7[%add3A_54, %dma_wait3A_59] : memref<10240x48xf32, #tpu.memory_space<vmem_shared>> -> memref<128x48xf32, #tpu.memory_space<vmem_shared>>
      tpu.wait_dma2 semaphore(%run_scoped3A : memref<!tpu.dma_semaphore, #tpu.memory_space<semaphore_mem>>) src(%dma_wait3A_60 : memref<128x48xf32, #tpu.memory_space<vmem_shared>>) dst(%arg6 : memref<128x48xf32, #tpu.memory_space<vmem>>)
      tpu.yield
    }) : () -> ()
    "tpu.region"() ({
      %run_scoped3A = tpu.sem_alloc : memref<!tpu.dma_semaphore, #tpu.memory_space<semaphore_mem>>
      %dma_start3A = arith.constant 0 : i32
      %dma_start3A_55 = tpu.memref_slice %arg4[%arg0, %add3A_54, %dma_start3A] : memref<2x10240x48xf32, #tpu.memory_space<hbm>> -> memref<1x128x48xf32, #tpu.memory_space<hbm>>
      %dma_start3A_56 = tpu.memref_squeeze %dma_start3A_55 : memref<1x128x48xf32, #tpu.memory_space<hbm>> -> memref<128x48xf32, #tpu.memory_space<hbm>>
      %dma_start3A_57 = arith.constant 0 : i32
      %dma_start3A_58 = tpu.memref_slice %arg4[%arg0, %add3A_54, %dma_start3A_57] : memref<2x10240x48xf32, #tpu.memory_space<hbm>> -> memref<1x128x48xf32, #tpu.memory_space<hbm>>
      %dma_start3A_59 = tpu.memref_squeeze %dma_start3A_58 : memref<1x128x48xf32, #tpu.memory_space<hbm>> -> memref<128x48xf32, #tpu.memory_space<hbm>>
      tpu.enqueue_dma source(%arg6 : memref<128x48xf32, #tpu.memory_space<vmem>>) target(%dma_start3A_59 : memref<128x48xf32, #tpu.memory_space<hbm>>) target_semaphore(%run_scoped3A : memref<!tpu.dma_semaphore, #tpu.memory_space<semaphore_mem>>)
      %dma_wait3A = arith.constant 0 : i32
      %dma_wait3A_60 = tpu.memref_slice %arg4[%arg0, %add3A_54, %dma_wait3A] : memref<2x10240x48xf32, #tpu.memory_space<hbm>> -> memref<1x128x48xf32, #tpu.memory_space<hbm>>
      %dma_wait3A_61 = tpu.memref_squeeze %dma_wait3A_60 : memref<1x128x48xf32, #tpu.memory_space<hbm>> -> memref<128x48xf32, #tpu.memory_space<hbm>>
      %dma_wait3A_62 = arith.constant 0 : i32
      %dma_wait3A_63 = tpu.memref_slice %arg4[%arg0, %add3A_54, %dma_wait3A_62] : memref<2x10240x48xf32, #tpu.memory_space<hbm>> -> memref<1x128x48xf32, #tpu.memory_space<hbm>>
      %dma_wait3A_64 = tpu.memref_squeeze %dma_wait3A_63 : memref<1x128x48xf32, #tpu.memory_space<hbm>> -> memref<128x48xf32, #tpu.memory_space<hbm>>
      tpu.wait_dma2 semaphore(%run_scoped3A : memref<!tpu.dma_semaphore, #tpu.memory_space<semaphore_mem>>) src(%arg6 : memref<128x48xf32, #tpu.memory_space<vmem>>) dst(%dma_wait3A_64 : memref<128x48xf32, #tpu.memory_space<hbm>>)
      tpu.yield
    }) : () -> ()
    return
  }
}

#map = affine_map<(d0, d1) -> (0, 0)>
#map1 = affine_map<(d0, d1) -> (0, 0, 0)>
module attributes {stable_mosaic.version = 14 : i64} {
  func.func @body(%arg0: i32, %arg1: i32, %arg2: memref<81920x48xf32, #tpu.memory_space<hbm>>, %arg3: memref<640x128xi32, #tpu.memory_space<hbm>>, %arg4: memref<2x10240x48xf32, #tpu.memory_space<hbm>>, %arg5: memref<20x128xi32, #tpu.memory_space<vmem>>, %arg6: memref<128x48xf32, #tpu.memory_space<vmem>>, %arg7: memref<10240x48xf32, #tpu.memory_space<vmem_shared>>) attributes {dimension_semantics = [#tpu.dimension_semantics<core_parallel>, #tpu.dimension_semantics<subcore_parallel>], iteration_bounds = array<i64: 2, 16>, scalar_prefetch = 0 : i64, scratch_operands = 3 : i64, tpu.core_type = #tpu.core_type<sc_vector_subcore>, window_params = [{transform_indices = #map}, {transform_indices = #map}, {transform_indices = #map1}]} {
    %mul3A = arith.constant 2 : i32
    %mul3A_0 = arith.muli %arg1, %mul3A : i32
    %add3A = arith.addi %mul3A_0, %arg0 : i32
    %scan3A = arith.constant 0 : i32
    %scan3A_1 = arith.constant 0 : i32
    %scan3A_2 = arith.constant 128 : i32
    %scan3A_3 = arith.addi %scan3A_1, %scan3A_2 : i32
    %scan3A_4 = arith.constant 1 : i32
    scf.for %scan3A_55 = %scan3A_1 to %scan3A_3 step %scan3A_4  : i32 {
      %broadcast_in_dim3A = arith.constant 0.000000e+00 : f32
      %broadcast_in_dim3A_56 = vector.broadcast %broadcast_in_dim3A : f32 to vector<16xf32>
      %swap3A = arith.index_cast %scan3A_55 : i32 to index
      %swap3A_57 = arith.constant 0 : index
      %swap3A_58 = tpu.vector_load %arg6[%swap3A, %swap3A_57] {strides = array<i32>} : memref<128x48xf32, #tpu.memory_space<vmem>>, vector<1x16xf32>,
      %swap3A_59 = vector.shape_cast %swap3A_58 : vector<1x16xf32> to vector<16xf32>
      %swap3A_60 = vector.shape_cast %broadcast_in_dim3A_56 : vector<16xf32> to vector<1x16xf32>
      tpu.vector_store %arg6[%swap3A, %swap3A_57], %swap3A_60 {strides = array<i32>} : memref<128x48xf32, #tpu.memory_space<vmem>>, vector<1x16xf32>,
      %broadcast_in_dim3A_61 = arith.constant 0.000000e+00 : f32
      %broadcast_in_dim3A_62 = vector.broadcast %broadcast_in_dim3A_61 : f32 to vector<16xf32>
      %swap3A_63 = arith.index_cast %scan3A_55 : i32 to index
      %swap3A_64 = arith.constant 16 : index
      %swap3A_65 = tpu.vector_load %arg6[%swap3A_63, %swap3A_64] {strides = array<i32>} : memref<128x48xf32, #tpu.memory_space<vmem>>, vector<1x16xf32>,
      %swap3A_66 = vector.shape_cast %swap3A_65 : vector<1x16xf32> to vector<16xf32>
      %swap3A_67 = vector.shape_cast %broadcast_in_dim3A_62 : vector<16xf32> to vector<1x16xf32>
      tpu.vector_store %arg6[%swap3A_63, %swap3A_64], %swap3A_67 {strides = array<i32>} : memref<128x48xf32, #tpu.memory_space<vmem>>, vector<1x16xf32>,
      %broadcast_in_dim3A_68 = arith.constant 0.000000e+00 : f32
      %broadcast_in_dim3A_69 = vector.broadcast %broadcast_in_dim3A_68 : f32 to vector<16xf32>
      %swap3A_70 = arith.index_cast %scan3A_55 : i32 to index
      %swap3A_71 = arith.constant 32 : index
      %swap3A_72 = tpu.vector_load %arg6[%swap3A_70, %swap3A_71] {strides = array<i32>} : memref<128x48xf32, #tpu.memory_space<vmem>>, vector<1x16xf32>,
      %swap3A_73 = vector.shape_cast %swap3A_72 : vector<1x16xf32> to vector<16xf32>
      %swap3A_74 = vector.shape_cast %broadcast_in_dim3A_69 : vector<16xf32> to vector<1x16xf32>
      tpu.vector_store %arg6[%swap3A_70, %swap3A_71], %swap3A_74 {strides = array<i32>} : memref<128x48xf32, #tpu.memory_space<vmem>>, vector<1x16xf32>,
    }
    %scan3A_5 = arith.constant 128 : i32
    %mul3A_6 = arith.constant 640 : i32
    %mul3A_7 = arith.muli %arg1, %mul3A_6 : i32
    %add3A_8 = arith.constant 0 : i32
    %add3A_9 = arith.addi %mul3A_7, %add3A_8 : i32
    "tpu.region"() ({
      %run_scoped3A = tpu.sem_alloc : memref<!tpu.dma_semaphore, #tpu.memory_space<semaphore_mem>>
      %dma_start3A = arith.constant 0 : i32
      %dma_start3A_55 = tpu.memref_slice %arg7[%add3A_9, %dma_start3A] : memref<10240x48xf32, #tpu.memory_space<vmem_shared>> -> memref<128x48xf32, #tpu.memory_space<vmem_shared>>
      %dma_start3A_56 = arith.constant 0 : i32
      %dma_start3A_57 = tpu.memref_slice %arg7[%add3A_9, %dma_start3A_56] : memref<10240x48xf32, #tpu.memory_space<vmem_shared>> -> memref<128x48xf32, #tpu.memory_space<vmem_shared>>
      tpu.enqueue_dma source(%arg6 : memref<128x48xf32, #tpu.memory_space<vmem>>) target(%dma_start3A_57 : memref<128x48xf32, #tpu.memory_space<vmem_shared>>) target_semaphore(%run_scoped3A : memref<!tpu.dma_semaphore, #tpu.memory_space<semaphore_mem>>)
      %dma_wait3A = arith.constant 0 : i32
      %dma_wait3A_58 = tpu.memref_slice %arg7[%add3A_9, %dma_wait3A] : memref<10240x48xf32, #tpu.memory_space<vmem_shared>> -> memref<128x48xf32, #tpu.memory_space<vmem_shared>>
      %dma_wait3A_59 = arith.constant 0 : i32
      %dma_wait3A_60 = tpu.memref_slice %arg7[%add3A_9, %dma_wait3A_59] : memref<10240x48xf32, #tpu.memory_space<vmem_shared>> -> memref<128x48xf32, #tpu.memory_space<vmem_shared>>
      tpu.wait_dma2 semaphore(%run_scoped3A : memref<!tpu.dma_semaphore, #tpu.memory_space<semaphore_mem>>) src(%arg6 : memref<128x48xf32, #tpu.memory_space<vmem>>) dst(%dma_wait3A_60 : memref<128x48xf32, #tpu.memory_space<vmem_shared>>)
      tpu.yield
    }) : () -> ()
    %mul3A_10 = arith.constant 640 : i32
    %mul3A_11 = arith.muli %arg1, %mul3A_10 : i32
    %add3A_12 = arith.constant 128 : i32
    %add3A_13 = arith.addi %mul3A_11, %add3A_12 : i32
    "tpu.region"() ({
      %run_scoped3A = tpu.sem_alloc : memref<!tpu.dma_semaphore, #tpu.memory_space<semaphore_mem>>
      %dma_start3A = arith.constant 0 : i32
      %dma_start3A_55 = tpu.memref_slice %arg7[%add3A_13, %dma_start3A] : memref<10240x48xf32, #tpu.memory_space<vmem_shared>> -> memref<128x48xf32, #tpu.memory_space<vmem_shared>>
      %dma_start3A_56 = arith.constant 0 : i32
      %dma_start3A_57 = tpu.memref_slice %arg7[%add3A_13, %dma_start3A_56] : memref<10240x48xf32, #tpu.memory_space<vmem_shared>> -> memref<128x48xf32, #tpu.memory_space<vmem_shared>>
      tpu.enqueue_dma source(%arg6 : memref<128x48xf32, #tpu.memory_space<vmem>>) target(%dma_start3A_57 : memref<128x48xf32, #tpu.memory_space<vmem_shared>>) target_semaphore(%run_scoped3A : memref<!tpu.dma_semaphore, #tpu.memory_space<semaphore_mem>>)
      %dma_wait3A = arith.constant 0 : i32
      %dma_wait3A_58 = tpu.memref_slice %arg7[%add3A_13, %dma_wait3A] : memref<10240x48xf32, #tpu.memory_space<vmem_shared>> -> memref<128x48xf32, #tpu.memory_space<vmem_shared>>
      %dma_wait3A_59 = arith.constant 0 : i32
      %dma_wait3A_60 = tpu.memref_slice %arg7[%add3A_13, %dma_wait3A_59] : memref<10240x48xf32, #tpu.memory_space<vmem_shared>> -> memref<128x48xf32, #tpu.memory_space<vmem_shared>>
      tpu.wait_dma2 semaphore(%run_scoped3A : memref<!tpu.dma_semaphore, #tpu.memory_space<semaphore_mem>>) src(%arg6 : memref<128x48xf32, #tpu.memory_space<vmem>>) dst(%dma_wait3A_60 : memref<128x48xf32, #tpu.memory_space<vmem_shared>>)
      tpu.yield
    }) : () -> ()
    %mul3A_14 = arith.constant 640 : i32
    %mul3A_15 = arith.muli %arg1, %mul3A_14 : i32
    %add3A_16 = arith.constant 256 : i32
    %add3A_17 = arith.addi %mul3A_15, %add3A_16 : i32
    "tpu.region"() ({
      %run_scoped3A = tpu.sem_alloc : memref<!tpu.dma_semaphore, #tpu.memory_space<semaphore_mem>>
      %dma_start3A = arith.constant 0 : i32
      %dma_start3A_55 = tpu.memref_slice %arg7[%add3A_17, %dma_start3A] : memref<10240x48xf32, #tpu.memory_space<vmem_shared>> -> memref<128x48xf32, #tpu.memory_space<vmem_shared>>
      %dma_start3A_56 = arith.constant 0 : i32
      %dma_start3A_57 = tpu.memref_slice %arg7[%add3A_17, %dma_start3A_56] : memref<10240x48xf32, #tpu.memory_space<vmem_shared>> -> memref<128x48xf32, #tpu.memory_space<vmem_shared>>
      tpu.enqueue_dma source(%arg6 : memref<128x48xf32, #tpu.memory_space<vmem>>) target(%dma_start3A_57 : memref<128x48xf32, #tpu.memory_space<vmem_shared>>) target_semaphore(%run_scoped3A : memref<!tpu.dma_semaphore, #tpu.memory_space<semaphore_mem>>)
      %dma_wait3A = arith.constant 0 : i32
      %dma_wait3A_58 = tpu.memref_slice %arg7[%add3A_17, %dma_wait3A] : memref<10240x48xf32, #tpu.memory_space<vmem_shared>> -> memref<128x48xf32, #tpu.memory_space<vmem_shared>>
      %dma_wait3A_59 = arith.constant 0 : i32
      %dma_wait3A_60 = tpu.memref_slice %arg7[%add3A_17, %dma_wait3A_59] : memref<10240x48xf32, #tpu.memory_space<vmem_shared>> -> memref<128x48xf32, #tpu.memory_space<vmem_shared>>
      tpu.wait_dma2 semaphore(%run_scoped3A : memref<!tpu.dma_semaphore, #tpu.memory_space<semaphore_mem>>) src(%arg6 : memref<128x48xf32, #tpu.memory_space<vmem>>) dst(%dma_wait3A_60 : memref<128x48xf32, #tpu.memory_space<vmem_shared>>)
      tpu.yield
    }) : () -> ()
    %mul3A_18 = arith.constant 640 : i32
    %mul3A_19 = arith.muli %arg1, %mul3A_18 : i32
    %add3A_20 = arith.constant 384 : i32
    %add3A_21 = arith.addi %mul3A_19, %add3A_20 : i32
    "tpu.region"() ({
      %run_scoped3A = tpu.sem_alloc : memref<!tpu.dma_semaphore, #tpu.memory_space<semaphore_mem>>
      %dma_start3A = arith.constant 0 : i32
      %dma_start3A_55 = tpu.memref_slice %arg7[%add3A_21, %dma_start3A] : memref<10240x48xf32, #tpu.memory_space<vmem_shared>> -> memref<128x48xf32, #tpu.memory_space<vmem_shared>>
      %dma_start3A_56 = arith.constant 0 : i32
      %dma_start3A_57 = tpu.memref_slice %arg7[%add3A_21, %dma_start3A_56] : memref<10240x48xf32, #tpu.memory_space<vmem_shared>> -> memref<128x48xf32, #tpu.memory_space<vmem_shared>>
      tpu.enqueue_dma source(%arg6 : memref<128x48xf32, #tpu.memory_space<vmem>>) target(%dma_start3A_57 : memref<128x48xf32, #tpu.memory_space<vmem_shared>>) target_semaphore(%run_scoped3A : memref<!tpu.dma_semaphore, #tpu.memory_space<semaphore_mem>>)
      %dma_wait3A = arith.constant 0 : i32
      %dma_wait3A_58 = tpu.memref_slice %arg7[%add3A_21, %dma_wait3A] : memref<10240x48xf32, #tpu.memory_space<vmem_shared>> -> memref<128x48xf32, #tpu.memory_space<vmem_shared>>
      %dma_wait3A_59 = arith.constant 0 : i32
      %dma_wait3A_60 = tpu.memref_slice %arg7[%add3A_21, %dma_wait3A_59] : memref<10240x48xf32, #tpu.memory_space<vmem_shared>> -> memref<128x48xf32, #tpu.memory_space<vmem_shared>>
      tpu.wait_dma2 semaphore(%run_scoped3A : memref<!tpu.dma_semaphore, #tpu.memory_space<semaphore_mem>>) src(%arg6 : memref<128x48xf32, #tpu.memory_space<vmem>>) dst(%dma_wait3A_60 : memref<128x48xf32, #tpu.memory_space<vmem_shared>>)
      tpu.yield
    }) : () -> ()
    %mul3A_22 = arith.constant 640 : i32
    %mul3A_23 = arith.muli %arg1, %mul3A_22 : i32
    %add3A_24 = arith.constant 512 : i32
    %add3A_25 = arith.addi %mul3A_23, %add3A_24 : i32
    "tpu.region"() ({
      %run_scoped3A = tpu.sem_alloc : memref<!tpu.dma_semaphore, #tpu.memory_space<semaphore_mem>>
      %dma_start3A = arith.constant 0 : i32
      %dma_start3A_55 = tpu.memref_slice %arg7[%add3A_25, %dma_start3A] : memref<10240x48xf32, #tpu.memory_space<vmem_shared>> -> memref<128x48xf32, #tpu.memory_space<vmem_shared>>
      %dma_start3A_56 = arith.constant 0 : i32
      %dma_start3A_57 = tpu.memref_slice %arg7[%add3A_25, %dma_start3A_56] : memref<10240x48xf32, #tpu.memory_space<vmem_shared>> -> memref<128x48xf32, #tpu.memory_space<vmem_shared>>
      tpu.enqueue_dma source(%arg6 : memref<128x48xf32, #tpu.memory_space<vmem>>) target(%dma_start3A_57 : memref<128x48xf32, #tpu.memory_space<vmem_shared>>) target_semaphore(%run_scoped3A : memref<!tpu.dma_semaphore, #tpu.memory_space<semaphore_mem>>)
      %dma_wait3A = arith.constant 0 : i32
      %dma_wait3A_58 = tpu.memref_slice %arg7[%add3A_25, %dma_wait3A] : memref<10240x48xf32, #tpu.memory_space<vmem_shared>> -> memref<128x48xf32, #tpu.memory_space<vmem_shared>>
      %dma_wait3A_59 = arith.constant 0 : i32
      %dma_wait3A_60 = tpu.memref_slice %arg7[%add3A_25, %dma_wait3A_59] : memref<10240x48xf32, #tpu.memory_space<vmem_shared>> -> memref<128x48xf32, #tpu.memory_space<vmem_shared>>
      tpu.wait_dma2 semaphore(%run_scoped3A : memref<!tpu.dma_semaphore, #tpu.memory_space<semaphore_mem>>) src(%arg6 : memref<128x48xf32, #tpu.memory_space<vmem>>) dst(%dma_wait3A_60 : memref<128x48xf32, #tpu.memory_space<vmem_shared>>)
      tpu.yield
    }) : () -> ()
    %barrier3A = arith.constant 0 : index
    tpu.barrier barrier_id(%barrier3A)
    %mul3A_26 = arith.constant 20 : i32
    %mul3A_27 = arith.muli %add3A, %mul3A_26 : i32
    "tpu.region"() ({
      %run_scoped3A = tpu.sem_alloc : memref<!tpu.dma_semaphore, #tpu.memory_space<semaphore_mem>>
      %dma_start3A = arith.constant 0 : i32
      %dma_start3A_55 = tpu.memref_slice %arg3[%mul3A_27, %dma_start3A] : memref<640x128xi32, #tpu.memory_space<hbm>> -> memref<20x128xi32, #tpu.memory_space<hbm>>
      %dma_start3A_56 = arith.constant 0 : i32
      %dma_start3A_57 = tpu.memref_slice %arg3[%mul3A_27, %dma_start3A_56] : memref<640x128xi32, #tpu.memory_space<hbm>> -> memref<20x128xi32, #tpu.memory_space<hbm>>
      tpu.enqueue_dma source(%dma_start3A_57 : memref<20x128xi32, #tpu.memory_space<hbm>>) target(%arg5 : memref<20x128xi32, #tpu.memory_space<vmem>>) target_semaphore(%run_scoped3A : memref<!tpu.dma_semaphore, #tpu.memory_space<semaphore_mem>>)
      %dma_wait3A = arith.constant 0 : i32
      %dma_wait3A_58 = tpu.memref_slice %arg3[%mul3A_27, %dma_wait3A] : memref<640x128xi32, #tpu.memory_space<hbm>> -> memref<20x128xi32, #tpu.memory_space<hbm>>
      %dma_wait3A_59 = arith.constant 0 : i32
      %dma_wait3A_60 = tpu.memref_slice %arg3[%mul3A_27, %dma_wait3A_59] : memref<640x128xi32, #tpu.memory_space<hbm>> -> memref<20x128xi32, #tpu.memory_space<hbm>>
      tpu.wait_dma2 semaphore(%run_scoped3A : memref<!tpu.dma_semaphore, #tpu.memory_space<semaphore_mem>>) src(%dma_wait3A_60 : memref<20x128xi32, #tpu.memory_space<hbm>>) dst(%arg5 : memref<20x128xi32, #tpu.memory_space<vmem>>)
      tpu.yield
    }) : () -> ()
    %scan3A_28 = arith.constant 0 : i32
    %scan3A_29 = arith.constant 0 : i32
    %scan3A_30 = arith.constant 20 : i32
    %scan3A_31 = arith.addi %scan3A_29, %scan3A_30 : i32
    %scan3A_32 = arith.constant 1 : i32
    scf.for %scan3A_55 = %scan3A_29 to %scan3A_31 step %scan3A_32  : i32 {
      %mul3A_56 = arith.constant 2560 : i32
      %mul3A_57 = arith.muli %add3A, %mul3A_56 : i32
      %mul3A_58 = arith.constant 128 : i32
      %mul3A_59 = arith.muli %scan3A_55, %mul3A_58 : i32
      %add3A_60 = arith.addi %mul3A_57, %mul3A_59 : i32
      "tpu.region"() ({
        %run_scoped3A = tpu.sem_alloc : memref<!tpu.dma_semaphore, #tpu.memory_space<semaphore_mem>>
        %dma_start3A = arith.constant 0 : i32
        %dma_start3A_61 = tpu.memref_slice %arg2[%add3A_60, %dma_start3A] : memref<81920x48xf32, #tpu.memory_space<hbm>> -> memref<128x48xf32, #tpu.memory_space<hbm>>
        %dma_start3A_62 = arith.constant 0 : i32
        %dma_start3A_63 = tpu.memref_slice %arg2[%add3A_60, %dma_start3A_62] : memref<81920x48xf32, #tpu.memory_space<hbm>> -> memref<128x48xf32, #tpu.memory_space<hbm>>
        tpu.enqueue_dma source(%dma_start3A_63 : memref<128x48xf32, #tpu.memory_space<hbm>>) target(%arg6 : memref<128x48xf32, #tpu.memory_space<vmem>>) target_semaphore(%run_scoped3A : memref<!tpu.dma_semaphore, #tpu.memory_space<semaphore_mem>>)
        %dma_wait3A = arith.constant 0 : i32
        %dma_wait3A_64 = tpu.memref_slice %arg2[%add3A_60, %dma_wait3A] : memref<81920x48xf32, #tpu.memory_space<hbm>> -> memref<128x48xf32, #tpu.memory_space<hbm>>
        %dma_wait3A_65 = arith.constant 0 : i32
        %dma_wait3A_66 = tpu.memref_slice %arg2[%add3A_60, %dma_wait3A_65] : memref<81920x48xf32, #tpu.memory_space<hbm>> -> memref<128x48xf32, #tpu.memory_space<hbm>>
        tpu.wait_dma2 semaphore(%run_scoped3A : memref<!tpu.dma_semaphore, #tpu.memory_space<semaphore_mem>>) src(%dma_wait3A_66 : memref<128x48xf32, #tpu.memory_space<hbm>>) dst(%arg6 : memref<128x48xf32, #tpu.memory_space<vmem>>)
        tpu.yield
      }) : () -> ()
      "tpu.region"() ({
        %run_scoped3A = tpu.sem_alloc : memref<!tpu.dma_semaphore, #tpu.memory_space<semaphore_mem>>
        %dma_start3A = arith.constant 0 : i32
        %dma_start3A_61 = tpu.memref_slice %arg5[%scan3A_55, %dma_start3A] : memref<20x128xi32, #tpu.memory_space<vmem>> -> memref<1x128xi32, #tpu.memory_space<vmem>>
        %dma_start3A_62 = tpu.memref_squeeze %dma_start3A_61 : memref<1x128xi32, #tpu.memory_space<vmem>> -> memref<128xi32, #tpu.memory_space<vmem>>
        %dma_start3A_63 = arith.constant 0 : i32
        %dma_start3A_64 = arith.constant 0 : i32
        %dma_start3A_65 = tpu.memref_slice %arg7[%dma_start3A_63, %dma_start3A_64] : memref<10240x48xf32, #tpu.memory_space<vmem_shared>> -> memref<10240x48xf32, #tpu.memory_space<vmem_shared>>
        tpu.enqueue_indirect_dma source(%arg6 : memref<128x48xf32, #tpu.memory_space<vmem>>) target(%dma_start3A_65 : memref<10240x48xf32, #tpu.memory_space<vmem_shared>>) offsets(%dma_start3A_62 : memref<128xi32, #tpu.memory_space<vmem>>) semaphore(%run_scoped3A : memref<!tpu.dma_semaphore, #tpu.memory_space<semaphore_mem>>) {add = true}
        %dma_wait3A = arith.constant 0 : i32
        %dma_wait3A_66 = tpu.memref_slice %arg5[%scan3A_55, %dma_wait3A] : memref<20x128xi32, #tpu.memory_space<vmem>> -> memref<1x128xi32, #tpu.memory_space<vmem>>
        %dma_wait3A_67 = tpu.memref_squeeze %dma_wait3A_66 : memref<1x128xi32, #tpu.memory_space<vmem>> -> memref<128xi32, #tpu.memory_space<vmem>>
        %dma_wait3A_68 = arith.constant 0 : i32
        %dma_wait3A_69 = arith.constant 0 : i32
        %dma_wait3A_70 = tpu.memref_slice %arg7[%dma_wait3A_68, %dma_wait3A_69] : memref<10240x48xf32, #tpu.memory_space<vmem_shared>> -> memref<10240x48xf32, #tpu.memory_space<vmem_shared>>
        tpu.wait_indirect_dma semaphore(%run_scoped3A : memref<!tpu.dma_semaphore, #tpu.memory_space<semaphore_mem>>) src(%arg6 : memref<128x48xf32, #tpu.memory_space<vmem>>) dst(%dma_wait3A_70 : memref<10240x48xf32, #tpu.memory_space<vmem_shared>>)
        tpu.yield
      }) : () -> ()
    }
    %scan3A_33 = arith.constant 20 : i32
    %barrier3A_34 = arith.constant 0 : index
    tpu.barrier barrier_id(%barrier3A_34)
    %mul3A_35 = arith.constant 640 : i32
    %mul3A_36 = arith.muli %arg1, %mul3A_35 : i32
    %add3A_37 = arith.constant 0 : i32
    %add3A_38 = arith.addi %mul3A_36, %add3A_37 : i32
    "tpu.region"() ({
      %run_scoped3A = tpu.sem_alloc : memref<!tpu.dma_semaphore, #tpu.memory_space<semaphore_mem>>
      %dma_start3A = arith.constant 0 : i32
      %dma_start3A_55 = tpu.memref_slice %arg7[%add3A_38, %dma_start3A] : memref<10240x48xf32, #tpu.memory_space<vmem_shared>> -> memref<128x48xf32, #tpu.memory_space<vmem_shared>>
      %dma_start3A_56 = arith.constant 0 : i32
      %dma_start3A_57 = tpu.memref_slice %arg7[%add3A_38, %dma_start3A_56] : memref<10240x48xf32, #tpu.memory_space<vmem_shared>> -> memref<128x48xf32, #tpu.memory_space<vmem_shared>>
      tpu.enqueue_dma source(%dma_start3A_57 : memref<128x48xf32, #tpu.memory_space<vmem_shared>>) target(%arg6 : memref<128x48xf32, #tpu.memory_space<vmem>>) target_semaphore(%run_scoped3A : memref<!tpu.dma_semaphore, #tpu.memory_space<semaphore_mem>>)
      %dma_wait3A = arith.constant 0 : i32
      %dma_wait3A_58 = tpu.memref_slice %arg7[%add3A_38, %dma_wait3A] : memref<10240x48xf32, #tpu.memory_space<vmem_shared>> -> memref<128x48xf32, #tpu.memory_space<vmem_shared>>
      %dma_wait3A_59 = arith.constant 0 : i32
      %dma_wait3A_60 = tpu.memref_slice %arg7[%add3A_38, %dma_wait3A_59] : memref<10240x48xf32, #tpu.memory_space<vmem_shared>> -> memref<128x48xf32, #tpu.memory_space<vmem_shared>>
      tpu.wait_dma2 semaphore(%run_scoped3A : memref<!tpu.dma_semaphore, #tpu.memory_space<semaphore_mem>>) src(%dma_wait3A_60 : memref<128x48xf32, #tpu.memory_space<vmem_shared>>) dst(%arg6 : memref<128x48xf32, #tpu.memory_space<vmem>>)
      tpu.yield
    }) : () -> ()
    "tpu.region"() ({
      %run_scoped3A = tpu.sem_alloc : memref<!tpu.dma_semaphore, #tpu.memory_space<semaphore_mem>>
      %dma_start3A = arith.constant 0 : i32
      %dma_start3A_55 = tpu.memref_slice %arg4[%arg0, %add3A_38, %dma_start3A] : memref<2x10240x48xf32, #tpu.memory_space<hbm>> -> memref<1x128x48xf32, #tpu.memory_space<hbm>>
      %dma_start3A_56 = tpu.memref_squeeze %dma_start3A_55 : memref<1x128x48xf32, #tpu.memory_space<hbm>> -> memref<128x48xf32, #tpu.memory_space<hbm>>
      %dma_start3A_57 = arith.constant 0 : i32
      %dma_start3A_58 = tpu.memref_slice %arg4[%arg0, %add3A_38, %dma_start3A_57] : memref<2x10240x48xf32, #tpu.memory_space<hbm>> -> memref<1x128x48xf32, #tpu.memory_space<hbm>>
      %dma_start3A_59 = tpu.memref_squeeze %dma_start3A_58 : memref<1x128x48xf32, #tpu.memory_space<hbm>> -> memref<128x48xf32, #tpu.memory_space<hbm>>
      tpu.enqueue_dma source(%arg6 : memref<128x48xf32, #tpu.memory_space<vmem>>) target(%dma_start3A_59 : memref<128x48xf32, #tpu.memory_space<hbm>>) target_semaphore(%run_scoped3A : memref<!tpu.dma_semaphore, #tpu.memory_space<semaphore_mem>>)
      %dma_wait3A = arith.constant 0 : i32
      %dma_wait3A_60 = tpu.memref_slice %arg4[%arg0, %add3A_38, %dma_wait3A] : memref<2x10240x48xf32, #tpu.memory_space<hbm>> -> memref<1x128x48xf32, #tpu.memory_space<hbm>>
      %dma_wait3A_61 = tpu.memref_squeeze %dma_wait3A_60 : memref<1x128x48xf32, #tpu.memory_space<hbm>> -> memref<128x48xf32, #tpu.memory_space<hbm>>
      %dma_wait3A_62 = arith.constant 0 : i32
      %dma_wait3A_63 = tpu.memref_slice %arg4[%arg0, %add3A_38, %dma_wait3A_62] : memref<2x10240x48xf32, #tpu.memory_space<hbm>> -> memref<1x128x48xf32, #tpu.memory_space<hbm>>
      %dma_wait3A_64 = tpu.memref_squeeze %dma_wait3A_63 : memref<1x128x48xf32, #tpu.memory_space<hbm>> -> memref<128x48xf32, #tpu.memory_space<hbm>>
      tpu.wait_dma2 semaphore(%run_scoped3A : memref<!tpu.dma_semaphore, #tpu.memory_space<semaphore_mem>>) src(%arg6 : memref<128x48xf32, #tpu.memory_space<vmem>>) dst(%dma_wait3A_64 : memref<128x48xf32, #tpu.memory_space<hbm>>)
      tpu.yield
    }) : () -> ()
    %mul3A_39 = arith.constant 640 : i32
    %mul3A_40 = arith.muli %arg1, %mul3A_39 : i32
    %add3A_41 = arith.constant 128 : i32
    %add3A_42 = arith.addi %mul3A_40, %add3A_41 : i32
    "tpu.region"() ({
      %run_scoped3A = tpu.sem_alloc : memref<!tpu.dma_semaphore, #tpu.memory_space<semaphore_mem>>
      %dma_start3A = arith.constant 0 : i32
      %dma_start3A_55 = tpu.memref_slice %arg7[%add3A_42, %dma_start3A] : memref<10240x48xf32, #tpu.memory_space<vmem_shared>> -> memref<128x48xf32, #tpu.memory_space<vmem_shared>>
      %dma_start3A_56 = arith.constant 0 : i32
      %dma_start3A_57 = tpu.memref_slice %arg7[%add3A_42, %dma_start3A_56] : memref<10240x48xf32, #tpu.memory_space<vmem_shared>> -> memref<128x48xf32, #tpu.memory_space<vmem_shared>>
      tpu.enqueue_dma source(%dma_start3A_57 : memref<128x48xf32, #tpu.memory_space<vmem_shared>>) target(%arg6 : memref<128x48xf32, #tpu.memory_space<vmem>>) target_semaphore(%run_scoped3A : memref<!tpu.dma_semaphore, #tpu.memory_space<semaphore_mem>>)
      %dma_wait3A = arith.constant 0 : i32
      %dma_wait3A_58 = tpu.memref_slice %arg7[%add3A_42, %dma_wait3A] : memref<10240x48xf32, #tpu.memory_space<vmem_shared>> -> memref<128x48xf32, #tpu.memory_space<vmem_shared>>
      %dma_wait3A_59 = arith.constant 0 : i32
      %dma_wait3A_60 = tpu.memref_slice %arg7[%add3A_42, %dma_wait3A_59] : memref<10240x48xf32, #tpu.memory_space<vmem_shared>> -> memref<128x48xf32, #tpu.memory_space<vmem_shared>>
      tpu.wait_dma2 semaphore(%run_scoped3A : memref<!tpu.dma_semaphore, #tpu.memory_space<semaphore_mem>>) src(%dma_wait3A_60 : memref<128x48xf32, #tpu.memory_space<vmem_shared>>) dst(%arg6 : memref<128x48xf32, #tpu.memory_space<vmem>>)
      tpu.yield
    }) : () -> ()
    "tpu.region"() ({
      %run_scoped3A = tpu.sem_alloc : memref<!tpu.dma_semaphore, #tpu.memory_space<semaphore_mem>>
      %dma_start3A = arith.constant 0 : i32
      %dma_start3A_55 = tpu.memref_slice %arg4[%arg0, %add3A_42, %dma_start3A] : memref<2x10240x48xf32, #tpu.memory_space<hbm>> -> memref<1x128x48xf32, #tpu.memory_space<hbm>>
      %dma_start3A_56 = tpu.memref_squeeze %dma_start3A_55 : memref<1x128x48xf32, #tpu.memory_space<hbm>> -> memref<128x48xf32, #tpu.memory_space<hbm>>
      %dma_start3A_57 = arith.constant 0 : i32
      %dma_start3A_58 = tpu.memref_slice %arg4[%arg0, %add3A_42, %dma_start3A_57] : memref<2x10240x48xf32, #tpu.memory_space<hbm>> -> memref<1x128x48xf32, #tpu.memory_space<hbm>>
      %dma_start3A_59 = tpu.memref_squeeze %dma_start3A_58 : memref<1x128x48xf32, #tpu.memory_space<hbm>> -> memref<128x48xf32, #tpu.memory_space<hbm>>
      tpu.enqueue_dma source(%arg6 : memref<128x48xf32, #tpu.memory_space<vmem>>) target(%dma_start3A_59 : memref<128x48xf32, #tpu.memory_space<hbm>>) target_semaphore(%run_scoped3A : memref<!tpu.dma_semaphore, #tpu.memory_space<semaphore_mem>>)
      %dma_wait3A = arith.constant 0 : i32
      %dma_wait3A_60 = tpu.memref_slice %arg4[%arg0, %add3A_42, %dma_wait3A] : memref<2x10240x48xf32, #tpu.memory_space<hbm>> -> memref<1x128x48xf32, #tpu.memory_space<hbm>>
      %dma_wait3A_61 = tpu.memref_squeeze %dma_wait3A_60 : memref<1x128x48xf32, #tpu.memory_space<hbm>> -> memref<128x48xf32, #tpu.memory_space<hbm>>
      %dma_wait3A_62 = arith.constant 0 : i32
      %dma_wait3A_63 = tpu.memref_slice %arg4[%arg0, %add3A_42, %dma_wait3A_62] : memref<2x10240x48xf32, #tpu.memory_space<hbm>> -> memref<1x128x48xf32, #tpu.memory_space<hbm>>
      %dma_wait3A_64 = tpu.memref_squeeze %dma_wait3A_63 : memref<1x128x48xf32, #tpu.memory_space<hbm>> -> memref<128x48xf32, #tpu.memory_space<hbm>>
      tpu.wait_dma2 semaphore(%run_scoped3A : memref<!tpu.dma_semaphore, #tpu.memory_space<semaphore_mem>>) src(%arg6 : memref<128x48xf32, #tpu.memory_space<vmem>>) dst(%dma_wait3A_64 : memref<128x48xf32, #tpu.memory_space<hbm>>)
      tpu.yield
    }) : () -> ()
    %mul3A_43 = arith.constant 640 : i32
    %mul3A_44 = arith.muli %arg1, %mul3A_43 : i32
    %add3A_45 = arith.constant 256 : i32
    %add3A_46 = arith.addi %mul3A_44, %add3A_45 : i32
    "tpu.region"() ({
      %run_scoped3A = tpu.sem_alloc : memref<!tpu.dma_semaphore, #tpu.memory_space<semaphore_mem>>
      %dma_start3A = arith.constant 0 : i32
      %dma_start3A_55 = tpu.memref_slice %arg7[%add3A_46, %dma_start3A] : memref<10240x48xf32, #tpu.memory_space<vmem_shared>> -> memref<128x48xf32, #tpu.memory_space<vmem_shared>>
      %dma_start3A_56 = arith.constant 0 : i32
      %dma_start3A_57 = tpu.memref_slice %arg7[%add3A_46, %dma_start3A_56] : memref<10240x48xf32, #tpu.memory_space<vmem_shared>> -> memref<128x48xf32, #tpu.memory_space<vmem_shared>>
      tpu.enqueue_dma source(%dma_start3A_57 : memref<128x48xf32, #tpu.memory_space<vmem_shared>>) target(%arg6 : memref<128x48xf32, #tpu.memory_space<vmem>>) target_semaphore(%run_scoped3A : memref<!tpu.dma_semaphore, #tpu.memory_space<semaphore_mem>>)
      %dma_wait3A = arith.constant 0 : i32
      %dma_wait3A_58 = tpu.memref_slice %arg7[%add3A_46, %dma_wait3A] : memref<10240x48xf32, #tpu.memory_space<vmem_shared>> -> memref<128x48xf32, #tpu.memory_space<vmem_shared>>
      %dma_wait3A_59 = arith.constant 0 : i32
      %dma_wait3A_60 = tpu.memref_slice %arg7[%add3A_46, %dma_wait3A_59] : memref<10240x48xf32, #tpu.memory_space<vmem_shared>> -> memref<128x48xf32, #tpu.memory_space<vmem_shared>>
      tpu.wait_dma2 semaphore(%run_scoped3A : memref<!tpu.dma_semaphore, #tpu.memory_space<semaphore_mem>>) src(%dma_wait3A_60 : memref<128x48xf32, #tpu.memory_space<vmem_shared>>) dst(%arg6 : memref<128x48xf32, #tpu.memory_space<vmem>>)
      tpu.yield
    }) : () -> ()
    "tpu.region"() ({
      %run_scoped3A = tpu.sem_alloc : memref<!tpu.dma_semaphore, #tpu.memory_space<semaphore_mem>>
      %dma_start3A = arith.constant 0 : i32
      %dma_start3A_55 = tpu.memref_slice %arg4[%arg0, %add3A_46, %dma_start3A] : memref<2x10240x48xf32, #tpu.memory_space<hbm>> -> memref<1x128x48xf32, #tpu.memory_space<hbm>>
      %dma_start3A_56 = tpu.memref_squeeze %dma_start3A_55 : memref<1x128x48xf32, #tpu.memory_space<hbm>> -> memref<128x48xf32, #tpu.memory_space<hbm>>
      %dma_start3A_57 = arith.constant 0 : i32
      %dma_start3A_58 = tpu.memref_slice %arg4[%arg0, %add3A_46, %dma_start3A_57] : memref<2x10240x48xf32, #tpu.memory_space<hbm>> -> memref<1x128x48xf32, #tpu.memory_space<hbm>>
      %dma_start3A_59 = tpu.memref_squeeze %dma_start3A_58 : memref<1x128x48xf32, #tpu.memory_space<hbm>> -> memref<128x48xf32, #tpu.memory_space<hbm>>
      tpu.enqueue_dma source(%arg6 : memref<128x48xf32, #tpu.memory_space<vmem>>) target(%dma_start3A_59 : memref<128x48xf32, #tpu.memory_space<hbm>>) target_semaphore(%run_scoped3A : memref<!tpu.dma_semaphore, #tpu.memory_space<semaphore_mem>>)
      %dma_wait3A = arith.constant 0 : i32
      %dma_wait3A_60 = tpu.memref_slice %arg4[%arg0, %add3A_46, %dma_wait3A] : memref<2x10240x48xf32, #tpu.memory_space<hbm>> -> memref<1x128x48xf32, #tpu.memory_space<hbm>>
      %dma_wait3A_61 = tpu.memref_squeeze %dma_wait3A_60 : memref<1x128x48xf32, #tpu.memory_space<hbm>> -> memref<128x48xf32, #tpu.memory_space<hbm>>
      %dma_wait3A_62 = arith.constant 0 : i32
      %dma_wait3A_63 = tpu.memref_slice %arg4[%arg0, %add3A_46, %dma_wait3A_62] : memref<2x10240x48xf32, #tpu.memory_space<hbm>> -> memref<1x128x48xf32, #tpu.memory_space<hbm>>
      %dma_wait3A_64 = tpu.memref_squeeze %dma_wait3A_63 : memref<1x128x48xf32, #tpu.memory_space<hbm>> -> memref<128x48xf32, #tpu.memory_space<hbm>>
      tpu.wait_dma2 semaphore(%run_scoped3A : memref<!tpu.dma_semaphore, #tpu.memory_space<semaphore_mem>>) src(%arg6 : memref<128x48xf32, #tpu.memory_space<vmem>>) dst(%dma_wait3A_64 : memref<128x48xf32, #tpu.memory_space<hbm>>)
      tpu.yield
    }) : () -> ()
    %mul3A_47 = arith.constant 640 : i32
    %mul3A_48 = arith.muli %arg1, %mul3A_47 : i32
    %add3A_49 = arith.constant 384 : i32
    %add3A_50 = arith.addi %mul3A_48, %add3A_49 : i32
    "tpu.region"() ({
      %run_scoped3A = tpu.sem_alloc : memref<!tpu.dma_semaphore, #tpu.memory_space<semaphore_mem>>
      %dma_start3A = arith.constant 0 : i32
      %dma_start3A_55 = tpu.memref_slice %arg7[%add3A_50, %dma_start3A] : memref<10240x48xf32, #tpu.memory_space<vmem_shared>> -> memref<128x48xf32, #tpu.memory_space<vmem_shared>>
      %dma_start3A_56 = arith.constant 0 : i32
      %dma_start3A_57 = tpu.memref_slice %arg7[%add3A_50, %dma_start3A_56] : memref<10240x48xf32, #tpu.memory_space<vmem_shared>> -> memref<128x48xf32, #tpu.memory_space<vmem_shared>>
      tpu.enqueue_dma source(%dma_start3A_57 : memref<128x48xf32, #tpu.memory_space<vmem_shared>>) target(%arg6 : memref<128x48xf32, #tpu.memory_space<vmem>>) target_semaphore(%run_scoped3A : memref<!tpu.dma_semaphore, #tpu.memory_space<semaphore_mem>>)
      %dma_wait3A = arith.constant 0 : i32
      %dma_wait3A_58 = tpu.memref_slice %arg7[%add3A_50, %dma_wait3A] : memref<10240x48xf32, #tpu.memory_space<vmem_shared>> -> memref<128x48xf32, #tpu.memory_space<vmem_shared>>
      %dma_wait3A_59 = arith.constant 0 : i32
      %dma_wait3A_60 = tpu.memref_slice %arg7[%add3A_50, %dma_wait3A_59] : memref<10240x48xf32, #tpu.memory_space<vmem_shared>> -> memref<128x48xf32, #tpu.memory_space<vmem_shared>>
      tpu.wait_dma2 semaphore(%run_scoped3A : memref<!tpu.dma_semaphore, #tpu.memory_space<semaphore_mem>>) src(%dma_wait3A_60 : memref<128x48xf32, #tpu.memory_space<vmem_shared>>) dst(%arg6 : memref<128x48xf32, #tpu.memory_space<vmem>>)
      tpu.yield
    }) : () -> ()
    "tpu.region"() ({
      %run_scoped3A = tpu.sem_alloc : memref<!tpu.dma_semaphore, #tpu.memory_space<semaphore_mem>>
      %dma_start3A = arith.constant 0 : i32
      %dma_start3A_55 = tpu.memref_slice %arg4[%arg0, %add3A_50, %dma_start3A] : memref<2x10240x48xf32, #tpu.memory_space<hbm>> -> memref<1x128x48xf32, #tpu.memory_space<hbm>>
      %dma_start3A_56 = tpu.memref_squeeze %dma_start3A_55 : memref<1x128x48xf32, #tpu.memory_space<hbm>> -> memref<128x48xf32, #tpu.memory_space<hbm>>
      %dma_start3A_57 = arith.constant 0 : i32
      %dma_start3A_58 = tpu.memref_slice %arg4[%arg0, %add3A_50, %dma_start3A_57] : memref<2x10240x48xf32, #tpu.memory_space<hbm>> -> memref<1x128x48xf32, #tpu.memory_space<hbm>>
      %dma_start3A_59 = tpu.memref_squeeze %dma_start3A_58 : memref<1x128x48xf32, #tpu.memory_space<hbm>> -> memref<128x48xf32, #tpu.memory_space<hbm>>
      tpu.enqueue_dma source(%arg6 : memref<128x48xf32, #tpu.memory_space<vmem>>) target(%dma_start3A_59 : memref<128x48xf32, #tpu.memory_space<hbm>>) target_semaphore(%run_scoped3A : memref<!tpu.dma_semaphore, #tpu.memory_space<semaphore_mem>>)
      %dma_wait3A = arith.constant 0 : i32
      %dma_wait3A_60 = tpu.memref_slice %arg4[%arg0, %add3A_50, %dma_wait3A] : memref<2x10240x48xf32, #tpu.memory_space<hbm>> -> memref<1x128x48xf32, #tpu.memory_space<hbm>>
      %dma_wait3A_61 = tpu.memref_squeeze %dma_wait3A_60 : memref<1x128x48xf32, #tpu.memory_space<hbm>> -> memref<128x48xf32, #tpu.memory_space<hbm>>
      %dma_wait3A_62 = arith.constant 0 : i32
      %dma_wait3A_63 = tpu.memref_slice %arg4[%arg0, %add3A_50, %dma_wait3A_62] : memref<2x10240x48xf32, #tpu.memory_space<hbm>> -> memref<1x128x48xf32, #tpu.memory_space<hbm>>
      %dma_wait3A_64 = tpu.memref_squeeze %dma_wait3A_63 : memref<1x128x48xf32, #tpu.memory_space<hbm>> -> memref<128x48xf32, #tpu.memory_space<hbm>>
      tpu.wait_dma2 semaphore(%run_scoped3A : memref<!tpu.dma_semaphore, #tpu.memory_space<semaphore_mem>>) src(%arg6 : memref<128x48xf32, #tpu.memory_space<vmem>>) dst(%dma_wait3A_64 : memref<128x48xf32, #tpu.memory_space<hbm>>)
      tpu.yield
    }) : () -> ()
    %mul3A_51 = arith.constant 640 : i32
    %mul3A_52 = arith.muli %arg1, %mul3A_51 : i32
    %add3A_53 = arith.constant 512 : i32
    %add3A_54 = arith.addi %mul3A_52, %add3A_53 : i32
    "tpu.region"() ({
      %run_scoped3A = tpu.sem_alloc : memref<!tpu.dma_semaphore, #tpu.memory_space<semaphore_mem>>
      %dma_start3A = arith.constant 0 : i32
      %dma_start3A_55 = tpu.memref_slice %arg7[%add3A_54, %dma_start3A] : memref<10240x48xf32, #tpu.memory_space<vmem_shared>> -> memref<128x48xf32, #tpu.memory_space<vmem_shared>>
      %dma_start3A_56 = arith.constant 0 : i32
      %dma_start3A_57 = tpu.memref_slice %arg7[%add3A_54, %dma_start3A_56] : memref<10240x48xf32, #tpu.memory_space<vmem_shared>> -> memref<128x48xf32, #tpu.memory_space<vmem_shared>>
      tpu.enqueue_dma source(%dma_start3A_57 : memref<128x48xf32, #tpu.memory_space<vmem_shared>>) target(%arg6 : memref<128x48xf32, #tpu.memory_space<vmem>>) target_semaphore(%run_scoped3A : memref<!tpu.dma_semaphore, #tpu.memory_space<semaphore_mem>>)
      %dma_wait3A = arith.constant 0 : i32
      %dma_wait3A_58 = tpu.memref_slice %arg7[%add3A_54, %dma_wait3A] : memref<10240x48xf32, #tpu.memory_space<vmem_shared>> -> memref<128x48xf32, #tpu.memory_space<vmem_shared>>
      %dma_wait3A_59 = arith.constant 0 : i32
      %dma_wait3A_60 = tpu.memref_slice %arg7[%add3A_54, %dma_wait3A_59] : memref<10240x48xf32, #tpu.memory_space<vmem_shared>> -> memref<128x48xf32, #tpu.memory_space<vmem_shared>>
      tpu.wait_dma2 semaphore(%run_scoped3A : memref<!tpu.dma_semaphore, #tpu.memory_space<semaphore_mem>>) src(%dma_wait3A_60 : memref<128x48xf32, #tpu.memory_space<vmem_shared>>) dst(%arg6 : memref<128x48xf32, #tpu.memory_space<vmem>>)
      tpu.yield
    }) : () -> ()
    "tpu.region"() ({
      %run_scoped3A = tpu.sem_alloc : memref<!tpu.dma_semaphore, #tpu.memory_space<semaphore_mem>>
      %dma_start3A = arith.constant 0 : i32
      %dma_start3A_55 = tpu.memref_slice %arg4[%arg0, %add3A_54, %dma_start3A] : memref<2x10240x48xf32, #tpu.memory_space<hbm>> -> memref<1x128x48xf32, #tpu.memory_space<hbm>>
      %dma_start3A_56 = tpu.memref_squeeze %dma_start3A_55 : memref<1x128x48xf32, #tpu.memory_space<hbm>> -> memref<128x48xf32, #tpu.memory_space<hbm>>
      %dma_start3A_57 = arith.constant 0 : i32
      %dma_start3A_58 = tpu.memref_slice %arg4[%arg0, %add3A_54, %dma_start3A_57] : memref<2x10240x48xf32, #tpu.memory_space<hbm>> -> memref<1x128x48xf32, #tpu.memory_space<hbm>>
      %dma_start3A_59 = tpu.memref_squeeze %dma_start3A_58 : memref<1x128x48xf32, #tpu.memory_space<hbm>> -> memref<128x48xf32, #tpu.memory_space<hbm>>
      tpu.enqueue_dma source(%arg6 : memref<128x48xf32, #tpu.memory_space<vmem>>) target(%dma_start3A_59 : memref<128x48xf32, #tpu.memory_space<hbm>>) target_semaphore(%run_scoped3A : memref<!tpu.dma_semaphore, #tpu.memory_space<semaphore_mem>>)
      %dma_wait3A = arith.constant 0 : i32
      %dma_wait3A_60 = tpu.memref_slice %arg4[%arg0, %add3A_54, %dma_wait3A] : memref<2x10240x48xf32, #tpu.memory_space<hbm>> -> memref<1x128x48xf32, #tpu.memory_space<hbm>>
      %dma_wait3A_61 = tpu.memref_squeeze %dma_wait3A_60 : memref<1x128x48xf32, #tpu.memory_space<hbm>> -> memref<128x48xf32, #tpu.memory_space<hbm>>
      %dma_wait3A_62 = arith.constant 0 : i32
      %dma_wait3A_63 = tpu.memref_slice %arg4[%arg0, %add3A_54, %dma_wait3A_62] : memref<2x10240x48xf32, #tpu.memory_space<hbm>> -> memref<1x128x48xf32, #tpu.memory_space<hbm>>
      %dma_wait3A_64 = tpu.memref_squeeze %dma_wait3A_63 : memref<1x128x48xf32, #tpu.memory_space<hbm>> -> memref<128x48xf32, #tpu.memory_space<hbm>>
      tpu.wait_dma2 semaphore(%run_scoped3A : memref<!tpu.dma_semaphore, #tpu.memory_space<semaphore_mem>>) src(%arg6 : memref<128x48xf32, #tpu.memory_space<vmem>>) dst(%dma_wait3A_64 : memref<128x48xf32, #tpu.memory_space<hbm>>)
      tpu.yield
    }) : () -> ()
    return
  }
}

module attributes {stable_mosaic.version = 14 : i64} {
  func.func @_mlp_body(%arg0: i32, %arg1: memref<1x256xf32, #tpu.memory_space<vmem>>, %arg2: memref<1x256xf32, #tpu.memory_space<vmem>>, %arg3: memref<1x256xf32, #tpu.memory_space<vmem>>, %arg4: memref<4096x16xf32, #tpu.memory_space<vmem>>, %arg5: memref<4096x32xf32, #tpu.memory_space<vmem>>, %arg6: memref<16x256xbf16, #tpu.memory_space<vmem>>, %arg7: memref<256x256xbf16, #tpu.memory_space<vmem>>, %arg8: memref<256x256xbf16, #tpu.memory_space<vmem>>, %arg9: memref<256x512xbf16, #tpu.memory_space<vmem>>, %arg10: memref<32x512xbf16, #tpu.memory_space<vmem>>, %arg11: memref<256x16xbf16, #tpu.memory_space<vmem>>, %arg12: memref<4096x48xf32, #tpu.memory_space<vmem>>) attributes {dimension_semantics = [#tpu.dimension_semantics<arbitrary>], iteration_bounds = array<i64: 20>, scalar_prefetch = 0 : i64, scratch_operands = 0 : i64, tpu.core_type = #tpu.core_type<tc>, window_params = [{pipeline_mode = #tpu.pipeline_mode<synchronous>, transform_indices = @transform_0, window_bounds = array<i64: 1, 256>}, {pipeline_mode = #tpu.pipeline_mode<synchronous>, transform_indices = @transform_1, window_bounds = array<i64: 1, 256>}, {pipeline_mode = #tpu.pipeline_mode<synchronous>, transform_indices = @transform_2, window_bounds = array<i64: 1, 256>}, {transform_indices = @transform_3, window_bounds = array<i64: 4096, 16>}, {transform_indices = @transform_4, window_bounds = array<i64: 4096, 32>}, {pipeline_mode = #tpu.pipeline_mode<synchronous>, transform_indices = @transform_5, window_bounds = array<i64: 16, 256>}, {pipeline_mode = #tpu.pipeline_mode<synchronous>, transform_indices = @transform_6, window_bounds = array<i64: 256, 256>}, {pipeline_mode = #tpu.pipeline_mode<synchronous>, transform_indices = @transform_7, window_bounds = array<i64: 256, 256>}, {pipeline_mode = #tpu.pipeline_mode<synchronous>, transform_indices = @transform_8, window_bounds = array<i64: 256, 512>}, {pipeline_mode = #tpu.pipeline_mode<synchronous>, transform_indices = @transform_9, window_bounds = array<i64: 32, 512>}, {pipeline_mode = #tpu.pipeline_mode<synchronous>, transform_indices = @transform_10, window_bounds = array<i64: 256, 16>}, {transform_indices = @transform_11, window_bounds = array<i64: 4096, 48>}]} {
    %get3A = arith.constant 0 : index
    %get3A_0 = arith.constant 0 : index
    %get3A_1 = vector.load %arg4[%get3A, %get3A_0] : memref<4096x16xf32, #tpu.memory_space<vmem>>, vector<4096x16xf32>
    %convert_element_type3A = arith.truncf %get3A_1 : vector<4096x16xf32> to vector<4096x16xbf16>
    %get3A_2 = arith.constant 0 : index
    %get3A_3 = arith.constant 0 : index
    %get3A_4 = vector.load %arg6[%get3A_2, %get3A_3] : memref<16x256xbf16, #tpu.memory_space<vmem>>, vector<16x256xbf16>
    %dot_general3A = arith.constant dense<0.000000e+00> : vector<4096x256xf32>
    %dot_general3A_5 = tpu.matmul %convert_element_type3A, %get3A_4, %dot_general3A {dimension_numbers = #tpu.dot_dimension_numbers<[1], [0], [0], [1], [0, 0, 1, 1], [], []>, transpose_lhs_hint = false} : vector<4096x16xbf16>, vector<16x256xbf16>, vector<4096x256xf32> -> vector<4096x256xf32>
    %get3A_6 = arith.constant 0 : index
    %get3A_7 = arith.constant 0 : index
    %get3A_8 = vector.load %arg1[%get3A_6, %get3A_7] : memref<1x256xf32, #tpu.memory_space<vmem>>, vector<1x256xf32>
    %mul3A = vector.broadcast %get3A_8 : vector<1x256xf32> to vector<4096x256xf32>
    %mul3A_9 = arith.mulf %mul3A, %dot_general3A_5 : vector<4096x256xf32>
    %max3A = arith.maximumf %dot_general3A_5, %mul3A_9 : vector<4096x256xf32>
    %convert_element_type3A_10 = arith.truncf %max3A : vector<4096x256xf32> to vector<4096x256xbf16>
    %get3A_11 = arith.constant 0 : index
    %get3A_12 = arith.constant 0 : index
    %get3A_13 = vector.load %arg7[%get3A_11, %get3A_12] : memref<256x256xbf16, #tpu.memory_space<vmem>>, vector<256x256xbf16>
    %dot_general3A_14 = arith.constant dense<0.000000e+00> : vector<4096x256xf32>
    %dot_general3A_15 = tpu.matmul %convert_element_type3A_10, %get3A_13, %dot_general3A_14 {dimension_numbers = #tpu.dot_dimension_numbers<[1], [0], [0], [1], [0, 0, 1, 1], [], []>, transpose_lhs_hint = false} : vector<4096x256xbf16>, vector<256x256xbf16>, vector<4096x256xf32> -> vector<4096x256xf32>
    %get3A_16 = arith.constant 0 : index
    %get3A_17 = arith.constant 0 : index
    %get3A_18 = vector.load %arg2[%get3A_16, %get3A_17] : memref<1x256xf32, #tpu.memory_space<vmem>>, vector<1x256xf32>
    %mul3A_19 = vector.broadcast %get3A_18 : vector<1x256xf32> to vector<4096x256xf32>
    %mul3A_20 = arith.mulf %mul3A_19, %dot_general3A_15 : vector<4096x256xf32>
    %max3A_21 = arith.maximumf %dot_general3A_15, %mul3A_20 : vector<4096x256xf32>
    %convert_element_type3A_22 = arith.truncf %max3A_21 : vector<4096x256xf32> to vector<4096x256xbf16>
    %get3A_23 = arith.constant 0 : index
    %get3A_24 = arith.constant 0 : index
    %get3A_25 = vector.load %arg8[%get3A_23, %get3A_24] : memref<256x256xbf16, #tpu.memory_space<vmem>>, vector<256x256xbf16>
    %dot_general3A_26 = arith.constant dense<0.000000e+00> : vector<4096x256xf32>
    %dot_general3A_27 = tpu.matmul %convert_element_type3A_22, %get3A_25, %dot_general3A_26 {dimension_numbers = #tpu.dot_dimension_numbers<[1], [0], [0], [1], [0, 0, 1, 1], [], []>, transpose_lhs_hint = false} : vector<4096x256xbf16>, vector<256x256xbf16>, vector<4096x256xf32> -> vector<4096x256xf32>
    %get3A_28 = arith.constant 0 : index
    %get3A_29 = arith.constant 0 : index
    %get3A_30 = vector.load %arg3[%get3A_28, %get3A_29] : memref<1x256xf32, #tpu.memory_space<vmem>>, vector<1x256xf32>
    %mul3A_31 = vector.broadcast %get3A_30 : vector<1x256xf32> to vector<4096x256xf32>
    %mul3A_32 = arith.mulf %mul3A_31, %dot_general3A_27 : vector<4096x256xf32>
    %max3A_33 = arith.maximumf %dot_general3A_27, %mul3A_32 : vector<4096x256xf32>
    %convert_element_type3A_34 = arith.truncf %max3A_33 : vector<4096x256xf32> to vector<4096x256xbf16>
    %get3A_35 = arith.constant 0 : index
    %get3A_36 = arith.constant 0 : index
    %get3A_37 = vector.load %arg9[%get3A_35, %get3A_36] : memref<256x512xbf16, #tpu.memory_space<vmem>>, vector<256x512xbf16>
    %dot_general3A_38 = arith.constant dense<0.000000e+00> : vector<4096x512xf32>
    %dot_general3A_39 = tpu.matmul %convert_element_type3A_34, %get3A_37, %dot_general3A_38 {dimension_numbers = #tpu.dot_dimension_numbers<[1], [0], [0], [1], [0, 0, 1, 1], [], []>, transpose_lhs_hint = false} : vector<4096x256xbf16>, vector<256x512xbf16>, vector<4096x512xf32> -> vector<4096x512xf32>
    %get3A_40 = arith.constant 0 : index
    %get3A_41 = arith.constant 0 : index
    %get3A_42 = vector.load %arg5[%get3A_40, %get3A_41] : memref<4096x32xf32, #tpu.memory_space<vmem>>, vector<4096x32xf32>
    %convert_element_type3A_43 = arith.truncf %get3A_42 : vector<4096x32xf32> to vector<4096x32xbf16>
    %get3A_44 = arith.constant 0 : index
    %get3A_45 = arith.constant 0 : index
    %get3A_46 = vector.load %arg10[%get3A_44, %get3A_45] : memref<32x512xbf16, #tpu.memory_space<vmem>>, vector<32x512xbf16>
    %dot_general3A_47 = arith.constant dense<0.000000e+00> : vector<4096x512xf32>
    %dot_general3A_48 = tpu.matmul %convert_element_type3A_43, %get3A_46, %dot_general3A_47 {dimension_numbers = #tpu.dot_dimension_numbers<[1], [0], [0], [1], [0, 0, 1, 1], [], []>, transpose_lhs_hint = false} : vector<4096x32xbf16>, vector<32x512xbf16>, vector<4096x512xf32> -> vector<4096x512xf32>
    %slice3A = vector.extract_strided_slice %dot_general3A_48 {offsets = [0, 0], sizes = [4096, 256], strides = [1, 1]} : vector<4096x512xf32> to vector<4096x256xf32>
    %slice3A_49 = vector.extract_strided_slice %dot_general3A_48 {offsets = [0, 256], sizes = [4096, 256], strides = [1, 1]} : vector<4096x512xf32> to vector<4096x256xf32>
    %slice3A_50 = vector.extract_strided_slice %dot_general3A_39 {offsets = [0, 0], sizes = [4096, 256], strides = [1, 1]} : vector<4096x512xf32> to vector<4096x256xf32>
    %slice3A_51 = vector.extract_strided_slice %dot_general3A_39 {offsets = [0, 256], sizes = [4096, 256], strides = [1, 1]} : vector<4096x512xf32> to vector<4096x256xf32>
    %mul3A_52 = arith.mulf %slice3A, %slice3A_50 : vector<4096x256xf32>
    %mul3A_53 = arith.mulf %slice3A_49, %slice3A_51 : vector<4096x256xf32>
    %sub3A = arith.subf %mul3A_52, %mul3A_53 : vector<4096x256xf32>
    %convert_element_type3A_54 = arith.truncf %sub3A : vector<4096x256xf32> to vector<4096x256xbf16>
    %mul3A_55 = arith.mulf %slice3A_49, %slice3A_50 : vector<4096x256xf32>
    %mul3A_56 = arith.mulf %slice3A, %slice3A_51 : vector<4096x256xf32>
    %add3A = arith.addf %mul3A_55, %mul3A_56 : vector<4096x256xf32>
    %convert_element_type3A_57 = arith.truncf %add3A : vector<4096x256xf32> to vector<4096x256xbf16>
    %get3A_58 = arith.constant 0 : index
    %get3A_59 = arith.constant 0 : index
    %get3A_60 = vector.load %arg11[%get3A_58, %get3A_59] : memref<256x16xbf16, #tpu.memory_space<vmem>>, vector<256x16xbf16>
    %dot_general3A_61 = arith.constant dense<0.000000e+00> : vector<4096x16xf32>
    %dot_general3A_62 = tpu.matmul %convert_element_type3A_54, %get3A_60, %dot_general3A_61 {dimension_numbers = #tpu.dot_dimension_numbers<[1], [0], [0], [1], [0, 0, 1, 1], [], []>, transpose_lhs_hint = false} : vector<4096x256xbf16>, vector<256x16xbf16>, vector<4096x16xf32> -> vector<4096x16xf32>
    %get3A_63 = arith.constant 0 : index
    %get3A_64 = arith.constant 0 : index
    %get3A_65 = vector.load %arg11[%get3A_63, %get3A_64] : memref<256x16xbf16, #tpu.memory_space<vmem>>, vector<256x16xbf16>
    %dot_general3A_66 = arith.constant dense<0.000000e+00> : vector<4096x16xf32>
    %dot_general3A_67 = tpu.matmul %convert_element_type3A_57, %get3A_65, %dot_general3A_66 {dimension_numbers = #tpu.dot_dimension_numbers<[1], [0], [0], [1], [0, 0, 1, 1], [], []>, transpose_lhs_hint = false} : vector<4096x256xbf16>, vector<256x16xbf16>, vector<4096x16xf32> -> vector<4096x16xf32>
    %broadcast_in_dim3A = arith.constant 1.000000e+00 : f32
    %broadcast_in_dim3A_68 = vector.broadcast %broadcast_in_dim3A : f32 to vector<4096x16xf32>
    %concatenate3A = tpu.concatenate %dot_general3A_62, %dot_general3A_67, %broadcast_in_dim3A_68 in 1 : vector<4096x16xf32>, vector<4096x16xf32>, vector<4096x16xf32> -> vector<4096x48xf32>
    %swap3A = arith.constant 0 : index
    %swap3A_69 = arith.constant 0 : index
    %swap3A_70 = vector.load %arg12[%swap3A, %swap3A_69] : memref<4096x48xf32, #tpu.memory_space<vmem>>, vector<4096x48xf32>
    tpu.vector_store %arg12[%swap3A, %swap3A_69], %concatenate3A {strides = array<i32>} : memref<4096x48xf32, #tpu.memory_space<vmem>>, vector<4096x48xf32>,
    return
  }
  func.func @transform_0(%arg0: i32) -> (i32, i32) {
    %c0_i32 = arith.constant 0 : i32
    %c0_i32_0 = arith.constant 0 : i32
    %c0_i32_1 = arith.constant 0 : i32
    return %c0_i32, %c0_i32_0 : i32, i32
  }
  func.func @transform_1(%arg0: i32) -> (i32, i32) {
    %c0_i32 = arith.constant 0 : i32
    %c0_i32_0 = arith.constant 0 : i32
    %c0_i32_1 = arith.constant 0 : i32
    return %c0_i32, %c0_i32_0 : i32, i32
  }
  func.func @transform_2(%arg0: i32) -> (i32, i32) {
    %c0_i32 = arith.constant 0 : i32
    %c0_i32_0 = arith.constant 0 : i32
    %c0_i32_1 = arith.constant 0 : i32
    return %c0_i32, %c0_i32_0 : i32, i32
  }
  func.func @transform_3(%arg0: i32) -> (i32, i32) {
    %add3A = arith.constant 0 : i32
    %add3A_0 = arith.addi %arg0, %add3A : i32
    %c0_i32 = arith.constant 0 : i32
    %c0_i32_1 = arith.constant 0 : i32
    return %add3A_0, %c0_i32 : i32, i32
  }
  func.func @transform_4(%arg0: i32) -> (i32, i32) {
    %c0_i32 = arith.constant 0 : i32
    %c0_i32_0 = arith.constant 0 : i32
    return %arg0, %c0_i32 : i32, i32
  }
  func.func @transform_5(%arg0: i32) -> (i32, i32) {
    %c0_i32 = arith.constant 0 : i32
    %c0_i32_0 = arith.constant 0 : i32
    %c0_i32_1 = arith.constant 0 : i32
    return %c0_i32, %c0_i32_0 : i32, i32
  }
  func.func @transform_6(%arg0: i32) -> (i32, i32) {
    %c0_i32 = arith.constant 0 : i32
    %c0_i32_0 = arith.constant 0 : i32
    %c0_i32_1 = arith.constant 0 : i32
    return %c0_i32, %c0_i32_0 : i32, i32
  }
  func.func @transform_7(%arg0: i32) -> (i32, i32) {
    %c0_i32 = arith.constant 0 : i32
    %c0_i32_0 = arith.constant 0 : i32
    %c0_i32_1 = arith.constant 0 : i32
    return %c0_i32, %c0_i32_0 : i32, i32
  }
  func.func @transform_8(%arg0: i32) -> (i32, i32) {
    %c0_i32 = arith.constant 0 : i32
    %c0_i32_0 = arith.constant 0 : i32
    %c0_i32_1 = arith.constant 0 : i32
    return %c0_i32, %c0_i32_0 : i32, i32
  }
  func.func @transform_9(%arg0: i32) -> (i32, i32) {
    %c0_i32 = arith.constant 0 : i32
    %c0_i32_0 = arith.constant 0 : i32
    %c0_i32_1 = arith.constant 0 : i32
    return %c0_i32, %c0_i32_0 : i32, i32
  }
  func.func @transform_10(%arg0: i32) -> (i32, i32) {
    %c0_i32 = arith.constant 0 : i32
    %c0_i32_0 = arith.constant 0 : i32
    %c0_i32_1 = arith.constant 0 : i32
    return %c0_i32, %c0_i32_0 : i32, i32
  }
  func.func @transform_11(%arg0: i32) -> (i32, i32) {
    %c0_i32 = arith.constant 0 : i32
    %c0_i32_0 = arith.constant 0 : i32
    return %arg0, %c0_i32 : i32, i32
  }
}

module attributes {stable_mosaic.version = 14 : i64} {
  func.func @_mlp_body(%arg0: i32, %arg1: memref<1x256xf32, #tpu.memory_space<vmem>>, %arg2: memref<1x256xf32, #tpu.memory_space<vmem>>, %arg3: memref<1x256xf32, #tpu.memory_space<vmem>>, %arg4: memref<4096x16xf32, #tpu.memory_space<vmem>>, %arg5: memref<4096x32xf32, #tpu.memory_space<vmem>>, %arg6: memref<16x256xbf16, #tpu.memory_space<vmem>>, %arg7: memref<256x256xbf16, #tpu.memory_space<vmem>>, %arg8: memref<256x256xbf16, #tpu.memory_space<vmem>>, %arg9: memref<256x512xbf16, #tpu.memory_space<vmem>>, %arg10: memref<32x512xbf16, #tpu.memory_space<vmem>>, %arg11: memref<256x16xbf16, #tpu.memory_space<vmem>>, %arg12: memref<4096x48xf32, #tpu.memory_space<vmem>>) attributes {dimension_semantics = [#tpu.dimension_semantics<arbitrary>], iteration_bounds = array<i64: 20>, scalar_prefetch = 0 : i64, scratch_operands = 0 : i64, tpu.core_type = #tpu.core_type<tc>, window_params = [{pipeline_mode = #tpu.pipeline_mode<synchronous>, transform_indices = @transform_0, window_bounds = array<i64: 1, 256>}, {pipeline_mode = #tpu.pipeline_mode<synchronous>, transform_indices = @transform_1, window_bounds = array<i64: 1, 256>}, {pipeline_mode = #tpu.pipeline_mode<synchronous>, transform_indices = @transform_2, window_bounds = array<i64: 1, 256>}, {transform_indices = @transform_3, window_bounds = array<i64: 4096, 16>}, {transform_indices = @transform_4, window_bounds = array<i64: 4096, 32>}, {pipeline_mode = #tpu.pipeline_mode<synchronous>, transform_indices = @transform_5, window_bounds = array<i64: 16, 256>}, {pipeline_mode = #tpu.pipeline_mode<synchronous>, transform_indices = @transform_6, window_bounds = array<i64: 256, 256>}, {pipeline_mode = #tpu.pipeline_mode<synchronous>, transform_indices = @transform_7, window_bounds = array<i64: 256, 256>}, {pipeline_mode = #tpu.pipeline_mode<synchronous>, transform_indices = @transform_8, window_bounds = array<i64: 256, 512>}, {pipeline_mode = #tpu.pipeline_mode<synchronous>, transform_indices = @transform_9, window_bounds = array<i64: 32, 512>}, {pipeline_mode = #tpu.pipeline_mode<synchronous>, transform_indices = @transform_10, window_bounds = array<i64: 256, 16>}, {transform_indices = @transform_11, window_bounds = array<i64: 4096, 48>}]} {
    %get3A = arith.constant 0 : index
    %get3A_0 = arith.constant 0 : index
    %get3A_1 = vector.load %arg4[%get3A, %get3A_0] : memref<4096x16xf32, #tpu.memory_space<vmem>>, vector<4096x16xf32>
    %convert_element_type3A = arith.truncf %get3A_1 : vector<4096x16xf32> to vector<4096x16xbf16>
    %get3A_2 = arith.constant 0 : index
    %get3A_3 = arith.constant 0 : index
    %get3A_4 = vector.load %arg6[%get3A_2, %get3A_3] : memref<16x256xbf16, #tpu.memory_space<vmem>>, vector<16x256xbf16>
    %dot_general3A = arith.constant dense<0.000000e+00> : vector<4096x256xf32>
    %dot_general3A_5 = tpu.matmul %convert_element_type3A, %get3A_4, %dot_general3A {dimension_numbers = #tpu.dot_dimension_numbers<[1], [0], [0], [1], [0, 0, 1, 1], [], []>, transpose_lhs_hint = false} : vector<4096x16xbf16>, vector<16x256xbf16>, vector<4096x256xf32> -> vector<4096x256xf32>
    %get3A_6 = arith.constant 0 : index
    %get3A_7 = arith.constant 0 : index
    %get3A_8 = vector.load %arg1[%get3A_6, %get3A_7] : memref<1x256xf32, #tpu.memory_space<vmem>>, vector<1x256xf32>
    %mul3A = vector.broadcast %get3A_8 : vector<1x256xf32> to vector<4096x256xf32>
    %mul3A_9 = arith.mulf %mul3A, %dot_general3A_5 : vector<4096x256xf32>
    %max3A = arith.maximumf %dot_general3A_5, %mul3A_9 : vector<4096x256xf32>
    %convert_element_type3A_10 = arith.truncf %max3A : vector<4096x256xf32> to vector<4096x256xbf16>
    %get3A_11 = arith.constant 0 : index
    %get3A_12 = arith.constant 0 : index
    %get3A_13 = vector.load %arg7[%get3A_11, %get3A_12] : memref<256x256xbf16, #tpu.memory_space<vmem>>, vector<256x256xbf16>
    %dot_general3A_14 = arith.constant dense<0.000000e+00> : vector<4096x256xf32>
    %dot_general3A_15 = tpu.matmul %convert_element_type3A_10, %get3A_13, %dot_general3A_14 {dimension_numbers = #tpu.dot_dimension_numbers<[1], [0], [0], [1], [0, 0, 1, 1], [], []>, transpose_lhs_hint = false} : vector<4096x256xbf16>, vector<256x256xbf16>, vector<4096x256xf32> -> vector<4096x256xf32>
    %get3A_16 = arith.constant 0 : index
    %get3A_17 = arith.constant 0 : index
    %get3A_18 = vector.load %arg2[%get3A_16, %get3A_17] : memref<1x256xf32, #tpu.memory_space<vmem>>, vector<1x256xf32>
    %mul3A_19 = vector.broadcast %get3A_18 : vector<1x256xf32> to vector<4096x256xf32>
    %mul3A_20 = arith.mulf %mul3A_19, %dot_general3A_15 : vector<4096x256xf32>
    %max3A_21 = arith.maximumf %dot_general3A_15, %mul3A_20 : vector<4096x256xf32>
    %convert_element_type3A_22 = arith.truncf %max3A_21 : vector<4096x256xf32> to vector<4096x256xbf16>
    %get3A_23 = arith.constant 0 : index
    %get3A_24 = arith.constant 0 : index
    %get3A_25 = vector.load %arg8[%get3A_23, %get3A_24] : memref<256x256xbf16, #tpu.memory_space<vmem>>, vector<256x256xbf16>
    %dot_general3A_26 = arith.constant dense<0.000000e+00> : vector<4096x256xf32>
    %dot_general3A_27 = tpu.matmul %convert_element_type3A_22, %get3A_25, %dot_general3A_26 {dimension_numbers = #tpu.dot_dimension_numbers<[1], [0], [0], [1], [0, 0, 1, 1], [], []>, transpose_lhs_hint = false} : vector<4096x256xbf16>, vector<256x256xbf16>, vector<4096x256xf32> -> vector<4096x256xf32>
    %get3A_28 = arith.constant 0 : index
    %get3A_29 = arith.constant 0 : index
    %get3A_30 = vector.load %arg3[%get3A_28, %get3A_29] : memref<1x256xf32, #tpu.memory_space<vmem>>, vector<1x256xf32>
    %mul3A_31 = vector.broadcast %get3A_30 : vector<1x256xf32> to vector<4096x256xf32>
    %mul3A_32 = arith.mulf %mul3A_31, %dot_general3A_27 : vector<4096x256xf32>
    %max3A_33 = arith.maximumf %dot_general3A_27, %mul3A_32 : vector<4096x256xf32>
    %convert_element_type3A_34 = arith.truncf %max3A_33 : vector<4096x256xf32> to vector<4096x256xbf16>
    %get3A_35 = arith.constant 0 : index
    %get3A_36 = arith.constant 0 : index
    %get3A_37 = vector.load %arg9[%get3A_35, %get3A_36] : memref<256x512xbf16, #tpu.memory_space<vmem>>, vector<256x512xbf16>
    %dot_general3A_38 = arith.constant dense<0.000000e+00> : vector<4096x512xf32>
    %dot_general3A_39 = tpu.matmul %convert_element_type3A_34, %get3A_37, %dot_general3A_38 {dimension_numbers = #tpu.dot_dimension_numbers<[1], [0], [0], [1], [0, 0, 1, 1], [], []>, transpose_lhs_hint = false} : vector<4096x256xbf16>, vector<256x512xbf16>, vector<4096x512xf32> -> vector<4096x512xf32>
    %get3A_40 = arith.constant 0 : index
    %get3A_41 = arith.constant 0 : index
    %get3A_42 = vector.load %arg5[%get3A_40, %get3A_41] : memref<4096x32xf32, #tpu.memory_space<vmem>>, vector<4096x32xf32>
    %convert_element_type3A_43 = arith.truncf %get3A_42 : vector<4096x32xf32> to vector<4096x32xbf16>
    %get3A_44 = arith.constant 0 : index
    %get3A_45 = arith.constant 0 : index
    %get3A_46 = vector.load %arg10[%get3A_44, %get3A_45] : memref<32x512xbf16, #tpu.memory_space<vmem>>, vector<32x512xbf16>
    %dot_general3A_47 = arith.constant dense<0.000000e+00> : vector<4096x512xf32>
    %dot_general3A_48 = tpu.matmul %convert_element_type3A_43, %get3A_46, %dot_general3A_47 {dimension_numbers = #tpu.dot_dimension_numbers<[1], [0], [0], [1], [0, 0, 1, 1], [], []>, transpose_lhs_hint = false} : vector<4096x32xbf16>, vector<32x512xbf16>, vector<4096x512xf32> -> vector<4096x512xf32>
    %slice3A = vector.extract_strided_slice %dot_general3A_48 {offsets = [0, 0], sizes = [4096, 256], strides = [1, 1]} : vector<4096x512xf32> to vector<4096x256xf32>
    %slice3A_49 = vector.extract_strided_slice %dot_general3A_48 {offsets = [0, 256], sizes = [4096, 256], strides = [1, 1]} : vector<4096x512xf32> to vector<4096x256xf32>
    %slice3A_50 = vector.extract_strided_slice %dot_general3A_39 {offsets = [0, 0], sizes = [4096, 256], strides = [1, 1]} : vector<4096x512xf32> to vector<4096x256xf32>
    %slice3A_51 = vector.extract_strided_slice %dot_general3A_39 {offsets = [0, 256], sizes = [4096, 256], strides = [1, 1]} : vector<4096x512xf32> to vector<4096x256xf32>
    %mul3A_52 = arith.mulf %slice3A, %slice3A_50 : vector<4096x256xf32>
    %mul3A_53 = arith.mulf %slice3A_49, %slice3A_51 : vector<4096x256xf32>
    %sub3A = arith.subf %mul3A_52, %mul3A_53 : vector<4096x256xf32>
    %convert_element_type3A_54 = arith.truncf %sub3A : vector<4096x256xf32> to vector<4096x256xbf16>
    %mul3A_55 = arith.mulf %slice3A_49, %slice3A_50 : vector<4096x256xf32>
    %mul3A_56 = arith.mulf %slice3A, %slice3A_51 : vector<4096x256xf32>
    %add3A = arith.addf %mul3A_55, %mul3A_56 : vector<4096x256xf32>
    %convert_element_type3A_57 = arith.truncf %add3A : vector<4096x256xf32> to vector<4096x256xbf16>
    %get3A_58 = arith.constant 0 : index
    %get3A_59 = arith.constant 0 : index
    %get3A_60 = vector.load %arg11[%get3A_58, %get3A_59] : memref<256x16xbf16, #tpu.memory_space<vmem>>, vector<256x16xbf16>
    %dot_general3A_61 = arith.constant dense<0.000000e+00> : vector<4096x16xf32>
    %dot_general3A_62 = tpu.matmul %convert_element_type3A_54, %get3A_60, %dot_general3A_61 {dimension_numbers = #tpu.dot_dimension_numbers<[1], [0], [0], [1], [0, 0, 1, 1], [], []>, transpose_lhs_hint = false} : vector<4096x256xbf16>, vector<256x16xbf16>, vector<4096x16xf32> -> vector<4096x16xf32>
    %get3A_63 = arith.constant 0 : index
    %get3A_64 = arith.constant 0 : index
    %get3A_65 = vector.load %arg11[%get3A_63, %get3A_64] : memref<256x16xbf16, #tpu.memory_space<vmem>>, vector<256x16xbf16>
    %dot_general3A_66 = arith.constant dense<0.000000e+00> : vector<4096x16xf32>
    %dot_general3A_67 = tpu.matmul %convert_element_type3A_57, %get3A_65, %dot_general3A_66 {dimension_numbers = #tpu.dot_dimension_numbers<[1], [0], [0], [1], [0, 0, 1, 1], [], []>, transpose_lhs_hint = false} : vector<4096x256xbf16>, vector<256x16xbf16>, vector<4096x16xf32> -> vector<4096x16xf32>
    %broadcast_in_dim3A = arith.constant 1.000000e+00 : f32
    %broadcast_in_dim3A_68 = vector.broadcast %broadcast_in_dim3A : f32 to vector<4096x16xf32>
    %concatenate3A = tpu.concatenate %dot_general3A_62, %dot_general3A_67, %broadcast_in_dim3A_68 in 1 : vector<4096x16xf32>, vector<4096x16xf32>, vector<4096x16xf32> -> vector<4096x48xf32>
    %swap3A = arith.constant 0 : index
    %swap3A_69 = arith.constant 0 : index
    %swap3A_70 = vector.load %arg12[%swap3A, %swap3A_69] : memref<4096x48xf32, #tpu.memory_space<vmem>>, vector<4096x48xf32>
    tpu.vector_store %arg12[%swap3A, %swap3A_69], %concatenate3A {strides = array<i32>} : memref<4096x48xf32, #tpu.memory_space<vmem>>, vector<4096x48xf32>,
    return
  }
  func.func @transform_0(%arg0: i32) -> (i32, i32) {
    %c0_i32 = arith.constant 0 : i32
    %c0_i32_0 = arith.constant 0 : i32
    %c0_i32_1 = arith.constant 0 : i32
    return %c0_i32, %c0_i32_0 : i32, i32
  }
  func.func @transform_1(%arg0: i32) -> (i32, i32) {
    %c0_i32 = arith.constant 0 : i32
    %c0_i32_0 = arith.constant 0 : i32
    %c0_i32_1 = arith.constant 0 : i32
    return %c0_i32, %c0_i32_0 : i32, i32
  }
  func.func @transform_2(%arg0: i32) -> (i32, i32) {
    %c0_i32 = arith.constant 0 : i32
    %c0_i32_0 = arith.constant 0 : i32
    %c0_i32_1 = arith.constant 0 : i32
    return %c0_i32, %c0_i32_0 : i32, i32
  }
  func.func @transform_3(%arg0: i32) -> (i32, i32) {
    %add3A = arith.constant 20 : i32
    %add3A_0 = arith.addi %arg0, %add3A : i32
    %c0_i32 = arith.constant 0 : i32
    %c0_i32_1 = arith.constant 0 : i32
    return %add3A_0, %c0_i32 : i32, i32
  }
  func.func @transform_4(%arg0: i32) -> (i32, i32) {
    %c0_i32 = arith.constant 0 : i32
    %c0_i32_0 = arith.constant 0 : i32
    return %arg0, %c0_i32 : i32, i32
  }
  func.func @transform_5(%arg0: i32) -> (i32, i32) {
    %c0_i32 = arith.constant 0 : i32
    %c0_i32_0 = arith.constant 0 : i32
    %c0_i32_1 = arith.constant 0 : i32
    return %c0_i32, %c0_i32_0 : i32, i32
  }
  func.func @transform_6(%arg0: i32) -> (i32, i32) {
    %c0_i32 = arith.constant 0 : i32
    %c0_i32_0 = arith.constant 0 : i32
    %c0_i32_1 = arith.constant 0 : i32
    return %c0_i32, %c0_i32_0 : i32, i32
  }
  func.func @transform_7(%arg0: i32) -> (i32, i32) {
    %c0_i32 = arith.constant 0 : i32
    %c0_i32_0 = arith.constant 0 : i32
    %c0_i32_1 = arith.constant 0 : i32
    return %c0_i32, %c0_i32_0 : i32, i32
  }
  func.func @transform_8(%arg0: i32) -> (i32, i32) {
    %c0_i32 = arith.constant 0 : i32
    %c0_i32_0 = arith.constant 0 : i32
    %c0_i32_1 = arith.constant 0 : i32
    return %c0_i32, %c0_i32_0 : i32, i32
  }
  func.func @transform_9(%arg0: i32) -> (i32, i32) {
    %c0_i32 = arith.constant 0 : i32
    %c0_i32_0 = arith.constant 0 : i32
    %c0_i32_1 = arith.constant 0 : i32
    return %c0_i32, %c0_i32_0 : i32, i32
  }
  func.func @transform_10(%arg0: i32) -> (i32, i32) {
    %c0_i32 = arith.constant 0 : i32
    %c0_i32_0 = arith.constant 0 : i32
    %c0_i32_1 = arith.constant 0 : i32
    return %c0_i32, %c0_i32_0 : i32, i32
  }
  func.func @transform_11(%arg0: i32) -> (i32, i32) {
    %c0_i32 = arith.constant 0 : i32
    %c0_i32_0 = arith.constant 0 : i32
    return %arg0, %c0_i32 : i32, i32
  }
}

module attributes {stable_mosaic.version = 14 : i64} {
  func.func @_fin_body(%arg0: i32, %arg1: memref<1x2xf32, #tpu.memory_space<smem>>, %arg2: memref<2x1000x48xf32, #tpu.memory_space<vmem>>, %arg3: memref<2x1000x48xf32, #tpu.memory_space<vmem>>, %arg4: memref<1000x16xf32, #tpu.memory_space<vmem>>, %arg5: memref<1000x16xf32, #tpu.memory_space<vmem>>, %arg6: memref<16x16xf32, #tpu.memory_space<vmem>>, %arg7: memref<16x16xf32, #tpu.memory_space<vmem>>, %arg8: memref<1x16xf32, #tpu.memory_space<vmem>>, %arg9: memref<1x16xf32, #tpu.memory_space<vmem>>, %arg10: memref<1000x16xf32, #tpu.memory_space<vmem>>, %arg11: memref<1000x16xf32, #tpu.memory_space<vmem>>) attributes {dimension_semantics = [#tpu.dimension_semantics<arbitrary>], iteration_bounds = array<i64: 10>, scalar_prefetch = 0 : i64, scratch_operands = 0 : i64, tpu.core_type = #tpu.core_type<tc>, window_params = [{transform_indices = @transform_0, window_bounds = array<i64: 1, 2>}, {transform_indices = @transform_1, window_bounds = array<i64: 2, 1000, 48>}, {transform_indices = @transform_2, window_bounds = array<i64: 2, 1000, 48>}, {transform_indices = @transform_3, window_bounds = array<i64: 1000, 16>}, {transform_indices = @transform_4, window_bounds = array<i64: 1000, 16>}, {pipeline_mode = #tpu.pipeline_mode<synchronous>, transform_indices = @transform_5, window_bounds = array<i64: 16, 16>}, {pipeline_mode = #tpu.pipeline_mode<synchronous>, transform_indices = @transform_6, window_bounds = array<i64: 16, 16>}, {pipeline_mode = #tpu.pipeline_mode<synchronous>, transform_indices = @transform_7, window_bounds = array<i64: 1, 16>}, {pipeline_mode = #tpu.pipeline_mode<synchronous>, transform_indices = @transform_8, window_bounds = array<i64: 1, 16>}, {transform_indices = @transform_9, window_bounds = array<i64: 1000, 16>}, {transform_indices = @transform_10, window_bounds = array<i64: 1000, 16>}]} {
    %get3A = arith.constant 0 : index
    %get3A_0 = arith.constant 0 : index
    %get3A_1 = arith.constant 0 : index
    %get3A_2 = vector.load %arg2[%get3A, %get3A_0, %get3A_1] : memref<2x1000x48xf32, #tpu.memory_space<vmem>>, vector<1x1000x48xf32>
    %get3A_3 = vector.shape_cast %get3A_2 : vector<1x1000x48xf32> to vector<1000x48xf32>
    %get3A_4 = arith.constant 1 : index
    %get3A_5 = arith.constant 0 : index
    %get3A_6 = arith.constant 0 : index
    %get3A_7 = vector.load %arg2[%get3A_4, %get3A_5, %get3A_6] : memref<2x1000x48xf32, #tpu.memory_space<vmem>>, vector<1x1000x48xf32>
    %get3A_8 = vector.shape_cast %get3A_7 : vector<1x1000x48xf32> to vector<1000x48xf32>
    %add3A = arith.addf %get3A_3, %get3A_8 : vector<1000x48xf32>
    %add3A_9 = arith.constant 0.000000e+00 : f32
    %add3A_10 = vector.broadcast %add3A_9 : f32 to vector<1000x48xf32>
    %add3A_11 = arith.addf %add3A_10, %add3A : vector<1000x48xf32>
    %get3A_12 = arith.constant 0 : index
    %get3A_13 = arith.constant 0 : index
    %get3A_14 = arith.constant 0 : index
    %get3A_15 = vector.load %arg3[%get3A_12, %get3A_13, %get3A_14] : memref<2x1000x48xf32, #tpu.memory_space<vmem>>, vector<1x1000x48xf32>
    %get3A_16 = vector.shape_cast %get3A_15 : vector<1x1000x48xf32> to vector<1000x48xf32>
    %get3A_17 = arith.constant 1 : index
    %get3A_18 = arith.constant 0 : index
    %get3A_19 = arith.constant 0 : index
    %get3A_20 = vector.load %arg3[%get3A_17, %get3A_18, %get3A_19] : memref<2x1000x48xf32, #tpu.memory_space<vmem>>, vector<1x1000x48xf32>
    %get3A_21 = vector.shape_cast %get3A_20 : vector<1x1000x48xf32> to vector<1000x48xf32>
    %add3A_22 = arith.addf %get3A_16, %get3A_21 : vector<1000x48xf32>
    %add3A_23 = arith.addf %add3A_11, %add3A_22 : vector<1000x48xf32>
    %slice3A = vector.extract_strided_slice %add3A_23 {offsets = [0, 32], sizes = [1000, 16], strides = [1, 1]} : vector<1000x48xf32> to vector<1000x16xf32>
    %max3A = arith.constant 1.000000e+00 : f32
    %max3A_24 = vector.broadcast %max3A : f32 to vector<1000x16xf32>
    %max3A_25 = arith.maximumf %slice3A, %max3A_24 : vector<1000x16xf32>
    %slice3A_26 = vector.extract_strided_slice %add3A_23 {offsets = [0, 0], sizes = [1000, 16], strides = [1, 1]} : vector<1000x48xf32> to vector<1000x16xf32>
    %div3A = arith.divf %slice3A_26, %max3A_25 : vector<1000x16xf32>
    %slice3A_27 = vector.extract_strided_slice %add3A_23 {offsets = [0, 16], sizes = [1000, 16], strides = [1, 1]} : vector<1000x48xf32> to vector<1000x16xf32>
    %div3A_28 = arith.divf %slice3A_27, %max3A_25 : vector<1000x16xf32>
    %get3A_29 = arith.constant 0 : index
    %get3A_30 = arith.constant 0 : index
    %get3A_31 = vector.load %arg4[%get3A_29, %get3A_30] : memref<1000x16xf32, #tpu.memory_space<vmem>>, vector<1000x16xf32>
    %get3A_32 = arith.constant 0 : index
    %get3A_33 = arith.constant 0 : index
    %get3A_34 = vector.load %arg5[%get3A_32, %get3A_33] : memref<1000x16xf32, #tpu.memory_space<vmem>>, vector<1000x16xf32>
    %get3A_35 = arith.constant 0 : index
    %get3A_36 = arith.constant 0 : index
    %get3A_37 = vector.load %arg6[%get3A_35, %get3A_36] : memref<16x16xf32, #tpu.memory_space<vmem>>, vector<16x16xf32>
    %dot_general3A = arith.constant dense<0.000000e+00> : vector<1000x16xf32>
    %dot_general3A_38 = tpu.matmul %get3A_31, %get3A_37, %dot_general3A {dimension_numbers = #tpu.dot_dimension_numbers<[1], [0], [0], [1], [0, 0, 1, 1], [], []>, transpose_lhs_hint = false} : vector<1000x16xf32>, vector<16x16xf32>, vector<1000x16xf32> -> vector<1000x16xf32>
    %get3A_39 = arith.constant 0 : index
    %get3A_40 = arith.constant 0 : index
    %get3A_41 = vector.load %arg6[%get3A_39, %get3A_40] : memref<16x16xf32, #tpu.memory_space<vmem>>, vector<16x16xf32>
    %dot_general3A_42 = arith.constant dense<0.000000e+00> : vector<1000x16xf32>
    %dot_general3A_43 = tpu.matmul %get3A_34, %get3A_41, %dot_general3A_42 {dimension_numbers = #tpu.dot_dimension_numbers<[1], [0], [0], [1], [0, 0, 1, 1], [], []>, transpose_lhs_hint = false} : vector<1000x16xf32>, vector<16x16xf32>, vector<1000x16xf32> -> vector<1000x16xf32>
    %get3A_44 = arith.constant 0 : index
    %get3A_45 = arith.constant 0 : index
    %get3A_46 = vector.load %arg7[%get3A_44, %get3A_45] : memref<16x16xf32, #tpu.memory_space<vmem>>, vector<16x16xf32>
    %dot_general3A_47 = arith.constant dense<0.000000e+00> : vector<1000x16xf32>
    %dot_general3A_48 = tpu.matmul %get3A_31, %get3A_46, %dot_general3A_47 {dimension_numbers = #tpu.dot_dimension_numbers<[1], [0], [0], [1], [0, 0, 1, 1], [], []>, transpose_lhs_hint = false} : vector<1000x16xf32>, vector<16x16xf32>, vector<1000x16xf32> -> vector<1000x16xf32>
    %get3A_49 = arith.constant 0 : index
    %get3A_50 = arith.constant 0 : index
    %get3A_51 = vector.load %arg7[%get3A_49, %get3A_50] : memref<16x16xf32, #tpu.memory_space<vmem>>, vector<16x16xf32>
    %dot_general3A_52 = arith.constant dense<0.000000e+00> : vector<1000x16xf32>
    %dot_general3A_53 = tpu.matmul %get3A_34, %get3A_51, %dot_general3A_52 {dimension_numbers = #tpu.dot_dimension_numbers<[1], [0], [0], [1], [0, 0, 1, 1], [], []>, transpose_lhs_hint = false} : vector<1000x16xf32>, vector<16x16xf32>, vector<1000x16xf32> -> vector<1000x16xf32>
    %add3A_54 = arith.addf %div3A, %dot_general3A_38 : vector<1000x16xf32>
    %sub3A = arith.subf %add3A_54, %dot_general3A_53 : vector<1000x16xf32>
    %get3A_55 = arith.constant 0 : index
    %get3A_56 = arith.constant 0 : index
    %get3A_57 = vector.load %arg8[%get3A_55, %get3A_56] : memref<1x16xf32, #tpu.memory_space<vmem>>, vector<1x16xf32>
    %get3A_58 = arith.constant 0 : index
    %get3A_59 = arith.constant 0 : index
    %get3A_60 = vector.load %arg9[%get3A_58, %get3A_59] : memref<1x16xf32, #tpu.memory_space<vmem>>, vector<1x16xf32>
    %sub3A_61 = arith.subf %get3A_57, %get3A_60 : vector<1x16xf32>
    %add3A_62 = vector.broadcast %sub3A_61 : vector<1x16xf32> to vector<1000x16xf32>
    %add3A_63 = arith.addf %sub3A, %add3A_62 : vector<1000x16xf32>
    %add3A_64 = arith.addf %div3A_28, %dot_general3A_43 : vector<1000x16xf32>
    %add3A_65 = arith.addf %add3A_64, %dot_general3A_48 : vector<1000x16xf32>
    %get3A_66 = arith.constant 0 : index
    %get3A_67 = arith.constant 0 : index
    %get3A_68 = vector.load %arg8[%get3A_66, %get3A_67] : memref<1x16xf32, #tpu.memory_space<vmem>>, vector<1x16xf32>
    %get3A_69 = arith.constant 0 : index
    %get3A_70 = arith.constant 0 : index
    %get3A_71 = vector.load %arg9[%get3A_69, %get3A_70] : memref<1x16xf32, #tpu.memory_space<vmem>>, vector<1x16xf32>
    %add3A_72 = arith.addf %get3A_68, %get3A_71 : vector<1x16xf32>
    %add3A_73 = vector.broadcast %add3A_72 : vector<1x16xf32> to vector<1000x16xf32>
    %add3A_74 = arith.addf %add3A_65, %add3A_73 : vector<1000x16xf32>
    %get3A_75 = arith.constant 0 : index
    %get3A_76 = arith.constant 0 : index
    %get3A_77 = memref.load %arg1[%get3A_75, %get3A_76] : memref<1x2xf32, #tpu.memory_space<smem>>
    %ge3A = arith.constant 0.000000e+00 : f32
    %ge3A_78 = vector.broadcast %ge3A : f32 to vector<1000x16xf32>
    %ge3A_79 = arith.cmpf oge, %add3A_63, %ge3A_78 : vector<1000x16xf32>
    %mul3A = vector.broadcast %get3A_77 : f32 to vector<1000x16xf32>
    %mul3A_80 = arith.mulf %mul3A, %add3A_63 : vector<1000x16xf32>
    %select_n3A = arith.select %ge3A_79, %add3A_63, %mul3A_80 : vector<1000x16xi1>, vector<1000x16xf32>
    %swap3A = arith.constant 0 : index
    %swap3A_81 = arith.constant 0 : index
    %swap3A_82 = vector.load %arg10[%swap3A, %swap3A_81] : memref<1000x16xf32, #tpu.memory_space<vmem>>, vector<1000x16xf32>
    tpu.vector_store %arg10[%swap3A, %swap3A_81], %select_n3A {strides = array<i32>} : memref<1000x16xf32, #tpu.memory_space<vmem>>, vector<1000x16xf32>,
    %get3A_83 = arith.constant 0 : index
    %get3A_84 = arith.constant 1 : index
    %get3A_85 = memref.load %arg1[%get3A_83, %get3A_84] : memref<1x2xf32, #tpu.memory_space<smem>>
    %ge3A_86 = arith.constant 0.000000e+00 : f32
    %ge3A_87 = vector.broadcast %ge3A_86 : f32 to vector<1000x16xf32>
    %ge3A_88 = arith.cmpf oge, %add3A_74, %ge3A_87 : vector<1000x16xf32>
    %mul3A_89 = vector.broadcast %get3A_85 : f32 to vector<1000x16xf32>
    %mul3A_90 = arith.mulf %mul3A_89, %add3A_74 : vector<1000x16xf32>
    %select_n3A_91 = arith.select %ge3A_88, %add3A_74, %mul3A_90 : vector<1000x16xi1>, vector<1000x16xf32>
    %swap3A_92 = arith.constant 0 : index
    %swap3A_93 = arith.constant 0 : index
    %swap3A_94 = vector.load %arg11[%swap3A_92, %swap3A_93] : memref<1000x16xf32, #tpu.memory_space<vmem>>, vector<1000x16xf32>
    tpu.vector_store %arg11[%swap3A_92, %swap3A_93], %select_n3A_91 {strides = array<i32>} : memref<1000x16xf32, #tpu.memory_space<vmem>>, vector<1000x16xf32>,
    return
  }
  func.func @transform_0(%arg0: i32) -> (i32, i32) {
    %c0_i32 = arith.constant 0 : i32
    %c0_i32_0 = arith.constant 0 : i32
    %c0_i32_1 = arith.constant 0 : i32
    return %c0_i32, %c0_i32_0 : i32, i32
  }
  func.func @transform_1(%arg0: i32) -> (i32, i32, i32) {
    %c0_i32 = arith.constant 0 : i32
    %c0_i32_0 = arith.constant 0 : i32
    %c0_i32_1 = arith.constant 0 : i32
    return %c0_i32, %arg0, %c0_i32_0 : i32, i32, i32
  }
  func.func @transform_2(%arg0: i32) -> (i32, i32, i32) {
    %c0_i32 = arith.constant 0 : i32
    %c0_i32_0 = arith.constant 0 : i32
    %c0_i32_1 = arith.constant 0 : i32
    return %c0_i32, %arg0, %c0_i32_0 : i32, i32, i32
  }
  func.func @transform_3(%arg0: i32) -> (i32, i32) {
    %c0_i32 = arith.constant 0 : i32
    %c0_i32_0 = arith.constant 0 : i32
    return %arg0, %c0_i32 : i32, i32
  }
  func.func @transform_4(%arg0: i32) -> (i32, i32) {
    %c0_i32 = arith.constant 0 : i32
    %c0_i32_0 = arith.constant 0 : i32
    return %arg0, %c0_i32 : i32, i32
  }
  func.func @transform_5(%arg0: i32) -> (i32, i32) {
    %c0_i32 = arith.constant 0 : i32
    %c0_i32_0 = arith.constant 0 : i32
    %c0_i32_1 = arith.constant 0 : i32
    return %c0_i32, %c0_i32_0 : i32, i32
  }
  func.func @transform_6(%arg0: i32) -> (i32, i32) {
    %c0_i32 = arith.constant 0 : i32
    %c0_i32_0 = arith.constant 0 : i32
    %c0_i32_1 = arith.constant 0 : i32
    return %c0_i32, %c0_i32_0 : i32, i32
  }
  func.func @transform_7(%arg0: i32) -> (i32, i32) {
    %c0_i32 = arith.constant 0 : i32
    %c0_i32_0 = arith.constant 0 : i32
    %c0_i32_1 = arith.constant 0 : i32
    return %c0_i32, %c0_i32_0 : i32, i32
  }
  func.func @transform_8(%arg0: i32) -> (i32, i32) {
    %c0_i32 = arith.constant 0 : i32
    %c0_i32_0 = arith.constant 0 : i32
    %c0_i32_1 = arith.constant 0 : i32
    return %c0_i32, %c0_i32_0 : i32, i32
  }
  func.func @transform_9(%arg0: i32) -> (i32, i32) {
    %c0_i32 = arith.constant 0 : i32
    %c0_i32_0 = arith.constant 0 : i32
    return %arg0, %c0_i32 : i32, i32
  }
  func.func @transform_10(%arg0: i32) -> (i32, i32) {
    %c0_i32 = arith.constant 0 : i32
    %c0_i32_0 = arith.constant 0 : i32
    return %arg0, %c0_i32 : i32, i32
  }
}

</mosaic_0001>

<sc_bundles>
// kernel: kernel.12.cloned.1.call-start
scs
__scs_entry_jumppad:
0x0: {  	(pc) =	sbr.rel $0x88, $3  }
0x1: {  	(tag) =	ssettag $0x0;
	lr =	simm.s32 $0x1  }
0x2: {  	[smem:$0x3F89] =	sst lr;
	_ =	strace $0xD0000000  }
0x3: {  	_ = 	snop  }
0x4: {  	_ = 	snop  }
0x5: {  	_ = 	snop  }
0x6: {  	_ = 	snop  }
0x7: {  	_ = 	snop  }
__scs_overlays_trampoline_lowered:
0x8: {  	[smem:$0x3F98] =	sst s0  }
0x9: {  	[smem:$0x3F99] =	sst s1  }
0xa: {  	[smem:$0x3F9A] =	sst s2  }
0xb: {  	[smem:$0x3F9B] =	sst s3  }
0xc: {  	[smem:$0x3F9C] =	sst s4  }
0xd: {  	[smem:$0x3F9D] =	sst s5  }
0xe: {  	[smem:$0x3F9E] =	sst s6  }
0xf: {  	[smem:$0x3F9F] =	sst s7  }
0x10: {  	[smem:$0x3FA0] =	sst s8  }
0x11: {  	[smem:$0x3FA1] =	sst s9;
	s0 =	simm.s32 @!p0 $0x0  }
0x12: {  	s1 =	sld [smem:$0x3F87];
	s0 =	simm.s32 @p0 $0x1  }
0x13: {  	[smem:$0x3FA2] =	sst s0;
	s0 =	simm.s32 @!p1 $0x0  }
0x14: {  	s2 =	sld [smem:$0x3F86];
	s0 =	simm.s32 @p1 $0x1  }
0x15: {  	[smem:$0x3FA3] =	sst s0;
	s0 =	simm.s32 @!p2 $0x0  }
0x16: {  	s3 =	sld [smem:$0x3FDB];
	s0 =	simm.s32 @p2 $0x1  }
0x17: {  	s4 =	simm.s32 $0x1BF5;
	[smem:$0x3FA5] =	sst s0  }
0x18: {  	s0 =	sld [smem:$0x3F88];
	_ =	swait.ge [sflag:s4], $0x0  }
0x19: {  	s7 =	sld [smem:$0x3F89]  }
0x1a: {  	s8 =	sadd.s32 $0xFFFFE003, lr  }
0x1b: {  	s9 =	sadd.s32 $0xFFFFFEF7, lr;
	s5 =	simm.s32 $0xFFFFFFFF;
	p2 =	slt.u32 s8, $0xFFFFF086  }
0x1c: {  	p1 =	slt.u32 s9, $0xF7A;
	s5 =	simm.s32 @!p2 $0x0  }
0x1d: {  	s5 =	simm.s32 @p1 $0x1;
	p0 =	seq.s32 s7, s2  }
0x1e: {  	s7 =	smul.u32 @!p0 $0xF7A, s2;
	p2 =	seq.s32 @!p0 s5, $0x0  }
0x1f: {  	s9 =	smul.u32 $0xF7A, s1;
	s8 =	simm.s32 @!p0 $0x1BF5;
	p2 =	por !p2, p0  }
0x20: {  	[sflag:s8] =	ssyncset.s32 @!p0 $0xFFFFF086;
	s6 =	sadd.s32 @!p0 s3, s7;
	s7 =	simm.s32 @!p0 $0x108  }
0x21: {  	s3 =	sadd.s32 s3, s9;
	s6 =	sadd.s32 @!p0 $0x88, s6;
	s7 =	simm.s32 @p2 $0x1082  }
0x22: {  	[simem:s7], [sflag:s8] =	dma.local @!p0 [hbm:s6], $0xF7A  }
0x23: {  	s9 =	sor.u32 $0xD0000000, s2;
	s6 =	simm.s32 $0x108;
	_ =	swait.ge @!p0 [sflag:s8], $0x0  }
0x24: {  	s3 =	sadd.s32 $0x88, s3;
	s6 =	simm.s32 @!p1 $0x1082;
	[sflag:s4] =	ssyncset.s32 $0xFFFFF086  }
0x25: {  	[simem:s6], [sflag:s4] =	dma.local [hbm:s3], $0xF7A  }
0x26: {  	[smem:$0x3F89] =	sst s1;
	(tag) =	ssettag s2;
	_ =	strace s9  }
0x27: {  	s1 =	sld [smem:$0x3F99]  }
0x28: {  	s2 =	sld [smem:$0x3F9A]  }
0x29: {  	s4 =	sld [smem:$0x3F9C]  }
0x2a: {  	p0 =	seq.s32 s5, $0x0;
	s5 =	sld [smem:$0x3F9D]  }
0x2b: {  	s6 =	sld [smem:$0x3F9E]  }
0x2c: {  	s7 =	sld [smem:$0x3F9F]  }
0x2d: {  	s3 =	simm.s32 $0x108;
	s8 =	sld [smem:$0x3FA0]  }
0x2e: {  	s3 =	simm.s32 @!p0 $0x1082;
	s9 =	sld [smem:$0x3FA1]  }
0x2f: {  	lr =	sadd.s32 s0, s3;
	s0 =	sld [smem:$0x3F98]  }
0x30: {  	s3 =	sld [smem:$0x3F9B]  }
0x31: {  	[smem:$0x3FA4] =	sst s10  }
0x32: {  	s10 =	sld [smem:$0x3FA2];
	_ =	sdelay $0x3  }
0x33: {  	p0 =	seq.s32 s10, $0x1;
	s10 =	sld [smem:$0x3FA4];
	_ =	sdelay $0x3  }
0x34: {  	[smem:$0x3FA4] =	sst s10  }
0x35: {  	s10 =	sld [smem:$0x3FA3];
	_ =	sdelay $0x3  }
0x36: {  	p1 =	seq.s32 s10, $0x1;
	s10 =	sld [smem:$0x3FA4];
	_ =	sdelay $0x3  }
0x37: {  	[smem:$0x3FA4] =	sst s10  }
0x38: {  	s10 =	sld [smem:$0x3FA5]  }
0x39: {  	_ = 	snop;
	(pc) =	sbr.ind lr, $3  }
0x3a: {  	_ = 	snop  }
0x3b: {  	_ = 	snop  }
0x3c: {  	p2 =	seq.s32 s10, $0x1;
	s10 =	sld [smem:$0x3FA4]  }
0x3d: {  	_ =	shalt  }
0x3e: {  	_ =	shalt  }
0x3f: {  	_ =	shalt  }
0x40: {  	_ =	shalt  }
0x41: {  	_ =	shalt  }
0x42: {  	_ =	shalt  }
0x43: {  	_ =	shalt  }
0x44: {  	_ =	shalt  }
0x45: {  	_ =	shalt  }
0x46: {  	_ =	shalt  }
0x47: {  	_ =	shalt  }
0x48: {  	_ =	shalt  }
0x49: {  	_ =	shalt  }
0x4a: {  	_ =	shalt  }
0x4b: {  	_ =	shalt  }
0x4c: {  	_ =	shalt  }
0x4d: {  	_ =	shalt  }
0x4e: {  	_ =	shalt  }
0x4f: {  	_ =	shalt  }
0x50: {  	_ =	shalt  }
0x51: {  	_ =	shalt  }
0x52: {  	_ =	shalt  }
0x53: {  	_ =	shalt  }
0x54: {  	_ =	shalt  }
0x55: {  	_ =	shalt  }
0x56: {  	_ =	shalt  }
0x57: {  	_ =	shalt  }
0x58: {  	_ =	shalt  }
0x59: {  	_ =	shalt  }
0x5a: {  	_ =	shalt  }
0x5b: {  	_ =	shalt  }
0x5c: {  	_ =	shalt  }
0x5d: {  	_ =	shalt  }
0x5e: {  	_ =	shalt  }
0x5f: {  	_ =	shalt  }
0x60: {  	_ =	shalt  }
0x61: {  	_ =	shalt  }
0x62: {  	_ =	shalt  }
0x63: {  	_ =	shalt  }
0x64: {  	_ =	shalt  }
0x65: {  	_ =	shalt  }
0x66: {  	_ =	shalt  }
0x67: {  	_ =	shalt  }
0x68: {  	_ =	shalt  }
0x69: {  	_ =	shalt  }
0x6a: {  	_ =	shalt  }
0x6b: {  	_ =	shalt  }
0x6c: {  	_ =	shalt  }
0x6d: {  	_ =	shalt  }
0x6e: {  	_ =	shalt  }
0x6f: {  	_ =	shalt  }
0x70: {  	_ =	shalt  }
0x71: {  	_ =	shalt  }
0x72: {  	_ =	shalt  }
0x73: {  	_ =	shalt  }
0x74: {  	_ =	shalt  }
0x75: {  	_ =	shalt  }
0x76: {  	_ =	shalt  }
0x77: {  	_ =	shalt  }
0x78: {  	_ =	shalt  }
0x79: {  	_ =	shalt  }
0x7a: {  	_ =	shalt  }
0x7b: {  	_ =	shalt  }
0x7c: {  	_ =	shalt  }
0x7d: {  	_ =	shalt  }
0x7e: {  	_ =	shalt  }
0x7f: {  	_ =	shalt  }
0x80: {  	_ =	shalt  }
0x81: {  	_ =	shalt  }
0x82: {  	_ =	shalt  }
0x83: {  	_ =	shalt  }
0x84: {  	_ =	shalt  }
0x85: {  	_ =	shalt  }
0x86: {  	_ =	shalt  }
0x87: {  	_ =	shalt  }
.Lfunc_end0:
.L_simem_size_0:
called_computation.1_lowered:
.L_overlay_start_0:
0x88: {  	s2 =	sld [smem:$0x3FD9]  }
0x89: {  	s3 =	sld [smem:$0x3FFE];
	_ =	sdelay $0x1  }
0x8a: {  	s1 =	srdreg.scid  }
0x8b: {  	s0 =	sand.u32 $0x1, s1  }
0x8c: {  	s17 =	sshll.u32 s0, $0xA;
	s2 =	sadd.s32 s3, s2  }
0x8d: {  	s2 =	sadd.s32 s2, s17  }
0x8e: {  	[smem:$0x3FB0] =	sst s2  }
0x8f: {  	_ = 	snop  }
0x90: {  	(tm) =	ssettm $0x1  }
0x91: {  	s18 =	sld [smem:$0x3FFB];
	_ =	sdelay $0x3  }
0x92: {  	_ =	strace s18  }
0x93: {  	s2 =	sld [smem:$0x3FFC];
	_ =	sdelay $0x3  }
0x94: {  	_ =	strace s2  }
0x95: {  	s2 =	sld [smem:$0x3FFD];
	_ =	sdelay $0x3  }
0x96: {  	_ =	strace s2  }
0x97: {  	_ =	strace $0x8FFFFFFF  }
0x98: {  	s19 =	sld [smem:$0x3FDB];
	_ =	sdelay $0x1  }
0x99: {  	s20 =	simm.s32 $_scs_section_size  }
0x9a: {  	s4 =	simm.s32 $_size__tile_overlayer_lowered;
	s5 =	simm.s32 $_tile_overlayer_lowered  }
0x9b: {  	s6 =	simm.s32 $0x1BFF;
	s21 =	sshll.u32 s5, $0x1;
	s3 =	sadd.s32 s20, s19  }
0x9c: {  	s22 =	simm.s32 $0x0;
	s4 =	sshll.u32 s4, $0x1;
	s5 =	sadd.s32 s21, s3  }
0x9d: {  	[timem:s22], [sflag:s6] =	dma.local [hbm:s5], s4  }
0x9e: {  	_ =	swait.ge [sflag:s6], s4  }
0x9f: {  	s4 =	ssub.s32 $0x0, s4;
	[sflag:s6] =	ssyncset.done $0x0  }
0xa0: {  	[sflag:s6] =	ssyncadd.s32 s4;
	_ =	sdelay $0x1  }
0xa1: {  	s23 =	simm.s32 $0x1B8B  }
0xa2: {  	_ =	swait.ge [sflag:s23], $0x1  }
0xa3: {  	[sflag:s23] =	ssyncset.done $0x0  }
0xa4: {  	[sflag:s23] =	ssyncadd.s32 $0xFFFFFFFF  }
0xa5: {  	s4 =	sld [smem:$0x0]  }
0xa6: {  	s5 =	sand.u32 $0xFFFFFFFE, s1  }
0xa7: {  	p0 =	sne.s32 s1, s5  }
0xa8: {  	s5 =	sshll.u32 @p0 s5, $0xE  }
0xa9: {  	s5 =	sadd.s32 @p0 $0x11B8D, s5;
	s6 =	sshll.u32 @p0 s4, $0x11  }
0xaa: {  	s5 =	sor.u32 @p0 s6, s5  }
0xab: {  	[sflag:s5] =	ssyncadd.remote.s32 @p0 $0x1;
	_ =	sdelay $0x1  }
0xac: {  	s5 =	simm.s32 @p0 $0x1B8D  }
0xad: {  	_ =	swait.eq @p0 [sflag:s5], $0x1  }
0xae: {  	[sflag:s5] =	ssyncadd.s32 @p0 $0xFFFFFFFF  }
0xaf: {  	s6 =	sshll.u32 @!p0 s1, $0xE  }
0xb0: {  	s6 =	sor.u32 @!p0 $0x4000, s6;
	s5 =	simm.s32 @!p0 $0x1B8D  }
0xb1: {  	s4 =	sshll.u32 @!p0 s4, $0x11;
	s6 =	sadd.s32 @!p0 $0x11B8D, s6;
	_ =	swait.eq @!p0 [sflag:s5], $0x1  }
0xb2: {  	s4 =	sor.u32 @!p0 s4, s6;
	[sflag:s5] =	ssyncadd.s32 @!p0 $0xFFFFFFFF  }
0xb3: {  	s25 =	simm.s32 $0x1B8E;
	s24 =	sld [smem:$0x3FFE];
	[sflag:s4] =	ssyncadd.remote.s32 @!p0 $0x1  }
0xb4: {  	s26 =	simm.s32 $execute0_lowered;
	[smem:$0x3FD2] =	sst s25  }
0xb5: {  	s5 =	sshll.u32 s26, $0x1;
	_ =	strace $0x80000049;
	[dreg:$0x1] =	wrdreg $0xFFFFFFFF  }
0xb6: {  	s28 =	simm.s32 $_size_execute0_lowered;
	s3 =	sadd.s32 s3, s5;
	[dreg:$0x0] =	wrdreg $0x0  }
0xb7: {  	s5 =	sshll.u32 s28, $0x1;
	[dreg:$0x2] =	wrdreg s3  }
0xb8: {  	[dreg:$0x3] =	wrdreg s5  }
0xb9: {  	[dreg:$0x4] =	wrdreg $0xC0  }
0xba: {  	_ =	task [dreg:s22], $0x5FFFF  }
0xbb: {  	[dreg:$0x1] =	wrdreg $0xFFFFFFFF  }
0xbc: {  	[dreg:$0x0] =	wrdreg $0x60  }
0xbd: {  	[dreg:$0x2] =	wrdreg s24  }
0xbe: {  	[dreg:$0x3] =	wrdreg $0x9  }
0xbf: {  	_ =	task.clear_ibuf [dreg:s22], $0x4FFFF;
	_ =	strace $0x90000049  }
0xc0: {  	s29 =	simm.s32 $0x9;
	_ =	strace $0x8000004B  }
0xc1: {  	_ =	swait.ge [sflag:s29], $0x1  }
0xc2: {  	[sflag:s29] =	ssyncadd.s32 $0xFFFFFFFF  }
0xc3: {  	_ =	strace $0x9000004B  }
0xc4: {  	_ =	sfence  }
0xc5: {  	s30 =	sld [smem:$0x0];
	_ =	sdelay $0x2  }
0xc6: {  	s31 =	sshll.u32 s1, $0xD;
	s1 =	sshrl.u32 s1, $0x2  }
0xc7: {  	s4 =	sand.u32 $0x4000, s31;
	s1 =	sadd.s32 s1, s30  }
0xc8: {  	s0 =	sor.u32 s4, s0;
	s1 =	sshll.u32 s1, $0x11  }
0xc9: {  	s0 =	sor.u32 s1, s0  }
0xca: {  	s0 =	sadd.s32 $0x8F2B, s0  }
0xcb: {  	[sflag:s0] =	ssyncadd.remote.s32 $0x1  }
0xcc: {  	_ =	sfence.sel $0xFFFF  }
0xcd: {  	[dreg:$0x0] =	wrdreg $0xFFFFFFFF;
	(pc) =	sbr.abs _section_cstart, $3  }
0xce: {  	[dreg:$0x1] =	wrdreg $0xFFFFFFFF  }
0xcf: {  	_ =	task.clear_ibuf [dreg:s22], $0x2FFFF;
	_ =	strace $0x9FFFFFFF  }
0xd0: {  	(tm) =	ssettm $0x7FFFFFFF  }
0xd1: {  	_ =	shalt  }
tec
execute0_lowered:
.L_overlay_start_1:
0x0: {  	(tag) =	ssettag $0x1  }
0x1: {  	s4 =	rddreg [dreg:$0x0]  }
0x2: {  	s0 =	rddreg [dreg:$0x1]  }
0x3: {  	s3 =	srdreg.scid;
	s1 =	stileid.u32;
	s2 =	simm.s32 $0x0  }
0x4: {  	s11 =	simm.s32 $0x0;
	s5 =	sand.u32 $0x1, s3;
	s28 =	sshll.u32 s1, $0x1  }
0x5: {  	[smem:$0x7FF] =	sst s2;
	s7 =	smul.u32 $0x5000, s1;
	s3 =	sor.u32 s5, s28  }
0x6: {  	_ =	strace $0x8000004A;
	s8 =	ssub.s32 $0x2, s5;
	s10 =	smul.u32 $0x2800, s5  }
0x7: {  	s6 =	smul.u32 $0xA00, s3;
	s3 =	sadd.s32 $0x3A00, s4;
	s9 =	sshrl.u32 s8, $0x1  }
0x8: {  	s30 =	sadd.s32 s7, s4;
	s7 =	simm.s32 $0x2;
	s31 =	ssub.s32 s8, s9  }
0x9: {  	s8 =	simm.s32 $0x80;
	s9 =	simm.s32 $0xA00;
	s6 =	sshrl.u32 s6, $0x3  }
0xa: {  	s5 =	smax.u32 s31, $0x1;
	s29 =	sadd.s32 s6, s4;
	s6 =	sadd.s32 s10, s30  }
0xb: {  	s10 =	simm.s32 $0x1;
	s4 =	sadd.s32 $0x60000, s29;
	s6 =	sadd.s32 $0x62800, s6  }
.LBB2_1:
0xc: {  	[tilespmem:s2], [sflag:$0x2] =	stream.linear.gather [hbm4b:s4+s2], $0xA00, $0x38;
	[tilespmem:$0x1A00] =	vst v63  }
0xd: {  	_ =	swait.ge [sflag:s7], $0xA00  }
0xe: {  	[sflag:s7] =	ssyncset.done $0x0  }
0xf: {  	s12 =	simm.s32 $0x0;
	[sflag:s7] =	ssyncadd.s32 $0xFFFFF600  }
0x10: {  	[tilespmem:s9], [sflag:$0x1] =	stream.indirect.gather [hbm4b:s3+s8], $0x20, s12, s8, $0xb8;
	[tilespmem:$0x1A00] =	vst v63  }
0x11: {  	_ =	swait.ge [sflag:s10], $0x1000  }
0x12: {  	[sflag:s10] =	ssyncset.done $0x0  }
0x13: {  	s31 =	sadd.s32 $0x0, s6;
	[sflag:s10] =	ssyncadd.s32 $0xFFFFF000  }
0x14: {  	[hbm4b:s31+s2] =	stream.linear.scatter [tilespmem:s9], [sflag:$0x2], $0x1000, $0x38;
	[tilespmem:$0x1A00] =	vst v63  }
0x15: {  	_ =	swait.ge [sflag:s7], $0x1000  }
0x16: {  	s13 =	simm.s32 $0x400;
	s12 =	simm.s32 $0x200;
	[sflag:s7] =	ssyncset.done $0x0  }
.LBB2_2:
0x17: {  	s14 =	sshra.s32 s12, $0x2  }
0x18: {  	[sflag:s7] =	ssyncadd.s32 $0xFFFFF000;
	s15 =	smov.u32 s13;
	s16 =	sadd.s32 $0x200, s13  }
0x19: {  	[tilespmem:s9], [sflag:$0x1] =	stream.indirect.gather [hbm4b:s3+s8], $0x20, s14, s8, $0xb8;
	[tilespmem:$0x1A00] =	vst v63  }
0x1a: {  	p0 =	sne.s32 s13, $0x2600;
	_ =	swait.ge [sflag:s10], $0x1000  }
.Ltmp0:
0x1b: {  	[sflag:s10] =	ssyncset.done $0x0;
	(pc) =	sbr.rel @p0 .LBB2_2-.Ltmp0, $4  }
0x1c: {  	s13 =	sadd.s32 s12, s6;
	s12 =	smov.u32 s15;
	[sflag:s10] =	ssyncadd.s32 $0xFFFFF000  }
0x1d: {  	[hbm4b:s13+s2] =	stream.linear.scatter [tilespmem:s9], [sflag:$0x2], $0x1000, $0x38;
	[tilespmem:$0x1A00] =	vst v63  }
0x1e: {  	_ =	swait.ge [sflag:s7], $0x1000  }
0x1f: {  	s13 =	smov.u32 s16;
	[sflag:s7] =	ssyncset.done $0x0  }
0x20: {  	s13 =	sshra.s32 s12, $0x2;
	[sflag:s7] =	ssyncadd.s32 $0xFFFFF000  }
0x21: {  	[tilespmem:s9], [sflag:$0x1] =	stream.indirect.gather [hbm4b:s3+s8], $0x20, s13, s8, $0xb8;
	[tilespmem:$0x1A00] =	vst v63  }
0x22: {  	s11 =	sadd.s32 $0x1, s11;
	_ =	swait.ge [sflag:s10], $0x1000  }
0x23: {  	p0 =	sne.s32 s11, s5;
	[sflag:s10] =	ssyncset.done $0x0  }
.Ltmp1:
0x24: {  	s31 =	sadd.s32 s12, s6;
	[sflag:s10] =	ssyncadd.s32 $0xFFFFF000;
	(pc) =	sbr.rel @p0 .LBB2_1-.Ltmp1, $4  }
0x25: {  	[hbm4b:s31+s2] =	stream.linear.scatter [tilespmem:s9], [sflag:$0x2], $0x1000, $0x38;
	[tilespmem:$0x1A00] =	vst v63  }
0x26: {  	_ =	swait.ge [sflag:s7], $0x1000  }
0x27: {  	[sflag:s7] =	ssyncset.done $0x0  }
0x28: {  	[sflag:s7] =	ssyncadd.s32 $0xFFFFF000  }
0x29: {  	_ =	sfence.sel $0x180000  }
0x2a: {  	[bflag:$0x0] =	sbarrier.arrive $0xFFFF  }
0x2b: {  	p0 =	sne.s32 s1, $0x0;
	_ =	strace $0x9000004A  }
0x2c: {  	s0 =	sadd.s32 @!p0 $0x100000, s0;
	[bflag:$0x2] =	sbarrier.arrive $0xFFFF  }
0x2d: {  	[sflag:s0] =	ssyncadd.tile.s32 @!p0 $0x1;
	_ =	shalt  }
.Lfunc_end2:
_tile_overlayer_lowered:
.L_overlay_start_2:
0x2e: {  	(tag) =	ssettag $0x2  }
0x2f: {  	s0 =	rddreg [dreg:$0x0];
	s2 =	stileid.u32  }
0x30: {  	s1 =	rddreg [dreg:$0x1];
	p0 =	sne.s32 s2, $0x0  }
0x31: {  	s3 =	rddreg [dreg:$0x2];
	[bflag:$0x3] =	sbarrier.arrive $0xFFFF;
	s2 =	simm.s32 @!p0 $0x1C02  }
0x32: {  	[timem:s3], [sflag:s2] =	dma.local @!p0 [hbm:s0], s1  }
0x33: {  	s0 =	simm.s32 @!p0 $0x2  }
0x34: {  	_ =	swait.ge @!p0 [sflag:s0], s1  }
0x35: {  	s1 =	ssub.s32 @!p0 $0x0, s1;
	[sflag:s0] =	ssyncset.done @!p0 $0x0  }
0x36: {  	[sflag:s0] =	ssyncadd.s32 @!p0 s1  }
0x37: {  	[bflag:$0x3] =	sbarrier.arrive $0xFFFF  }
0x38: {  	_ =	shalt  }

// kernel: kernel.15.cloned.1.call-start
scs
__scs_entry_jumppad:
0x0: {  	(pc) =	sbr.rel $0x88, $3  }
0x1: {  	(tag) =	ssettag $0x0;
	lr =	simm.s32 $0x1  }
0x2: {  	[smem:$0x3F89] =	sst lr;
	_ =	strace $0xD0000000  }
0x3: {  	_ = 	snop  }
0x4: {  	_ = 	snop  }
0x5: {  	_ = 	snop  }
0x6: {  	_ = 	snop  }
0x7: {  	_ = 	snop  }
__scs_overlays_trampoline_lowered:
0x8: {  	[smem:$0x3F98] =	sst s0  }
0x9: {  	[smem:$0x3F99] =	sst s1  }
0xa: {  	[smem:$0x3F9A] =	sst s2  }
0xb: {  	[smem:$0x3F9B] =	sst s3  }
0xc: {  	[smem:$0x3F9C] =	sst s4  }
0xd: {  	[smem:$0x3F9D] =	sst s5  }
0xe: {  	[smem:$0x3F9E] =	sst s6  }
0xf: {  	[smem:$0x3F9F] =	sst s7  }
0x10: {  	[smem:$0x3FA0] =	sst s8  }
0x11: {  	[smem:$0x3FA1] =	sst s9;
	s0 =	simm.s32 @!p0 $0x0  }
0x12: {  	s1 =	sld [smem:$0x3F87];
	s0 =	simm.s32 @p0 $0x1  }
0x13: {  	[smem:$0x3FA2] =	sst s0;
	s0 =	simm.s32 @!p1 $0x0  }
0x14: {  	s2 =	sld [smem:$0x3F86];
	s0 =	simm.s32 @p1 $0x1  }
0x15: {  	[smem:$0x3FA3] =	sst s0;
	s0 =	simm.s32 @!p2 $0x0  }
0x16: {  	s3 =	sld [smem:$0x3FDB];
	s0 =	simm.s32 @p2 $0x1  }
0x17: {  	s4 =	simm.s32 $0x1BF5;
	[smem:$0x3FA5] =	sst s0  }
0x18: {  	s0 =	sld [smem:$0x3F88];
	_ =	swait.ge [sflag:s4], $0x0  }
0x19: {  	s7 =	sld [smem:$0x3F89]  }
0x1a: {  	s8 =	sadd.s32 $0xFFFFE003, lr  }
0x1b: {  	s9 =	sadd.s32 $0xFFFFFEF7, lr;
	s5 =	simm.s32 $0xFFFFFFFF;
	p2 =	slt.u32 s8, $0xFFFFF086  }
0x1c: {  	p1 =	slt.u32 s9, $0xF7A;
	s5 =	simm.s32 @!p2 $0x0  }
0x1d: {  	s5 =	simm.s32 @p1 $0x1;
	p0 =	seq.s32 s7, s2  }
0x1e: {  	s7 =	smul.u32 @!p0 $0xF7A, s2;
	p2 =	seq.s32 @!p0 s5, $0x0  }
0x1f: {  	s9 =	smul.u32 $0xF7A, s1;
	s8 =	simm.s32 @!p0 $0x1BF5;
	p2 =	por !p2, p0  }
0x20: {  	[sflag:s8] =	ssyncset.s32 @!p0 $0xFFFFF086;
	s6 =	sadd.s32 @!p0 s3, s7;
	s7 =	simm.s32 @!p0 $0x108  }
0x21: {  	s3 =	sadd.s32 s3, s9;
	s6 =	sadd.s32 @!p0 $0x88, s6;
	s7 =	simm.s32 @p2 $0x1082  }
0x22: {  	[simem:s7], [sflag:s8] =	dma.local @!p0 [hbm:s6], $0xF7A  }
0x23: {  	s9 =	sor.u32 $0xD0000000, s2;
	s6 =	simm.s32 $0x108;
	_ =	swait.ge @!p0 [sflag:s8], $0x0  }
0x24: {  	s3 =	sadd.s32 $0x88, s3;
	s6 =	simm.s32 @!p1 $0x1082;
	[sflag:s4] =	ssyncset.s32 $0xFFFFF086  }
0x25: {  	[simem:s6], [sflag:s4] =	dma.local [hbm:s3], $0xF7A  }
0x26: {  	[smem:$0x3F89] =	sst s1;
	(tag) =	ssettag s2;
	_ =	strace s9  }
0x27: {  	s1 =	sld [smem:$0x3F99]  }
0x28: {  	s2 =	sld [smem:$0x3F9A]  }
0x29: {  	s4 =	sld [smem:$0x3F9C]  }
0x2a: {  	p0 =	seq.s32 s5, $0x0;
	s5 =	sld [smem:$0x3F9D]  }
0x2b: {  	s6 =	sld [smem:$0x3F9E]  }
0x2c: {  	s7 =	sld [smem:$0x3F9F]  }
0x2d: {  	s3 =	simm.s32 $0x108;
	s8 =	sld [smem:$0x3FA0]  }
0x2e: {  	s3 =	simm.s32 @!p0 $0x1082;
	s9 =	sld [smem:$0x3FA1]  }
0x2f: {  	lr =	sadd.s32 s0, s3;
	s0 =	sld [smem:$0x3F98]  }
0x30: {  	s3 =	sld [smem:$0x3F9B]  }
0x31: {  	[smem:$0x3FA4] =	sst s10  }
0x32: {  	s10 =	sld [smem:$0x3FA2];
	_ =	sdelay $0x3  }
0x33: {  	p0 =	seq.s32 s10, $0x1;
	s10 =	sld [smem:$0x3FA4];
	_ =	sdelay $0x3  }
0x34: {  	[smem:$0x3FA4] =	sst s10  }
0x35: {  	s10 =	sld [smem:$0x3FA3];
	_ =	sdelay $0x3  }
0x36: {  	p1 =	seq.s32 s10, $0x1;
	s10 =	sld [smem:$0x3FA4];
	_ =	sdelay $0x3  }
0x37: {  	[smem:$0x3FA4] =	sst s10  }
0x38: {  	s10 =	sld [smem:$0x3FA5]  }
0x39: {  	_ = 	snop;
	(pc) =	sbr.ind lr, $3  }
0x3a: {  	_ = 	snop  }
0x3b: {  	_ = 	snop  }
0x3c: {  	p2 =	seq.s32 s10, $0x1;
	s10 =	sld [smem:$0x3FA4]  }
0x3d: {  	_ =	shalt  }
0x3e: {  	_ =	shalt  }
0x3f: {  	_ =	shalt  }
0x40: {  	_ =	shalt  }
0x41: {  	_ =	shalt  }
0x42: {  	_ =	shalt  }
0x43: {  	_ =	shalt  }
0x44: {  	_ =	shalt  }
0x45: {  	_ =	shalt  }
0x46: {  	_ =	shalt  }
0x47: {  	_ =	shalt  }
0x48: {  	_ =	shalt  }
0x49: {  	_ =	shalt  }
0x4a: {  	_ =	shalt  }
0x4b: {  	_ =	shalt  }
0x4c: {  	_ =	shalt  }
0x4d: {  	_ =	shalt  }
0x4e: {  	_ =	shalt  }
0x4f: {  	_ =	shalt  }
0x50: {  	_ =	shalt  }
0x51: {  	_ =	shalt  }
0x52: {  	_ =	shalt  }
0x53: {  	_ =	shalt  }
0x54: {  	_ =	shalt  }
0x55: {  	_ =	shalt  }
0x56: {  	_ =	shalt  }
0x57: {  	_ =	shalt  }
0x58: {  	_ =	shalt  }
0x59: {  	_ =	shalt  }
0x5a: {  	_ =	shalt  }
0x5b: {  	_ =	shalt  }
0x5c: {  	_ =	shalt  }
0x5d: {  	_ =	shalt  }
0x5e: {  	_ =	shalt  }
0x5f: {  	_ =	shalt  }
0x60: {  	_ =	shalt  }
0x61: {  	_ =	shalt  }
0x62: {  	_ =	shalt  }
0x63: {  	_ =	shalt  }
0x64: {  	_ =	shalt  }
0x65: {  	_ =	shalt  }
0x66: {  	_ =	shalt  }
0x67: {  	_ =	shalt  }
0x68: {  	_ =	shalt  }
0x69: {  	_ =	shalt  }
0x6a: {  	_ =	shalt  }
0x6b: {  	_ =	shalt  }
0x6c: {  	_ =	shalt  }
0x6d: {  	_ =	shalt  }
0x6e: {  	_ =	shalt  }
0x6f: {  	_ =	shalt  }
0x70: {  	_ =	shalt  }
0x71: {  	_ =	shalt  }
0x72: {  	_ =	shalt  }
0x73: {  	_ =	shalt  }
0x74: {  	_ =	shalt  }
0x75: {  	_ =	shalt  }
0x76: {  	_ =	shalt  }
0x77: {  	_ =	shalt  }
0x78: {  	_ =	shalt  }
0x79: {  	_ =	shalt  }
0x7a: {  	_ =	shalt  }
0x7b: {  	_ =	shalt  }
0x7c: {  	_ =	shalt  }
0x7d: {  	_ =	shalt  }
0x7e: {  	_ =	shalt  }
0x7f: {  	_ =	shalt  }
0x80: {  	_ =	shalt  }
0x81: {  	_ =	shalt  }
0x82: {  	_ =	shalt  }
0x83: {  	_ =	shalt  }
0x84: {  	_ =	shalt  }
0x85: {  	_ =	shalt  }
0x86: {  	_ =	shalt  }
0x87: {  	_ =	shalt  }
.Lfunc_end0:
.L_simem_size_0:
called_computation.2_lowered:
.L_overlay_start_0:
0x88: {  	s2 =	sld [smem:$0x3FD9]  }
0x89: {  	s3 =	sld [smem:$0x3FFE];
	_ =	sdelay $0x1  }
0x8a: {  	s1 =	srdreg.scid  }
0x8b: {  	s0 =	sand.u32 $0x1, s1  }
0x8c: {  	s15 =	sshll.u32 s0, $0xA;
	s2 =	sadd.s32 s3, s2  }
0x8d: {  	s2 =	sadd.s32 s2, s15  }
0x8e: {  	[smem:$0x3FB0] =	sst s2  }
0x8f: {  	_ = 	snop  }
0x90: {  	s2 =	sld [smem:$0x3FD0];
	_ =	sdelay $0x2  }
0x91: {  	s16 =	simm.s32 $0xB;
	s4 =	simm.s32 $0x10  }
0x92: {  	[smem:s4], [sflag:s16] =	dma.local [hbm:s2], $0x1  }
0x93: {  	_ =	swait.eq [sflag:s16], $0x1  }
0x94: {  	[sflag:s16] =	ssyncset.done $0x0  }
0x95: {  	[sflag:s16] =	ssyncadd.s32 $0xFFFFFFFF  }
0x96: {  	s17 =	sld [smem:$0x10];
	(tm) =	ssettm $0x1  }
0x97: {  	s18 =	sld [smem:$0x3FFB];
	_ =	sdelay $0x3  }
0x98: {  	_ =	strace s18  }
0x99: {  	s2 =	sld [smem:$0x3FFC];
	_ =	sdelay $0x3  }
0x9a: {  	_ =	strace s2  }
0x9b: {  	s2 =	sld [smem:$0x3FFD];
	_ =	sdelay $0x3  }
0x9c: {  	_ =	strace s2  }
0x9d: {  	_ =	strace $0x8FFFFFFF  }
0x9e: {  	s19 =	sld [smem:$0x3FDB];
	_ =	sdelay $0x1  }
0x9f: {  	s20 =	simm.s32 $_scs_section_size  }
0xa0: {  	s5 =	simm.s32 $_size__tile_overlayer_lowered;
	s6 =	simm.s32 $_tile_overlayer_lowered  }
0xa1: {  	s7 =	simm.s32 $0x1BFF;
	s21 =	sshll.u32 s6, $0x1;
	s4 =	sadd.s32 s20, s19  }
0xa2: {  	s22 =	simm.s32 $0x0;
	s5 =	sshll.u32 s5, $0x1;
	s6 =	sadd.s32 s21, s4  }
0xa3: {  	[timem:s22], [sflag:s7] =	dma.local [hbm:s6], s5  }
0xa4: {  	_ =	swait.ge [sflag:s7], s5  }
0xa5: {  	s5 =	ssub.s32 $0x0, s5;
	[sflag:s7] =	ssyncset.done $0x0  }
0xa6: {  	[sflag:s7] =	ssyncadd.s32 s5;
	_ =	sdelay $0x1  }
0xa7: {  	s23 =	simm.s32 $0x1B8B  }
0xa8: {  	_ =	swait.ge [sflag:s23], $0x1  }
0xa9: {  	[sflag:s23] =	ssyncset.done $0x0  }
0xaa: {  	[sflag:s23] =	ssyncadd.s32 $0xFFFFFFFF  }
0xab: {  	s5 =	sld [smem:$0x0]  }
0xac: {  	s6 =	sand.u32 $0xFFFFFFFE, s1  }
0xad: {  	p0 =	sne.s32 s1, s6  }
0xae: {  	s6 =	sshll.u32 @p0 s6, $0xE  }
0xaf: {  	s6 =	sadd.s32 @p0 $0x11B8D, s6;
	s7 =	sshll.u32 @p0 s5, $0x11  }
0xb0: {  	s6 =	sor.u32 @p0 s7, s6  }
0xb1: {  	[sflag:s6] =	ssyncadd.remote.s32 @p0 $0x1;
	_ =	sdelay $0x1  }
0xb2: {  	s6 =	simm.s32 @p0 $0x1B8D  }
0xb3: {  	_ =	swait.eq @p0 [sflag:s6], $0x1  }
0xb4: {  	[sflag:s6] =	ssyncadd.s32 @p0 $0xFFFFFFFF  }
0xb5: {  	s7 =	sshll.u32 @!p0 s1, $0xE  }
0xb6: {  	s7 =	sor.u32 @!p0 $0x4000, s7;
	s6 =	simm.s32 @!p0 $0x1B8D  }
0xb7: {  	s5 =	sshll.u32 @!p0 s5, $0x11;
	s7 =	sadd.s32 @!p0 $0x11B8D, s7;
	_ =	swait.eq @!p0 [sflag:s6], $0x1  }
0xb8: {  	s5 =	sor.u32 @!p0 s5, s7;
	[sflag:s6] =	ssyncadd.s32 @!p0 $0xFFFFFFFF  }
0xb9: {  	s25 =	simm.s32 $0x1B8E;
	s24 =	sld [smem:$0x3FFE];
	[sflag:s5] =	ssyncadd.remote.s32 @!p0 $0x1  }
0xba: {  	s26 =	simm.s32 $execute0_lowered;
	[smem:$0x3FD2] =	sst s25  }
0xbb: {  	s6 =	sshll.u32 s26, $0x1;
	_ =	strace $0x8000004C;
	[dreg:$0x1] =	wrdreg $0xFFFFFFFF  }
0xbc: {  	s28 =	simm.s32 $_size_execute0_lowered;
	s4 =	sadd.s32 s4, s6;
	[dreg:$0x0] =	wrdreg $0x0  }
0xbd: {  	s6 =	sshll.u32 s28, $0x1;
	[dreg:$0x2] =	wrdreg s4  }
0xbe: {  	[dreg:$0x3] =	wrdreg s6  }
0xbf: {  	[dreg:$0x4] =	wrdreg $0xC0  }
0xc0: {  	_ =	task [dreg:s22], $0x5FFFF  }
0xc1: {  	[dreg:$0x1] =	wrdreg $0xFFFFFFFF  }
0xc2: {  	[dreg:$0x0] =	wrdreg $0x60  }
0xc3: {  	[dreg:$0x2] =	wrdreg s24  }
0xc4: {  	[dreg:$0x3] =	wrdreg s17  }
0xc5: {  	[dreg:$0x4] =	wrdreg $0x22000  }
0xc6: {  	[dreg:$0x5] =	wrdreg $0xA  }
0xc7: {  	_ =	task.clear_ibuf [dreg:s22], $0x6FFFF;
	_ =	strace $0x9000004C  }
0xc8: {  	s29 =	simm.s32 $0xA;
	_ =	strace $0x8000004E  }
0xc9: {  	_ =	swait.ge [sflag:s29], $0x1  }
0xca: {  	[sflag:s29] =	ssyncadd.s32 $0xFFFFFFFF  }
0xcb: {  	_ =	strace $0x9000004E  }
0xcc: {  	_ =	sfence  }
0xcd: {  	s30 =	sld [smem:$0x0];
	_ =	sdelay $0x2  }
0xce: {  	s31 =	sshll.u32 s1, $0xD;
	s1 =	sshrl.u32 s1, $0x2  }
0xcf: {  	s4 =	sand.u32 $0x4000, s31;
	s1 =	sadd.s32 s1, s30  }
0xd0: {  	s0 =	sor.u32 s4, s0;
	s1 =	sshll.u32 s1, $0x11  }
0xd1: {  	s0 =	sor.u32 s1, s0  }
0xd2: {  	s0 =	sadd.s32 $0x8F2B, s0  }
0xd3: {  	[sflag:s0] =	ssyncadd.remote.s32 $0x1  }
0xd4: {  	_ =	sfence.sel $0xFFFF  }
0xd5: {  	[dreg:$0x0] =	wrdreg $0xFFFFFFFF;
	(pc) =	sbr.abs _section_cstart, $3  }
0xd6: {  	[dreg:$0x1] =	wrdreg $0xFFFFFFFF  }
0xd7: {  	_ =	task.clear_ibuf [dreg:s22], $0x2FFFF;
	_ =	strace $0x9FFFFFFF  }
0xd8: {  	(tm) =	ssettm $0x7FFFFFFF  }
0xd9: {  	_ =	shalt  }
tec
execute0_lowered:
.L_overlay_start_1:
0x0: {  	(tag) =	ssettag $0x1  }
0x1: {  	s4 =	rddreg [dreg:$0x0]  }
0x2: {  	s9 =	rddreg [dreg:$0x1]  }
0x3: {  	s2 =	rddreg [dreg:$0x2]  }
0x4: {  	s0 =	rddreg [dreg:$0x3];
	s1 =	stileid.u32  }
0x5: {  	s5 =	srdreg.scid;
	s3 =	simm.s32 $0x0;
	s10 =	smul.u32 $0x7800, s1  }
0x6: {  	s12 =	sand.u32 $0x1, s5;
	[smem:$0x7FF] =	sst s3;
	s14 =	sadd.s32 $0xD800, s4  }
0x7: {  	s23 =	sshll.u32 s1, $0x1;
	s5 =	ssub.s32 $0x2, s12;
	s20 =	smul.u32 $0x78000, s12  }
0x8: {  	_ =	strace $0x8000004D;
	s24 =	sor.u32 s12, s23;
	s28 =	smul.u32 $0x3C00, s12  }
0x9: {  	s15 =	sadd.s32 s10, s4;
	s6 =	sshrl.u32 s5, $0x1;
	s4 =	sadd.s32 s10, s2  }
0xa: {  	s11 =	sadd.s32 $0x1800, s10;
	s13 =	sadd.s32 $0x3000, s10;
	s17 =	smul.u32 $0x140, s24  }
0xb: {  	s18 =	sadd.s32 $0x4800, s10;
	s19 =	sadd.s32 $0x6000, s10;
	s16 =	ssub.s32 s5, s6  }
0xc: {  	s5 =	sadd.s32 s11, s2;
	s6 =	sadd.s32 s13, s2;
	s7 =	sadd.s32 s18, s2  }
0xd: {  	s8 =	sadd.s32 s19, s2;
	s10 =	sadd.s32 s10, s20;
	s11 =	sadd.s32 s20, s11  }
0xe: {  	s13 =	sadd.s32 s20, s13;
	s25 =	sadd.s32 s20, s18;
	s26 =	sadd.s32 s20, s19  }
0xf: {  	s31 =	sadd.s32 s28, s15;
	s18 =	simm.s32 $0x1;
	s19 =	simm.s32 $0x80  }
0x10: {  	s20 =	simm.s32 $0x0;
	s9 =	sadd.s32 s9, s17;
	s10 =	sshrl.u32 s10, $0x3  }
0x11: {  	s11 =	sshrl.u32 s11, $0x3;
	s13 =	sshrl.u32 s13, $0x3;
	s29 =	sshrl.u32 s25, $0x3  }
0x12: {  	s30 =	sshrl.u32 s26, $0x3;
	s15 =	smax.u32 s16, $0x1;
	s16 =	sadd.s32 $0xB2800, s31  }
0x13: {  	s17 =	simm.s32 $0xA00;
	s10 =	sadd.s32 s14, s10;
	s11 =	sadd.s32 s14, s11  }
0x14: {  	v0 =	vimm.f32 $0.0e+00;
	s12 =	sadd.s32 s14, s13;
	s13 =	sadd.s32 s14, s29;
	s14 =	sadd.s32 s14, s30  }
.LBB2_1:
0x15: {  	s21 =	simm.s32 $0xC0;
	s22 =	simm.s32 $0x0  }
.LBB2_2:
0x16: {  	p0 =	sne.s32 s21, $0x5F40;
	[tilespmem:s22+$0xA20] =	vst v0;
	s23 =	smov.u32 s21;
	s21 =	sadd.s32 $0xC0, s21  }
.Ltmp0:
0x17: {  	[tilespmem:s22+$0xA00] =	vst v0;
	(pc) =	sbr.rel @p0 .LBB2_2-.Ltmp0, $2  }
0x18: {  	[tilespmem:s22+$0xA10] =	vst v0;
	_ =	sdelay $0x2  }
0x19: {  	s22 =	sshra.s32 s23, $0x2  }
0x1a: {  	[tilespmem:s22+$0xA20] =	vst v0  }
0x1b: {  	[tilespmem:s22+$0xA00] =	vst v0  }
0x1c: {  	[tilespmem:s22+$0xA10] =	vst v0  }
0x1d: {  	[spmem:s4] =	stream.linear.scatter [tilespmem:s17], [sflag:$0x1], $0x1800, $0x38;
	[tilespmem:$0x9A00] =	vst v63  }
0x1e: {  	_ =	swait.ge [sflag:s18], $0x1800  }
0x1f: {  	[sflag:s18] =	ssyncset.done $0x0  }
0x20: {  	[sflag:s18] =	ssyncadd.s32 $0xFFFFE800  }
0x21: {  	[spmem:s5] =	stream.linear.scatter [tilespmem:s17], [sflag:$0x1], $0x1800, $0x38;
	[tilespmem:$0x9A00] =	vst v63  }
0x22: {  	_ =	swait.ge [sflag:s18], $0x1800  }
0x23: {  	[sflag:s18] =	ssyncset.done $0x0  }
0x24: {  	[sflag:s18] =	ssyncadd.s32 $0xFFFFE800  }
0x25: {  	[spmem:s6] =	stream.linear.scatter [tilespmem:s17], [sflag:$0x1], $0x1800, $0x38;
	[tilespmem:$0x9A00] =	vst v63  }
0x26: {  	_ =	swait.ge [sflag:s18], $0x1800  }
0x27: {  	[sflag:s18] =	ssyncset.done $0x0  }
0x28: {  	[sflag:s18] =	ssyncadd.s32 $0xFFFFE800  }
0x29: {  	[spmem:s7] =	stream.linear.scatter [tilespmem:s17], [sflag:$0x1], $0x1800, $0x38;
	[tilespmem:$0x9A00] =	vst v63  }
0x2a: {  	_ =	swait.ge [sflag:s18], $0x1800  }
0x2b: {  	[sflag:s18] =	ssyncset.done $0x0  }
0x2c: {  	[sflag:s18] =	ssyncadd.s32 $0xFFFFE800  }
0x2d: {  	[spmem:s8] =	stream.linear.scatter [tilespmem:s17], [sflag:$0x1], $0x1800, $0x38;
	[tilespmem:$0x9A00] =	vst v63  }
0x2e: {  	_ =	swait.ge [sflag:s18], $0x1800  }
0x2f: {  	[sflag:s18] =	ssyncset.done $0x0  }
0x30: {  	[sflag:s18] =	ssyncadd.s32 $0xFFFFE800  }
0x31: {  	s21 =	simm.s32 $0x0;
	[bflag:$0x0] =	sbarrier.arrive $0xFFFF  }
0x32: {  	[tilespmem:s21], [sflag:$0x1] =	stream.linear.gather [hbm4b:s9+s21], $0xA00, $0x38;
	[tilespmem:$0x9A00] =	vst v63  }
0x33: {  	_ =	swait.ge [sflag:s18], $0xA00  }
0x34: {  	[sflag:s18] =	ssyncset.done $0x0  }
0x35: {  	[sflag:s18] =	ssyncadd.s32 $0xFFFFF600  }
0x36: {  	[tilespmem:s17], [sflag:$0x1] =	stream.linear.gather [hbm4b:s16+s3], $0x1800, $0x38;
	[tilespmem:$0x9A00] =	vst v63  }
0x37: {  	_ =	swait.ge [sflag:s18], $0x1800  }
0x38: {  	[sflag:s18] =	ssyncset.done $0x0  }
0x39: {  	s31 =	simm.s32 $0x0;
	[sflag:s18] =	ssyncadd.s32 $0xFFFFE800  }
0x3a: {  	[spmem:s2] =	stream.indirect.scatter.add.f32 [tilespmem:s17], [sflag:$0x1], $0x30, s31, s19, $0xb8;
	[tilespmem:$0x9A00] =	vst v63  }
0x3b: {  	_ =	swait.ge [sflag:s18], $0x1800  }
0x3c: {  	s22 =	smov.u32 s16;
	s21 =	simm.s32 $0x200;
	[sflag:s18] =	ssyncset.done $0x0  }
.LBB2_4:
0x3d: {  	p0 =	sne.s32 s21, $0x2600;
	[sflag:s18] =	ssyncadd.s32 $0xFFFFE800;
	s22 =	sadd.s32 $0x300, s22  }
0x3e: {  	[tilespmem:s17], [sflag:$0x1] =	stream.linear.gather [hbm4b:s22+s3], $0x1800, $0x38;
	[tilespmem:$0x9A00] =	vst v63  }
0x3f: {  	s23 =	smov.u32 s21;
	s21 =	sadd.s32 $0x200, s21;
	_ =	swait.ge [sflag:s18], $0x1800  }
.Ltmp1:
0x40: {  	[sflag:s18] =	ssyncset.done $0x0;
	(pc) =	sbr.rel @p0 .LBB2_4-.Ltmp1, $4  }
0x41: {  	s23 =	sshra.s32 s23, $0x2;
	[sflag:s18] =	ssyncadd.s32 $0xFFFFE800  }
0x42: {  	[spmem:s2] =	stream.indirect.scatter.add.f32 [tilespmem:s17], [sflag:$0x1], $0x30, s23, s19, $0xb8;
	[tilespmem:$0x9A00] =	vst v63  }
0x43: {  	_ =	swait.ge [sflag:s18], $0x1800  }
0x44: {  	[sflag:s18] =	ssyncset.done $0x0  }
0x45: {  	[sflag:s18] =	ssyncadd.s32 $0xFFFFE800  }
0x46: {  	[bflag:$0x0] =	sbarrier.arrive $0xFFFF  }
0x47: {  	[tilespmem:s17], [sflag:$0x1] =	stream.linear.gather [spmem:s4], $0x1800, $0x38;
	[tilespmem:$0x9A00] =	vst v63  }
0x48: {  	_ =	swait.ge [sflag:s18], $0x1800  }
0x49: {  	[sflag:s18] =	ssyncset.done $0x0  }
0x4a: {  	[sflag:s18] =	ssyncadd.s32 $0xFFFFE800  }
0x4b: {  	[hbm4b:s10+s3] =	stream.linear.scatter [tilespmem:s17], [sflag:$0x1], $0x1800, $0x38;
	[tilespmem:$0x9A00] =	vst v63  }
0x4c: {  	_ =	swait.ge [sflag:s18], $0x1800  }
0x4d: {  	[sflag:s18] =	ssyncset.done $0x0  }
0x4e: {  	[sflag:s18] =	ssyncadd.s32 $0xFFFFE800  }
0x4f: {  	[tilespmem:s17], [sflag:$0x1] =	stream.linear.gather [spmem:s5], $0x1800, $0x38;
	[tilespmem:$0x9A00] =	vst v63  }
0x50: {  	_ =	swait.ge [sflag:s18], $0x1800  }
0x51: {  	[sflag:s18] =	ssyncset.done $0x0  }
0x52: {  	[sflag:s18] =	ssyncadd.s32 $0xFFFFE800  }
0x53: {  	[hbm4b:s11+s3] =	stream.linear.scatter [tilespmem:s17], [sflag:$0x1], $0x1800, $0x38;
	[tilespmem:$0x9A00] =	vst v63  }
0x54: {  	_ =	swait.ge [sflag:s18], $0x1800  }
0x55: {  	[sflag:s18] =	ssyncset.done $0x0  }
0x56: {  	[sflag:s18] =	ssyncadd.s32 $0xFFFFE800  }
0x57: {  	[tilespmem:s17], [sflag:$0x1] =	stream.linear.gather [spmem:s6], $0x1800, $0x38;
	[tilespmem:$0x9A00] =	vst v63  }
0x58: {  	_ =	swait.ge [sflag:s18], $0x1800  }
0x59: {  	[sflag:s18] =	ssyncset.done $0x0  }
0x5a: {  	[sflag:s18] =	ssyncadd.s32 $0xFFFFE800  }
0x5b: {  	[hbm4b:s12+s3] =	stream.linear.scatter [tilespmem:s17], [sflag:$0x1], $0x1800, $0x38;
	[tilespmem:$0x9A00] =	vst v63  }
0x5c: {  	_ =	swait.ge [sflag:s18], $0x1800  }
0x5d: {  	[sflag:s18] =	ssyncset.done $0x0  }
0x5e: {  	[sflag:s18] =	ssyncadd.s32 $0xFFFFE800  }
0x5f: {  	[tilespmem:s17], [sflag:$0x1] =	stream.linear.gather [spmem:s7], $0x1800, $0x38;
	[tilespmem:$0x9A00] =	vst v63  }
0x60: {  	_ =	swait.ge [sflag:s18], $0x1800  }
0x61: {  	[sflag:s18] =	ssyncset.done $0x0  }
0x62: {  	[sflag:s18] =	ssyncadd.s32 $0xFFFFE800  }
0x63: {  	[hbm4b:s13+s3] =	stream.linear.scatter [tilespmem:s17], [sflag:$0x1], $0x1800, $0x38;
	[tilespmem:$0x9A00] =	vst v63  }
0x64: {  	_ =	swait.ge [sflag:s18], $0x1800  }
0x65: {  	[sflag:s18] =	ssyncset.done $0x0  }
0x66: {  	[sflag:s18] =	ssyncadd.s32 $0xFFFFE800  }
0x67: {  	[tilespmem:s17], [sflag:$0x1] =	stream.linear.gather [spmem:s8], $0x1800, $0x38;
	[tilespmem:$0x9A00] =	vst v63  }
0x68: {  	s20 =	sadd.s32 $0x1, s20;
	_ =	swait.ge [sflag:s18], $0x1800  }
0x69: {  	p0 =	sne.s32 s20, s15;
	[sflag:s18] =	ssyncset.done $0x0  }
.Ltmp2:
0x6a: {  	[sflag:s18] =	ssyncadd.s32 $0xFFFFE800;
	(pc) =	sbr.rel @p0 .LBB2_1-.Ltmp2, $4  }
0x6b: {  	[hbm4b:s14+s3] =	stream.linear.scatter [tilespmem:s17], [sflag:$0x1], $0x1800, $0x38;
	[tilespmem:$0x9A00] =	vst v63  }
0x6c: {  	_ =	swait.ge [sflag:s18], $0x1800  }
0x6d: {  	[sflag:s18] =	ssyncset.done $0x0  }
0x6e: {  	[sflag:s18] =	ssyncadd.s32 $0xFFFFE800  }
0x6f: {  	_ =	sfence.sel $0x180000  }
0x70: {  	[bflag:$0x0] =	sbarrier.arrive $0xFFFF  }
0x71: {  	p0 =	sne.s32 s1, $0x0;
	_ =	strace $0x9000004D  }
0x72: {  	s0 =	sadd.s32 @!p0 $0x100000, s0;
	[bflag:$0x2] =	sbarrier.arrive $0xFFFF  }
0x73: {  	[sflag:s0] =	ssyncadd.tile.s32 @!p0 $0x1;
	_ =	shalt  }
.Lfunc_end2:
_tile_overlayer_lowered:
.L_overlay_start_2:
0x74: {  	(tag) =	ssettag $0x2  }
0x75: {  	s0 =	rddreg [dreg:$0x0];
	s2 =	stileid.u32  }
0x76: {  	s1 =	rddreg [dreg:$0x1];
	p0 =	sne.s32 s2, $0x0  }
0x77: {  	s3 =	rddreg [dreg:$0x2];
	[bflag:$0x3] =	sbarrier.arrive $0xFFFF;
	s2 =	simm.s32 @!p0 $0x1C01  }
0x78: {  	[timem:s3], [sflag:s2] =	dma.local @!p0 [hbm:s0], s1  }
0x79: {  	s0 =	simm.s32 @!p0 $0x1  }
0x7a: {  	_ =	swait.ge @!p0 [sflag:s0], s1  }
0x7b: {  	s1 =	ssub.s32 @!p0 $0x0, s1;
	[sflag:s0] =	ssyncset.done @!p0 $0x0  }
0x7c: {  	[sflag:s0] =	ssyncadd.s32 @!p0 s1  }
0x7d: {  	[bflag:$0x3] =	sbarrier.arrive $0xFFFF  }
0x7e: {  	_ =	shalt  }

// kernel: kernel.18.cloned.1.call-start
scs
__scs_entry_jumppad:
0x0: {  	(pc) =	sbr.rel $0x88, $3  }
0x1: {  	(tag) =	ssettag $0x0;
	lr =	simm.s32 $0x1  }
0x2: {  	[smem:$0x3F89] =	sst lr;
	_ =	strace $0xD0000000  }
0x3: {  	_ = 	snop  }
0x4: {  	_ = 	snop  }
0x5: {  	_ = 	snop  }
0x6: {  	_ = 	snop  }
0x7: {  	_ = 	snop  }
__scs_overlays_trampoline_lowered:
0x8: {  	[smem:$0x3F98] =	sst s0  }
0x9: {  	[smem:$0x3F99] =	sst s1  }
0xa: {  	[smem:$0x3F9A] =	sst s2  }
0xb: {  	[smem:$0x3F9B] =	sst s3  }
0xc: {  	[smem:$0x3F9C] =	sst s4  }
0xd: {  	[smem:$0x3F9D] =	sst s5  }
0xe: {  	[smem:$0x3F9E] =	sst s6  }
0xf: {  	[smem:$0x3F9F] =	sst s7  }
0x10: {  	[smem:$0x3FA0] =	sst s8  }
0x11: {  	[smem:$0x3FA1] =	sst s9;
	s0 =	simm.s32 @!p0 $0x0  }
0x12: {  	s1 =	sld [smem:$0x3F87];
	s0 =	simm.s32 @p0 $0x1  }
0x13: {  	[smem:$0x3FA2] =	sst s0;
	s0 =	simm.s32 @!p1 $0x0  }
0x14: {  	s2 =	sld [smem:$0x3F86];
	s0 =	simm.s32 @p1 $0x1  }
0x15: {  	[smem:$0x3FA3] =	sst s0;
	s0 =	simm.s32 @!p2 $0x0  }
0x16: {  	s3 =	sld [smem:$0x3FDB];
	s0 =	simm.s32 @p2 $0x1  }
0x17: {  	s4 =	simm.s32 $0x1BF5;
	[smem:$0x3FA5] =	sst s0  }
0x18: {  	s0 =	sld [smem:$0x3F88];
	_ =	swait.ge [sflag:s4], $0x0  }
0x19: {  	s7 =	sld [smem:$0x3F89]  }
0x1a: {  	s8 =	sadd.s32 $0xFFFFE003, lr  }
0x1b: {  	s9 =	sadd.s32 $0xFFFFFEF7, lr;
	s5 =	simm.s32 $0xFFFFFFFF;
	p2 =	slt.u32 s8, $0xFFFFF086  }
0x1c: {  	p1 =	slt.u32 s9, $0xF7A;
	s5 =	simm.s32 @!p2 $0x0  }
0x1d: {  	s5 =	simm.s32 @p1 $0x1;
	p0 =	seq.s32 s7, s2  }
0x1e: {  	s7 =	smul.u32 @!p0 $0xF7A, s2;
	p2 =	seq.s32 @!p0 s5, $0x0  }
0x1f: {  	s9 =	smul.u32 $0xF7A, s1;
	s8 =	simm.s32 @!p0 $0x1BF5;
	p2 =	por !p2, p0  }
0x20: {  	[sflag:s8] =	ssyncset.s32 @!p0 $0xFFFFF086;
	s6 =	sadd.s32 @!p0 s3, s7;
	s7 =	simm.s32 @!p0 $0x108  }
0x21: {  	s3 =	sadd.s32 s3, s9;
	s6 =	sadd.s32 @!p0 $0x88, s6;
	s7 =	simm.s32 @p2 $0x1082  }
0x22: {  	[simem:s7], [sflag:s8] =	dma.local @!p0 [hbm:s6], $0xF7A  }
0x23: {  	s9 =	sor.u32 $0xD0000000, s2;
	s6 =	simm.s32 $0x108;
	_ =	swait.ge @!p0 [sflag:s8], $0x0  }
0x24: {  	s3 =	sadd.s32 $0x88, s3;
	s6 =	simm.s32 @!p1 $0x1082;
	[sflag:s4] =	ssyncset.s32 $0xFFFFF086  }
0x25: {  	[simem:s6], [sflag:s4] =	dma.local [hbm:s3], $0xF7A  }
0x26: {  	[smem:$0x3F89] =	sst s1;
	(tag) =	ssettag s2;
	_ =	strace s9  }
0x27: {  	s1 =	sld [smem:$0x3F99]  }
0x28: {  	s2 =	sld [smem:$0x3F9A]  }
0x29: {  	s4 =	sld [smem:$0x3F9C]  }
0x2a: {  	p0 =	seq.s32 s5, $0x0;
	s5 =	sld [smem:$0x3F9D]  }
0x2b: {  	s6 =	sld [smem:$0x3F9E]  }
0x2c: {  	s7 =	sld [smem:$0x3F9F]  }
0x2d: {  	s3 =	simm.s32 $0x108;
	s8 =	sld [smem:$0x3FA0]  }
0x2e: {  	s3 =	simm.s32 @!p0 $0x1082;
	s9 =	sld [smem:$0x3FA1]  }
0x2f: {  	lr =	sadd.s32 s0, s3;
	s0 =	sld [smem:$0x3F98]  }
0x30: {  	s3 =	sld [smem:$0x3F9B]  }
0x31: {  	[smem:$0x3FA4] =	sst s10  }
0x32: {  	s10 =	sld [smem:$0x3FA2];
	_ =	sdelay $0x3  }
0x33: {  	p0 =	seq.s32 s10, $0x1;
	s10 =	sld [smem:$0x3FA4];
	_ =	sdelay $0x3  }
0x34: {  	[smem:$0x3FA4] =	sst s10  }
0x35: {  	s10 =	sld [smem:$0x3FA3];
	_ =	sdelay $0x3  }
0x36: {  	p1 =	seq.s32 s10, $0x1;
	s10 =	sld [smem:$0x3FA4];
	_ =	sdelay $0x3  }
0x37: {  	[smem:$0x3FA4] =	sst s10  }
0x38: {  	s10 =	sld [smem:$0x3FA5]  }
0x39: {  	_ = 	snop;
	(pc) =	sbr.ind lr, $3  }
0x3a: {  	_ = 	snop  }
0x3b: {  	_ = 	snop  }
0x3c: {  	p2 =	seq.s32 s10, $0x1;
	s10 =	sld [smem:$0x3FA4]  }
0x3d: {  	_ =	shalt  }
0x3e: {  	_ =	shalt  }
0x3f: {  	_ =	shalt  }
0x40: {  	_ =	shalt  }
0x41: {  	_ =	shalt  }
0x42: {  	_ =	shalt  }
0x43: {  	_ =	shalt  }
0x44: {  	_ =	shalt  }
0x45: {  	_ =	shalt  }
0x46: {  	_ =	shalt  }
0x47: {  	_ =	shalt  }
0x48: {  	_ =	shalt  }
0x49: {  	_ =	shalt  }
0x4a: {  	_ =	shalt  }
0x4b: {  	_ =	shalt  }
0x4c: {  	_ =	shalt  }
0x4d: {  	_ =	shalt  }
0x4e: {  	_ =	shalt  }
0x4f: {  	_ =	shalt  }
0x50: {  	_ =	shalt  }
0x51: {  	_ =	shalt  }
0x52: {  	_ =	shalt  }
0x53: {  	_ =	shalt  }
0x54: {  	_ =	shalt  }
0x55: {  	_ =	shalt  }
0x56: {  	_ =	shalt  }
0x57: {  	_ =	shalt  }
0x58: {  	_ =	shalt  }
0x59: {  	_ =	shalt  }
0x5a: {  	_ =	shalt  }
0x5b: {  	_ =	shalt  }
0x5c: {  	_ =	shalt  }
0x5d: {  	_ =	shalt  }
0x5e: {  	_ =	shalt  }
0x5f: {  	_ =	shalt  }
0x60: {  	_ =	shalt  }
0x61: {  	_ =	shalt  }
0x62: {  	_ =	shalt  }
0x63: {  	_ =	shalt  }
0x64: {  	_ =	shalt  }
0x65: {  	_ =	shalt  }
0x66: {  	_ =	shalt  }
0x67: {  	_ =	shalt  }
0x68: {  	_ =	shalt  }
0x69: {  	_ =	shalt  }
0x6a: {  	_ =	shalt  }
0x6b: {  	_ =	shalt  }
0x6c: {  	_ =	shalt  }
0x6d: {  	_ =	shalt  }
0x6e: {  	_ =	shalt  }
0x6f: {  	_ =	shalt  }
0x70: {  	_ =	shalt  }
0x71: {  	_ =	shalt  }
0x72: {  	_ =	shalt  }
0x73: {  	_ =	shalt  }
0x74: {  	_ =	shalt  }
0x75: {  	_ =	shalt  }
0x76: {  	_ =	shalt  }
0x77: {  	_ =	shalt  }
0x78: {  	_ =	shalt  }
0x79: {  	_ =	shalt  }
0x7a: {  	_ =	shalt  }
0x7b: {  	_ =	shalt  }
0x7c: {  	_ =	shalt  }
0x7d: {  	_ =	shalt  }
0x7e: {  	_ =	shalt  }
0x7f: {  	_ =	shalt  }
0x80: {  	_ =	shalt  }
0x81: {  	_ =	shalt  }
0x82: {  	_ =	shalt  }
0x83: {  	_ =	shalt  }
0x84: {  	_ =	shalt  }
0x85: {  	_ =	shalt  }
0x86: {  	_ =	shalt  }
0x87: {  	_ =	shalt  }
.Lfunc_end0:
.L_simem_size_0:
called_computation.3_lowered:
.L_overlay_start_0:
0x88: {  	s2 =	sld [smem:$0x3FD9]  }
0x89: {  	s3 =	sld [smem:$0x3FFE];
	_ =	sdelay $0x1  }
0x8a: {  	s1 =	srdreg.scid  }
0x8b: {  	s0 =	sand.u32 $0x1, s1  }
0x8c: {  	s15 =	sshll.u32 s0, $0xA;
	s2 =	sadd.s32 s3, s2  }
0x8d: {  	s2 =	sadd.s32 s2, s15  }
0x8e: {  	[smem:$0x3FB0] =	sst s2  }
0x8f: {  	_ = 	snop  }
0x90: {  	s2 =	sld [smem:$0x3FD0];
	_ =	sdelay $0x2  }
0x91: {  	s16 =	simm.s32 $0xB;
	s4 =	simm.s32 $0x10  }
0x92: {  	[smem:s4], [sflag:s16] =	dma.local [hbm:s2], $0x1  }
0x93: {  	_ =	swait.eq [sflag:s16], $0x1  }
0x94: {  	[sflag:s16] =	ssyncset.done $0x0  }
0x95: {  	[sflag:s16] =	ssyncadd.s32 $0xFFFFFFFF  }
0x96: {  	s17 =	sld [smem:$0x11];
	(tm) =	ssettm $0x1  }
0x97: {  	s18 =	sld [smem:$0x3FFB];
	_ =	sdelay $0x3  }
0x98: {  	_ =	strace s18  }
0x99: {  	s2 =	sld [smem:$0x3FFC];
	_ =	sdelay $0x3  }
0x9a: {  	_ =	strace s2  }
0x9b: {  	s2 =	sld [smem:$0x3FFD];
	_ =	sdelay $0x3  }
0x9c: {  	_ =	strace s2  }
0x9d: {  	_ =	strace $0x8FFFFFFF  }
0x9e: {  	s19 =	sld [smem:$0x3FDB];
	_ =	sdelay $0x1  }
0x9f: {  	s20 =	simm.s32 $_scs_section_size  }
0xa0: {  	s5 =	simm.s32 $_size__tile_overlayer_lowered;
	s6 =	simm.s32 $_tile_overlayer_lowered  }
0xa1: {  	s7 =	simm.s32 $0x1BFF;
	s21 =	sshll.u32 s6, $0x1;
	s4 =	sadd.s32 s20, s19  }
0xa2: {  	s22 =	simm.s32 $0x0;
	s5 =	sshll.u32 s5, $0x1;
	s6 =	sadd.s32 s21, s4  }
0xa3: {  	[timem:s22], [sflag:s7] =	dma.local [hbm:s6], s5  }
0xa4: {  	_ =	swait.ge [sflag:s7], s5  }
0xa5: {  	s5 =	ssub.s32 $0x0, s5;
	[sflag:s7] =	ssyncset.done $0x0  }
0xa6: {  	[sflag:s7] =	ssyncadd.s32 s5;
	_ =	sdelay $0x1  }
0xa7: {  	s23 =	simm.s32 $0x1B8B  }
0xa8: {  	_ =	swait.ge [sflag:s23], $0x1  }
0xa9: {  	[sflag:s23] =	ssyncset.done $0x0  }
0xaa: {  	[sflag:s23] =	ssyncadd.s32 $0xFFFFFFFF  }
0xab: {  	s5 =	sld [smem:$0x0]  }
0xac: {  	s6 =	sand.u32 $0xFFFFFFFE, s1  }
0xad: {  	p0 =	sne.s32 s1, s6  }
0xae: {  	s6 =	sshll.u32 @p0 s6, $0xE  }
0xaf: {  	s6 =	sadd.s32 @p0 $0x11B8D, s6;
	s7 =	sshll.u32 @p0 s5, $0x11  }
0xb0: {  	s6 =	sor.u32 @p0 s7, s6  }
0xb1: {  	[sflag:s6] =	ssyncadd.remote.s32 @p0 $0x1;
	_ =	sdelay $0x1  }
0xb2: {  	s6 =	simm.s32 @p0 $0x1B8D  }
0xb3: {  	_ =	swait.eq @p0 [sflag:s6], $0x1  }
0xb4: {  	[sflag:s6] =	ssyncadd.s32 @p0 $0xFFFFFFFF  }
0xb5: {  	s7 =	sshll.u32 @!p0 s1, $0xE  }
0xb6: {  	s7 =	sor.u32 @!p0 $0x4000, s7;
	s6 =	simm.s32 @!p0 $0x1B8D  }
0xb7: {  	s5 =	sshll.u32 @!p0 s5, $0x11;
	s7 =	sadd.s32 @!p0 $0x11B8D, s7;
	_ =	swait.eq @!p0 [sflag:s6], $0x1  }
0xb8: {  	s5 =	sor.u32 @!p0 s5, s7;
	[sflag:s6] =	ssyncadd.s32 @!p0 $0xFFFFFFFF  }
0xb9: {  	s25 =	simm.s32 $0x1B8E;
	s24 =	sld [smem:$0x3FFE];
	[sflag:s5] =	ssyncadd.remote.s32 @!p0 $0x1  }
0xba: {  	s26 =	simm.s32 $execute0_lowered;
	[smem:$0x3FD2] =	sst s25  }
0xbb: {  	s6 =	sshll.u32 s26, $0x1;
	_ =	strace $0x8000004F;
	[dreg:$0x1] =	wrdreg $0xFFFFFFFF  }
0xbc: {  	s28 =	simm.s32 $_size_execute0_lowered;
	s4 =	sadd.s32 s4, s6;
	[dreg:$0x0] =	wrdreg $0x0  }
0xbd: {  	s6 =	sshll.u32 s28, $0x1;
	[dreg:$0x2] =	wrdreg s4  }
0xbe: {  	[dreg:$0x3] =	wrdreg s6  }
0xbf: {  	[dreg:$0x4] =	wrdreg $0xC0  }
0xc0: {  	_ =	task [dreg:s22], $0x5FFFF  }
0xc1: {  	[dreg:$0x1] =	wrdreg $0xFFFFFFFF  }
0xc2: {  	[dreg:$0x0] =	wrdreg $0x60  }
0xc3: {  	[dreg:$0x2] =	wrdreg s24  }
0xc4: {  	[dreg:$0x3] =	wrdreg s17  }
0xc5: {  	[dreg:$0x4] =	wrdreg $0x22000  }
0xc6: {  	[dreg:$0x5] =	wrdreg $0x9  }
0xc7: {  	_ =	task.clear_ibuf [dreg:s22], $0x6FFFF;
	_ =	strace $0x9000004F  }
0xc8: {  	s29 =	simm.s32 $0x9;
	_ =	strace $0x80000051  }
0xc9: {  	_ =	swait.ge [sflag:s29], $0x1  }
0xca: {  	[sflag:s29] =	ssyncadd.s32 $0xFFFFFFFF  }
0xcb: {  	_ =	strace $0x90000051  }
0xcc: {  	_ =	sfence  }
0xcd: {  	s30 =	sld [smem:$0x0];
	_ =	sdelay $0x2  }
0xce: {  	s31 =	sshll.u32 s1, $0xD;
	s1 =	sshrl.u32 s1, $0x2  }
0xcf: {  	s4 =	sand.u32 $0x4000, s31;
	s1 =	sadd.s32 s1, s30  }
0xd0: {  	s0 =	sor.u32 s4, s0;
	s1 =	sshll.u32 s1, $0x11  }
0xd1: {  	s0 =	sor.u32 s1, s0  }
0xd2: {  	s0 =	sadd.s32 $0x8F2B, s0  }
0xd3: {  	[sflag:s0] =	ssyncadd.remote.s32 $0x1  }
0xd4: {  	_ =	sfence.sel $0xFFFF  }
0xd5: {  	[dreg:$0x0] =	wrdreg $0xFFFFFFFF;
	(pc) =	sbr.abs _section_cstart, $3  }
0xd6: {  	[dreg:$0x1] =	wrdreg $0xFFFFFFFF  }
0xd7: {  	_ =	task.clear_ibuf [dreg:s22], $0x2FFFF;
	_ =	strace $0x9FFFFFFF  }
0xd8: {  	(tm) =	ssettm $0x7FFFFFFF  }
0xd9: {  	_ =	shalt  }
tec
execute0_lowered:
.L_overlay_start_1:
0x0: {  	(tag) =	ssettag $0x1  }
0x1: {  	s4 =	rddreg [dreg:$0x0]  }
0x2: {  	s9 =	rddreg [dreg:$0x1]  }
0x3: {  	s2 =	rddreg [dreg:$0x2]  }
0x4: {  	s0 =	rddreg [dreg:$0x3];
	s1 =	stileid.u32  }
0x5: {  	s5 =	srdreg.scid;
	s3 =	simm.s32 $0x0;
	s10 =	smul.u32 $0x7800, s1  }
0x6: {  	s12 =	sand.u32 $0x1, s5;
	[smem:$0x7FF] =	sst s3;
	s14 =	sadd.s32 $0x12A800, s4  }
0x7: {  	s23 =	sshll.u32 s1, $0x1;
	s5 =	ssub.s32 $0x2, s12;
	s20 =	smul.u32 $0x78000, s12  }
0x8: {  	_ =	strace $0x80000050;
	s24 =	sor.u32 s12, s23;
	s28 =	smul.u32 $0x3C00, s12  }
0x9: {  	s15 =	sadd.s32 s10, s4;
	s6 =	sshrl.u32 s5, $0x1;
	s4 =	sadd.s32 s10, s2  }
0xa: {  	s11 =	sadd.s32 $0x1800, s10;
	s13 =	sadd.s32 $0x3000, s10;
	s17 =	smul.u32 $0x140, s24  }
0xb: {  	s18 =	sadd.s32 $0x4800, s10;
	s19 =	sadd.s32 $0x6000, s10;
	s16 =	ssub.s32 s5, s6  }
0xc: {  	s5 =	sadd.s32 s11, s2;
	s6 =	sadd.s32 s13, s2;
	s7 =	sadd.s32 s18, s2  }
0xd: {  	s8 =	sadd.s32 s19, s2;
	s10 =	sadd.s32 s10, s20;
	s11 =	sadd.s32 s20, s11  }
0xe: {  	s13 =	sadd.s32 s20, s13;
	s25 =	sadd.s32 s20, s18;
	s26 =	sadd.s32 s20, s19  }
0xf: {  	s31 =	sadd.s32 s28, s15;
	s18 =	simm.s32 $0x1;
	s19 =	simm.s32 $0x80  }
0x10: {  	s20 =	simm.s32 $0x0;
	s9 =	sadd.s32 s9, s17;
	s10 =	sshrl.u32 s10, $0x3  }
0x11: {  	s11 =	sshrl.u32 s11, $0x3;
	s13 =	sshrl.u32 s13, $0x3;
	s29 =	sshrl.u32 s25, $0x3  }
0x12: {  	s30 =	sshrl.u32 s26, $0x3;
	s15 =	smax.u32 s16, $0x1;
	s16 =	sadd.s32 $0x2B800, s31  }
0x13: {  	s17 =	simm.s32 $0xA00;
	s10 =	sadd.s32 s14, s10;
	s11 =	sadd.s32 s14, s11  }
0x14: {  	v0 =	vimm.f32 $0.0e+00;
	s12 =	sadd.s32 s14, s13;
	s13 =	sadd.s32 s14, s29;
	s14 =	sadd.s32 s14, s30  }
.LBB2_1:
0x15: {  	s21 =	simm.s32 $0xC0;
	s22 =	simm.s32 $0x0  }
.LBB2_2:
0x16: {  	p0 =	sne.s32 s21, $0x5F40;
	[tilespmem:s22+$0xA20] =	vst v0;
	s23 =	smov.u32 s21;
	s21 =	sadd.s32 $0xC0, s21  }
.Ltmp0:
0x17: {  	[tilespmem:s22+$0xA00] =	vst v0;
	(pc) =	sbr.rel @p0 .LBB2_2-.Ltmp0, $2  }
0x18: {  	[tilespmem:s22+$0xA10] =	vst v0;
	_ =	sdelay $0x2  }
0x19: {  	s22 =	sshra.s32 s23, $0x2  }
0x1a: {  	[tilespmem:s22+$0xA20] =	vst v0  }
0x1b: {  	[tilespmem:s22+$0xA00] =	vst v0  }
0x1c: {  	[tilespmem:s22+$0xA10] =	vst v0  }
0x1d: {  	[spmem:s4] =	stream.linear.scatter [tilespmem:s17], [sflag:$0x1], $0x1800, $0x38;
	[tilespmem:$0x9A00] =	vst v63  }
0x1e: {  	_ =	swait.ge [sflag:s18], $0x1800  }
0x1f: {  	[sflag:s18] =	ssyncset.done $0x0  }
0x20: {  	[sflag:s18] =	ssyncadd.s32 $0xFFFFE800  }
0x21: {  	[spmem:s5] =	stream.linear.scatter [tilespmem:s17], [sflag:$0x1], $0x1800, $0x38;
	[tilespmem:$0x9A00] =	vst v63  }
0x22: {  	_ =	swait.ge [sflag:s18], $0x1800  }
0x23: {  	[sflag:s18] =	ssyncset.done $0x0  }
0x24: {  	[sflag:s18] =	ssyncadd.s32 $0xFFFFE800  }
0x25: {  	[spmem:s6] =	stream.linear.scatter [tilespmem:s17], [sflag:$0x1], $0x1800, $0x38;
	[tilespmem:$0x9A00] =	vst v63  }
0x26: {  	_ =	swait.ge [sflag:s18], $0x1800  }
0x27: {  	[sflag:s18] =	ssyncset.done $0x0  }
0x28: {  	[sflag:s18] =	ssyncadd.s32 $0xFFFFE800  }
0x29: {  	[spmem:s7] =	stream.linear.scatter [tilespmem:s17], [sflag:$0x1], $0x1800, $0x38;
	[tilespmem:$0x9A00] =	vst v63  }
0x2a: {  	_ =	swait.ge [sflag:s18], $0x1800  }
0x2b: {  	[sflag:s18] =	ssyncset.done $0x0  }
0x2c: {  	[sflag:s18] =	ssyncadd.s32 $0xFFFFE800  }
0x2d: {  	[spmem:s8] =	stream.linear.scatter [tilespmem:s17], [sflag:$0x1], $0x1800, $0x38;
	[tilespmem:$0x9A00] =	vst v63  }
0x2e: {  	_ =	swait.ge [sflag:s18], $0x1800  }
0x2f: {  	[sflag:s18] =	ssyncset.done $0x0  }
0x30: {  	[sflag:s18] =	ssyncadd.s32 $0xFFFFE800  }
0x31: {  	s21 =	simm.s32 $0x0;
	[bflag:$0x0] =	sbarrier.arrive $0xFFFF  }
0x32: {  	[tilespmem:s21], [sflag:$0x1] =	stream.linear.gather [hbm4b:s9+s21], $0xA00, $0x38;
	[tilespmem:$0x9A00] =	vst v63  }
0x33: {  	_ =	swait.ge [sflag:s18], $0xA00  }
0x34: {  	[sflag:s18] =	ssyncset.done $0x0  }
0x35: {  	[sflag:s18] =	ssyncadd.s32 $0xFFFFF600  }
0x36: {  	[tilespmem:s17], [sflag:$0x1] =	stream.linear.gather [hbm4b:s16+s3], $0x1800, $0x38;
	[tilespmem:$0x9A00] =	vst v63  }
0x37: {  	_ =	swait.ge [sflag:s18], $0x1800  }
0x38: {  	[sflag:s18] =	ssyncset.done $0x0  }
0x39: {  	s31 =	simm.s32 $0x0;
	[sflag:s18] =	ssyncadd.s32 $0xFFFFE800  }
0x3a: {  	[spmem:s2] =	stream.indirect.scatter.add.f32 [tilespmem:s17], [sflag:$0x1], $0x30, s31, s19, $0xb8;
	[tilespmem:$0x9A00] =	vst v63  }
0x3b: {  	_ =	swait.ge [sflag:s18], $0x1800  }
0x3c: {  	s22 =	smov.u32 s16;
	s21 =	simm.s32 $0x200;
	[sflag:s18] =	ssyncset.done $0x0  }
.LBB2_4:
0x3d: {  	p0 =	sne.s32 s21, $0x2600;
	[sflag:s18] =	ssyncadd.s32 $0xFFFFE800;
	s22 =	sadd.s32 $0x300, s22  }
0x3e: {  	[tilespmem:s17], [sflag:$0x1] =	stream.linear.gather [hbm4b:s22+s3], $0x1800, $0x38;
	[tilespmem:$0x9A00] =	vst v63  }
0x3f: {  	s23 =	smov.u32 s21;
	s21 =	sadd.s32 $0x200, s21;
	_ =	swait.ge [sflag:s18], $0x1800  }
.Ltmp1:
0x40: {  	[sflag:s18] =	ssyncset.done $0x0;
	(pc) =	sbr.rel @p0 .LBB2_4-.Ltmp1, $4  }
0x41: {  	s23 =	sshra.s32 s23, $0x2;
	[sflag:s18] =	ssyncadd.s32 $0xFFFFE800  }
0x42: {  	[spmem:s2] =	stream.indirect.scatter.add.f32 [tilespmem:s17], [sflag:$0x1], $0x30, s23, s19, $0xb8;
	[tilespmem:$0x9A00] =	vst v63  }
0x43: {  	_ =	swait.ge [sflag:s18], $0x1800  }
0x44: {  	[sflag:s18] =	ssyncset.done $0x0  }
0x45: {  	[sflag:s18] =	ssyncadd.s32 $0xFFFFE800  }
0x46: {  	[bflag:$0x0] =	sbarrier.arrive $0xFFFF  }
0x47: {  	[tilespmem:s17], [sflag:$0x1] =	stream.linear.gather [spmem:s4], $0x1800, $0x38;
	[tilespmem:$0x9A00] =	vst v63  }
0x48: {  	_ =	swait.ge [sflag:s18], $0x1800  }
0x49: {  	[sflag:s18] =	ssyncset.done $0x0  }
0x4a: {  	[sflag:s18] =	ssyncadd.s32 $0xFFFFE800  }
0x4b: {  	[hbm4b:s10+s3] =	stream.linear.scatter [tilespmem:s17], [sflag:$0x1], $0x1800, $0x38;
	[tilespmem:$0x9A00] =	vst v63  }
0x4c: {  	_ =	swait.ge [sflag:s18], $0x1800  }
0x4d: {  	[sflag:s18] =	ssyncset.done $0x0  }
0x4e: {  	[sflag:s18] =	ssyncadd.s32 $0xFFFFE800  }
0x4f: {  	[tilespmem:s17], [sflag:$0x1] =	stream.linear.gather [spmem:s5], $0x1800, $0x38;
	[tilespmem:$0x9A00] =	vst v63  }
0x50: {  	_ =	swait.ge [sflag:s18], $0x1800  }
0x51: {  	[sflag:s18] =	ssyncset.done $0x0  }
0x52: {  	[sflag:s18] =	ssyncadd.s32 $0xFFFFE800  }
0x53: {  	[hbm4b:s11+s3] =	stream.linear.scatter [tilespmem:s17], [sflag:$0x1], $0x1800, $0x38;
	[tilespmem:$0x9A00] =	vst v63  }
0x54: {  	_ =	swait.ge [sflag:s18], $0x1800  }
0x55: {  	[sflag:s18] =	ssyncset.done $0x0  }
0x56: {  	[sflag:s18] =	ssyncadd.s32 $0xFFFFE800  }
0x57: {  	[tilespmem:s17], [sflag:$0x1] =	stream.linear.gather [spmem:s6], $0x1800, $0x38;
	[tilespmem:$0x9A00] =	vst v63  }
0x58: {  	_ =	swait.ge [sflag:s18], $0x1800  }
0x59: {  	[sflag:s18] =	ssyncset.done $0x0  }
0x5a: {  	[sflag:s18] =	ssyncadd.s32 $0xFFFFE800  }
0x5b: {  	[hbm4b:s12+s3] =	stream.linear.scatter [tilespmem:s17], [sflag:$0x1], $0x1800, $0x38;
	[tilespmem:$0x9A00] =	vst v63  }
0x5c: {  	_ =	swait.ge [sflag:s18], $0x1800  }
0x5d: {  	[sflag:s18] =	ssyncset.done $0x0  }
0x5e: {  	[sflag:s18] =	ssyncadd.s32 $0xFFFFE800  }
0x5f: {  	[tilespmem:s17], [sflag:$0x1] =	stream.linear.gather [spmem:s7], $0x1800, $0x38;
	[tilespmem:$0x9A00] =	vst v63  }
0x60: {  	_ =	swait.ge [sflag:s18], $0x1800  }
0x61: {  	[sflag:s18] =	ssyncset.done $0x0  }
0x62: {  	[sflag:s18] =	ssyncadd.s32 $0xFFFFE800  }
0x63: {  	[hbm4b:s13+s3] =	stream.linear.scatter [tilespmem:s17], [sflag:$0x1], $0x1800, $0x38;
	[tilespmem:$0x9A00] =	vst v63  }
0x64: {  	_ =	swait.ge [sflag:s18], $0x1800  }
0x65: {  	[sflag:s18] =	ssyncset.done $0x0  }
0x66: {  	[sflag:s18] =	ssyncadd.s32 $0xFFFFE800  }
0x67: {  	[tilespmem:s17], [sflag:$0x1] =	stream.linear.gather [spmem:s8], $0x1800, $0x38;
	[tilespmem:$0x9A00] =	vst v63  }
0x68: {  	s20 =	sadd.s32 $0x1, s20;
	_ =	swait.ge [sflag:s18], $0x1800  }
0x69: {  	p0 =	sne.s32 s20, s15;
	[sflag:s18] =	ssyncset.done $0x0  }
.Ltmp2:
0x6a: {  	[sflag:s18] =	ssyncadd.s32 $0xFFFFE800;
	(pc) =	sbr.rel @p0 .LBB2_1-.Ltmp2, $4  }
0x6b: {  	[hbm4b:s14+s3] =	stream.linear.scatter [tilespmem:s17], [sflag:$0x1], $0x1800, $0x38;
	[tilespmem:$0x9A00] =	vst v63  }
0x6c: {  	_ =	swait.ge [sflag:s18], $0x1800  }
0x6d: {  	[sflag:s18] =	ssyncset.done $0x0  }
0x6e: {  	[sflag:s18] =	ssyncadd.s32 $0xFFFFE800  }
0x6f: {  	_ =	sfence.sel $0x180000  }
0x70: {  	[bflag:$0x0] =	sbarrier.arrive $0xFFFF  }
0x71: {  	p0 =	sne.s32 s1, $0x0;
	_ =	strace $0x90000050  }
0x72: {  	s0 =	sadd.s32 @!p0 $0x100000, s0;
	[bflag:$0x2] =	sbarrier.arrive $0xFFFF  }
0x73: {  	[sflag:s0] =	ssyncadd.tile.s32 @!p0 $0x1;
	_ =	shalt  }
.Lfunc_end2:
_tile_overlayer_lowered:
.L_overlay_start_2:
0x74: {  	(tag) =	ssettag $0x2  }
0x75: {  	s0 =	rddreg [dreg:$0x0];
	s2 =	stileid.u32  }
0x76: {  	s1 =	rddreg [dreg:$0x1];
	p0 =	sne.s32 s2, $0x0  }
0x77: {  	s3 =	rddreg [dreg:$0x2];
	[bflag:$0x3] =	sbarrier.arrive $0xFFFF;
	s2 =	simm.s32 @!p0 $0x1C01  }
0x78: {  	[timem:s3], [sflag:s2] =	dma.local @!p0 [hbm:s0], s1  }
0x79: {  	s0 =	simm.s32 @!p0 $0x1  }
0x7a: {  	_ =	swait.ge @!p0 [sflag:s0], s1  }
0x7b: {  	s1 =	ssub.s32 @!p0 $0x0, s1;
	[sflag:s0] =	ssyncset.done @!p0 $0x0  }
0x7c: {  	[sflag:s0] =	ssyncadd.s32 @!p0 s1  }
0x7d: {  	[bflag:$0x3] =	sbarrier.arrive $0xFFFF  }
0x7e: {  	_ =	shalt  }

// kernel: kernel.9.cloned.1.call-start
scs
__scs_entry_jumppad:
0x0: {  	(pc) =	sbr.rel $0x88, $3  }
0x1: {  	(tag) =	ssettag $0x0;
	lr =	simm.s32 $0x1  }
0x2: {  	[smem:$0x3F89] =	sst lr;
	_ =	strace $0xD0000000  }
0x3: {  	_ = 	snop  }
0x4: {  	_ = 	snop  }
0x5: {  	_ = 	snop  }
0x6: {  	_ = 	snop  }
0x7: {  	_ = 	snop  }
__scs_overlays_trampoline_lowered:
0x8: {  	[smem:$0x3F98] =	sst s0  }
0x9: {  	[smem:$0x3F99] =	sst s1  }
0xa: {  	[smem:$0x3F9A] =	sst s2  }
0xb: {  	[smem:$0x3F9B] =	sst s3  }
0xc: {  	[smem:$0x3F9C] =	sst s4  }
0xd: {  	[smem:$0x3F9D] =	sst s5  }
0xe: {  	[smem:$0x3F9E] =	sst s6  }
0xf: {  	[smem:$0x3F9F] =	sst s7  }
0x10: {  	[smem:$0x3FA0] =	sst s8  }
0x11: {  	[smem:$0x3FA1] =	sst s9;
	s0 =	simm.s32 @!p0 $0x0  }
0x12: {  	s1 =	sld [smem:$0x3F87];
	s0 =	simm.s32 @p0 $0x1  }
0x13: {  	[smem:$0x3FA2] =	sst s0;
	s0 =	simm.s32 @!p1 $0x0  }
0x14: {  	s2 =	sld [smem:$0x3F86];
	s0 =	simm.s32 @p1 $0x1  }
0x15: {  	[smem:$0x3FA3] =	sst s0;
	s0 =	simm.s32 @!p2 $0x0  }
0x16: {  	s3 =	sld [smem:$0x3FDB];
	s0 =	simm.s32 @p2 $0x1  }
0x17: {  	s4 =	simm.s32 $0x1BF5;
	[smem:$0x3FA5] =	sst s0  }
0x18: {  	s0 =	sld [smem:$0x3F88];
	_ =	swait.ge [sflag:s4], $0x0  }
0x19: {  	s7 =	sld [smem:$0x3F89]  }
0x1a: {  	s8 =	sadd.s32 $0xFFFFE003, lr  }
0x1b: {  	s9 =	sadd.s32 $0xFFFFFEF7, lr;
	s5 =	simm.s32 $0xFFFFFFFF;
	p2 =	slt.u32 s8, $0xFFFFF086  }
0x1c: {  	p1 =	slt.u32 s9, $0xF7A;
	s5 =	simm.s32 @!p2 $0x0  }
0x1d: {  	s5 =	simm.s32 @p1 $0x1;
	p0 =	seq.s32 s7, s2  }
0x1e: {  	s7 =	smul.u32 @!p0 $0xF7A, s2;
	p2 =	seq.s32 @!p0 s5, $0x0  }
0x1f: {  	s9 =	smul.u32 $0xF7A, s1;
	s8 =	simm.s32 @!p0 $0x1BF5;
	p2 =	por !p2, p0  }
0x20: {  	[sflag:s8] =	ssyncset.s32 @!p0 $0xFFFFF086;
	s6 =	sadd.s32 @!p0 s3, s7;
	s7 =	simm.s32 @!p0 $0x108  }
0x21: {  	s3 =	sadd.s32 s3, s9;
	s6 =	sadd.s32 @!p0 $0x88, s6;
	s7 =	simm.s32 @p2 $0x1082  }
0x22: {  	[simem:s7], [sflag:s8] =	dma.local @!p0 [hbm:s6], $0xF7A  }
0x23: {  	s9 =	sor.u32 $0xD0000000, s2;
	s6 =	simm.s32 $0x108;
	_ =	swait.ge @!p0 [sflag:s8], $0x0  }
0x24: {  	s3 =	sadd.s32 $0x88, s3;
	s6 =	simm.s32 @!p1 $0x1082;
	[sflag:s4] =	ssyncset.s32 $0xFFFFF086  }
0x25: {  	[simem:s6], [sflag:s4] =	dma.local [hbm:s3], $0xF7A  }
0x26: {  	[smem:$0x3F89] =	sst s1;
	(tag) =	ssettag s2;
	_ =	strace s9  }
0x27: {  	s1 =	sld [smem:$0x3F99]  }
0x28: {  	s2 =	sld [smem:$0x3F9A]  }
0x29: {  	s4 =	sld [smem:$0x3F9C]  }
0x2a: {  	p0 =	seq.s32 s5, $0x0;
	s5 =	sld [smem:$0x3F9D]  }
0x2b: {  	s6 =	sld [smem:$0x3F9E]  }
0x2c: {  	s7 =	sld [smem:$0x3F9F]  }
0x2d: {  	s3 =	simm.s32 $0x108;
	s8 =	sld [smem:$0x3FA0]  }
0x2e: {  	s3 =	simm.s32 @!p0 $0x1082;
	s9 =	sld [smem:$0x3FA1]  }
0x2f: {  	lr =	sadd.s32 s0, s3;
	s0 =	sld [smem:$0x3F98]  }
0x30: {  	s3 =	sld [smem:$0x3F9B]  }
0x31: {  	[smem:$0x3FA4] =	sst s10  }
0x32: {  	s10 =	sld [smem:$0x3FA2];
	_ =	sdelay $0x3  }
0x33: {  	p0 =	seq.s32 s10, $0x1;
	s10 =	sld [smem:$0x3FA4];
	_ =	sdelay $0x3  }
0x34: {  	[smem:$0x3FA4] =	sst s10  }
0x35: {  	s10 =	sld [smem:$0x3FA3];
	_ =	sdelay $0x3  }
0x36: {  	p1 =	seq.s32 s10, $0x1;
	s10 =	sld [smem:$0x3FA4];
	_ =	sdelay $0x3  }
0x37: {  	[smem:$0x3FA4] =	sst s10  }
0x38: {  	s10 =	sld [smem:$0x3FA5]  }
0x39: {  	_ = 	snop;
	(pc) =	sbr.ind lr, $3  }
0x3a: {  	_ = 	snop  }
0x3b: {  	_ = 	snop  }
0x3c: {  	p2 =	seq.s32 s10, $0x1;
	s10 =	sld [smem:$0x3FA4]  }
0x3d: {  	_ =	shalt  }
0x3e: {  	_ =	shalt  }
0x3f: {  	_ =	shalt  }
0x40: {  	_ =	shalt  }
0x41: {  	_ =	shalt  }
0x42: {  	_ =	shalt  }
0x43: {  	_ =	shalt  }
0x44: {  	_ =	shalt  }
0x45: {  	_ =	shalt  }
0x46: {  	_ =	shalt  }
0x47: {  	_ =	shalt  }
0x48: {  	_ =	shalt  }
0x49: {  	_ =	shalt  }
0x4a: {  	_ =	shalt  }
0x4b: {  	_ =	shalt  }
0x4c: {  	_ =	shalt  }
0x4d: {  	_ =	shalt  }
0x4e: {  	_ =	shalt  }
0x4f: {  	_ =	shalt  }
0x50: {  	_ =	shalt  }
0x51: {  	_ =	shalt  }
0x52: {  	_ =	shalt  }
0x53: {  	_ =	shalt  }
0x54: {  	_ =	shalt  }
0x55: {  	_ =	shalt  }
0x56: {  	_ =	shalt  }
0x57: {  	_ =	shalt  }
0x58: {  	_ =	shalt  }
0x59: {  	_ =	shalt  }
0x5a: {  	_ =	shalt  }
0x5b: {  	_ =	shalt  }
0x5c: {  	_ =	shalt  }
0x5d: {  	_ =	shalt  }
0x5e: {  	_ =	shalt  }
0x5f: {  	_ =	shalt  }
0x60: {  	_ =	shalt  }
0x61: {  	_ =	shalt  }
0x62: {  	_ =	shalt  }
0x63: {  	_ =	shalt  }
0x64: {  	_ =	shalt  }
0x65: {  	_ =	shalt  }
0x66: {  	_ =	shalt  }
0x67: {  	_ =	shalt  }
0x68: {  	_ =	shalt  }
0x69: {  	_ =	shalt  }
0x6a: {  	_ =	shalt  }
0x6b: {  	_ =	shalt  }
0x6c: {  	_ =	shalt  }
0x6d: {  	_ =	shalt  }
0x6e: {  	_ =	shalt  }
0x6f: {  	_ =	shalt  }
0x70: {  	_ =	shalt  }
0x71: {  	_ =	shalt  }
0x72: {  	_ =	shalt  }
0x73: {  	_ =	shalt  }
0x74: {  	_ =	shalt  }
0x75: {  	_ =	shalt  }
0x76: {  	_ =	shalt  }
0x77: {  	_ =	shalt  }
0x78: {  	_ =	shalt  }
0x79: {  	_ =	shalt  }
0x7a: {  	_ =	shalt  }
0x7b: {  	_ =	shalt  }
0x7c: {  	_ =	shalt  }
0x7d: {  	_ =	shalt  }
0x7e: {  	_ =	shalt  }
0x7f: {  	_ =	shalt  }
0x80: {  	_ =	shalt  }
0x81: {  	_ =	shalt  }
0x82: {  	_ =	shalt  }
0x83: {  	_ =	shalt  }
0x84: {  	_ =	shalt  }
0x85: {  	_ =	shalt  }
0x86: {  	_ =	shalt  }
0x87: {  	_ =	shalt  }
.Lfunc_end0:
.L_simem_size_0:
called_computation_lowered:
.L_overlay_start_0:
0x88: {  	s2 =	sld [smem:$0x3FD9]  }
0x89: {  	s3 =	sld [smem:$0x3FFE];
	_ =	sdelay $0x1  }
0x8a: {  	s1 =	srdreg.scid  }
0x8b: {  	s0 =	sand.u32 $0x1, s1  }
0x8c: {  	s16 =	sshll.u32 s0, $0xA;
	s2 =	sadd.s32 s3, s2  }
0x8d: {  	s2 =	sadd.s32 s2, s16  }
0x8e: {  	[smem:$0x3FB0] =	sst s2  }
0x8f: {  	_ = 	snop  }
0x90: {  	(tm) =	ssettm $0x1  }
0x91: {  	s17 =	sld [smem:$0x3FFB];
	_ =	sdelay $0x3  }
0x92: {  	_ =	strace s17  }
0x93: {  	s2 =	sld [smem:$0x3FFC];
	_ =	sdelay $0x3  }
0x94: {  	_ =	strace s2  }
0x95: {  	s2 =	sld [smem:$0x3FFD];
	_ =	sdelay $0x3  }
0x96: {  	_ =	strace s2  }
0x97: {  	_ =	strace $0x8FFFFFFF  }
0x98: {  	s18 =	sld [smem:$0x3FDB];
	_ =	sdelay $0x1  }
0x99: {  	s19 =	simm.s32 $_scs_section_size  }
0x9a: {  	s4 =	simm.s32 $_size__tile_overlayer_lowered;
	s5 =	simm.s32 $_tile_overlayer_lowered  }
0x9b: {  	s22 =	simm.s32 $0x1BFF;
	s21 =	sshll.u32 s5, $0x1;
	s2 =	sadd.s32 s19, s18  }
0x9c: {  	s6 =	simm.s32 $0x0;
	s20 =	sshll.u32 s4, $0x1;
	s4 =	sadd.s32 s21, s2  }
0x9d: {  	[timem:s6], [sflag:s22] =	dma.local [hbm:s4], s20  }
0x9e: {  	_ =	swait.ge [sflag:s22], s20  }
0x9f: {  	s3 =	ssub.s32 $0x0, s20;
	[sflag:s22] =	ssyncset.done $0x0  }
0xa0: {  	[sflag:s22] =	ssyncadd.s32 s3;
	_ =	sdelay $0x1  }
0xa1: {  	s23 =	simm.s32 $0x1B8B  }
0xa2: {  	_ =	swait.ge [sflag:s23], $0x1  }
0xa3: {  	[sflag:s23] =	ssyncset.done $0x0  }
0xa4: {  	s25 =	simm.s32 $0x1B8E;
	s24 =	sld [smem:$0x3FFE];
	[sflag:s23] =	ssyncadd.s32 $0xFFFFFFFF  }
0xa5: {  	s26 =	simm.s32 $execute0_lowered;
	[smem:$0x3FD2] =	sst s25  }
0xa6: {  	s4 =	sshll.u32 s26, $0x1;
	_ =	strace $0x80000046;
	[dreg:$0x1] =	wrdreg $0xFFFFFFFF  }
0xa7: {  	s28 =	simm.s32 $_size_execute0_lowered;
	s2 =	sadd.s32 s2, s4;
	[dreg:$0x0] =	wrdreg $0x0  }
0xa8: {  	s4 =	sshll.u32 s28, $0x1;
	[dreg:$0x2] =	wrdreg s2  }
0xa9: {  	[dreg:$0x3] =	wrdreg s4  }
0xaa: {  	[dreg:$0x4] =	wrdreg $0xC0  }
0xab: {  	_ =	task [dreg:s6], $0x5FFFF  }
0xac: {  	[dreg:$0x1] =	wrdreg $0xFFFFFFFF  }
0xad: {  	[dreg:$0x0] =	wrdreg $0x60  }
0xae: {  	[dreg:$0x2] =	wrdreg s24  }
0xaf: {  	[dreg:$0x3] =	wrdreg $0xA  }
0xb0: {  	_ =	task.clear_ibuf [dreg:s6], $0x4FFFF;
	_ =	strace $0x90000046  }
0xb1: {  	s29 =	simm.s32 $0xA;
	_ =	strace $0x80000048  }
0xb2: {  	_ =	swait.ge [sflag:s29], $0x1  }
0xb3: {  	[sflag:s29] =	ssyncadd.s32 $0xFFFFFFFF  }
0xb4: {  	_ =	strace $0x90000048  }
0xb5: {  	_ =	sfence  }
0xb6: {  	s30 =	sld [smem:$0x0];
	_ =	sdelay $0x2  }
0xb7: {  	s31 =	sshll.u32 s1, $0xD;
	s1 =	sshrl.u32 s1, $0x2  }
0xb8: {  	s3 =	sand.u32 $0x4000, s31;
	s1 =	sadd.s32 s1, s30  }
0xb9: {  	s0 =	sor.u32 s3, s0;
	s1 =	sshll.u32 s1, $0x11  }
0xba: {  	s0 =	sor.u32 s1, s0  }
0xbb: {  	s0 =	sadd.s32 $0x8F2B, s0  }
0xbc: {  	[sflag:s0] =	ssyncadd.remote.s32 $0x1  }
0xbd: {  	_ =	sfence.sel $0xFFFF  }
0xbe: {  	[dreg:$0x0] =	wrdreg $0xFFFFFFFF;
	(pc) =	sbr.abs _section_cstart, $3  }
0xbf: {  	[dreg:$0x1] =	wrdreg $0xFFFFFFFF  }
0xc0: {  	_ =	task.clear_ibuf [dreg:s6], $0x2FFFF;
	_ =	strace $0x9FFFFFFF  }
0xc1: {  	(tm) =	ssettm $0x7FFFFFFF  }
tec
execute0_lowered:
.L_overlay_start_1:
0x0: {  	(tag) =	ssettag $0x1  }
0x1: {  	s4 =	rddreg [dreg:$0x0]  }
0x2: {  	s0 =	rddreg [dreg:$0x1]  }
0x3: {  	s3 =	srdreg.scid;
	s1 =	stileid.u32;
	s2 =	simm.s32 $0x0  }
0x4: {  	s11 =	simm.s32 $0x0;
	s5 =	sand.u32 $0x1, s3;
	s28 =	sshll.u32 s1, $0x1  }
0x5: {  	[smem:$0x7FF] =	sst s2;
	s7 =	smul.u32 $0x5000, s1;
	s3 =	sor.u32 s5, s28  }
0x6: {  	_ =	strace $0x80000047;
	s8 =	ssub.s32 $0x2, s5;
	s10 =	smul.u32 $0x2800, s5  }
0x7: {  	s6 =	smul.u32 $0xA00, s3;
	s3 =	sadd.s32 $0x3A00, s4;
	s9 =	sshrl.u32 s8, $0x1  }
0x8: {  	s30 =	sadd.s32 s7, s4;
	s7 =	simm.s32 $0x2;
	s31 =	ssub.s32 s8, s9  }
0x9: {  	s8 =	simm.s32 $0x80;
	s9 =	simm.s32 $0xA00;
	s6 =	sshrl.u32 s6, $0x3  }
0xa: {  	s5 =	smax.u32 s31, $0x1;
	s29 =	sadd.s32 s6, s4;
	s6 =	sadd.s32 s10, s30  }
0xb: {  	s10 =	simm.s32 $0x1;
	s4 =	sadd.s32 $0xD800, s29;
	s6 =	sadd.s32 $0x10000, s6  }
.LBB2_1:
0xc: {  	[tilespmem:s2], [sflag:$0x2] =	stream.linear.gather [hbm4b:s4+s2], $0xA00, $0x38;
	[tilespmem:$0x1A00] =	vst v63  }
0xd: {  	_ =	swait.ge [sflag:s7], $0xA00  }
0xe: {  	[sflag:s7] =	ssyncset.done $0x0  }
0xf: {  	s12 =	simm.s32 $0x0;
	[sflag:s7] =	ssyncadd.s32 $0xFFFFF600  }
0x10: {  	[tilespmem:s9], [sflag:$0x1] =	stream.indirect.gather [hbm4b:s3+s8], $0x20, s12, s8, $0xb8;
	[tilespmem:$0x1A00] =	vst v63  }
0x11: {  	_ =	swait.ge [sflag:s10], $0x1000  }
0x12: {  	[sflag:s10] =	ssyncset.done $0x0  }
0x13: {  	s31 =	sadd.s32 $0x0, s6;
	[sflag:s10] =	ssyncadd.s32 $0xFFFFF000  }
0x14: {  	[hbm4b:s31+s2] =	stream.linear.scatter [tilespmem:s9], [sflag:$0x2], $0x1000, $0x38;
	[tilespmem:$0x1A00] =	vst v63  }
0x15: {  	_ =	swait.ge [sflag:s7], $0x1000  }
0x16: {  	s13 =	simm.s32 $0x400;
	s12 =	simm.s32 $0x200;
	[sflag:s7] =	ssyncset.done $0x0  }
.LBB2_2:
0x17: {  	s14 =	sshra.s32 s12, $0x2  }
0x18: {  	[sflag:s7] =	ssyncadd.s32 $0xFFFFF000;
	s15 =	smov.u32 s13;
	s16 =	sadd.s32 $0x200, s13  }
0x19: {  	[tilespmem:s9], [sflag:$0x1] =	stream.indirect.gather [hbm4b:s3+s8], $0x20, s14, s8, $0xb8;
	[tilespmem:$0x1A00] =	vst v63  }
0x1a: {  	p0 =	sne.s32 s13, $0x2600;
	_ =	swait.ge [sflag:s10], $0x1000  }
.Ltmp0:
0x1b: {  	[sflag:s10] =	ssyncset.done $0x0;
	(pc) =	sbr.rel @p0 .LBB2_2-.Ltmp0, $4  }
0x1c: {  	s13 =	sadd.s32 s12, s6;
	s12 =	smov.u32 s15;
	[sflag:s10] =	ssyncadd.s32 $0xFFFFF000  }
0x1d: {  	[hbm4b:s13+s2] =	stream.linear.scatter [tilespmem:s9], [sflag:$0x2], $0x1000, $0x38;
	[tilespmem:$0x1A00] =	vst v63  }
0x1e: {  	_ =	swait.ge [sflag:s7], $0x1000  }
0x1f: {  	s13 =	smov.u32 s16;
	[sflag:s7] =	ssyncset.done $0x0  }
0x20: {  	s13 =	sshra.s32 s12, $0x2;
	[sflag:s7] =	ssyncadd.s32 $0xFFFFF000  }
0x21: {  	[tilespmem:s9], [sflag:$0x1] =	stream.indirect.gather [hbm4b:s3+s8], $0x20, s13, s8, $0xb8;
	[tilespmem:$0x1A00] =	vst v63  }
0x22: {  	s11 =	sadd.s32 $0x1, s11;
	_ =	swait.ge [sflag:s10], $0x1000  }
0x23: {  	p0 =	sne.s32 s11, s5;
	[sflag:s10] =	ssyncset.done $0x0  }
.Ltmp1:
0x24: {  	s31 =	sadd.s32 s12, s6;
	[sflag:s10] =	ssyncadd.s32 $0xFFFFF000;
	(pc) =	sbr.rel @p0 .LBB2_1-.Ltmp1, $4  }
0x25: {  	[hbm4b:s31+s2] =	stream.linear.scatter [tilespmem:s9], [sflag:$0x2], $0x1000, $0x38;
	[tilespmem:$0x1A00] =	vst v63  }
0x26: {  	_ =	swait.ge [sflag:s7], $0x1000  }
0x27: {  	[sflag:s7] =	ssyncset.done $0x0  }
0x28: {  	[sflag:s7] =	ssyncadd.s32 $0xFFFFF000  }
0x29: {  	_ =	sfence.sel $0x180000  }
0x2a: {  	[bflag:$0x0] =	sbarrier.arrive $0xFFFF  }
0x2b: {  	p0 =	sne.s32 s1, $0x0;
	_ =	strace $0x90000047  }
0x2c: {  	s0 =	sadd.s32 @!p0 $0x100000, s0;
	[bflag:$0x2] =	sbarrier.arrive $0xFFFF  }
0x2d: {  	[sflag:s0] =	ssyncadd.tile.s32 @!p0 $0x1;
	_ =	shalt  }
.Lfunc_end2:
_tile_overlayer_lowered:
.L_overlay_start_2:
0x2e: {  	(tag) =	ssettag $0x2  }
0x2f: {  	s0 =	rddreg [dreg:$0x0];
	s2 =	stileid.u32  }
0x30: {  	s1 =	rddreg [dreg:$0x1];
	p0 =	sne.s32 s2, $0x0  }
0x31: {  	s3 =	rddreg [dreg:$0x2];
	[bflag:$0x3] =	sbarrier.arrive $0xFFFF;
	s2 =	simm.s32 @!p0 $0x1C02  }
0x32: {  	[timem:s3], [sflag:s2] =	dma.local @!p0 [hbm:s0], s1  }
0x33: {  	s0 =	simm.s32 @!p0 $0x2  }
0x34: {  	_ =	swait.ge @!p0 [sflag:s0], s1  }
0x35: {  	s1 =	ssub.s32 @!p0 $0x0, s1;
	[sflag:s0] =	ssyncset.done @!p0 $0x0  }
0x36: {  	[sflag:s0] =	ssyncadd.s32 @!p0 s1  }
0x37: {  	[bflag:$0x3] =	sbarrier.arrive $0xFFFF  }
0x38: {  	_ =	shalt  }

</sc_bundles>
